<compile_context>
chip_gen: v7x
topology: tpu7x:2x2x1
jax: 0.10.2.dev20260603
libtpu: 0.0.44.dev20260713+nightly
codegen_flags: <defaults>
</compile_context>

<pallas_src>
import functools

import jax
import jax.numpy as jnp
from jax import lax
from jax.experimental import pallas as pl
from jax.experimental.pallas import tpu as pltpu
from jax.experimental.pallas import tpu_sc as plsc

N_NODES = 10000
N_EDGES = 320000
N_FEATURES = 128
N_HIDDEN = 64
N_CLASSES = 16
K = 10
ALPHA = 0.1

NC = 2
NS = 16
LANES = 16
C = 128
NBUF = 8
NCHUNK = 80
NGRP = NCHUNK // NBUF
EPT = NCHUNK * C
E_PAD = EPT * NS * NC
NP = 10240
HALF = NP // 2
RPW = NP // (NC * NS)
ZR = NP // NS
NPOLL = 64


def _mlp_body(x_ref, w1t_ref, w2t_ref, h_ref):
    h = jnp.maximum(jnp.dot(x_ref[...], w1t_ref[...],
                            preferred_element_type=jnp.float32), 0.0)
    h_ref[...] = jnp.dot(h, w2t_ref[...], preferred_element_type=jnp.float32)


def _mlp(xp, w1t, w2t):
    blk = NP // 4
    return pl.pallas_call(
        _mlp_body,
        grid=(4,),
        in_specs=[
            pl.BlockSpec((blk, N_FEATURES), lambda i: (i, 0)),
            pl.BlockSpec((N_FEATURES, N_HIDDEN), lambda i: (0, 0)),
            pl.BlockSpec((N_HIDDEN, N_CLASSES), lambda i: (0, 0)),
        ],
        out_specs=pl.BlockSpec((blk, N_CLASSES), lambda i: (i, 0)),
        out_shape=jax.ShapeDtypeStruct((NP, N_CLASSES), jnp.float32),
    )(xp, w1t, w2t)


_MESH = plsc.VectorSubcoreMesh(
    core_axis_name="c", subcore_axis_name="s", num_cores=NC)


@functools.partial(
    pl.kernel,
    out_type=(
        jax.ShapeDtypeStruct((NP, LANES), jnp.float32),
        jax.ShapeDtypeStruct((NC, HALF, LANES), jnp.float32),
        jax.ShapeDtypeStruct((NP, LANES), jnp.float32),
        jax.ShapeDtypeStruct((NC, 16), jnp.int32),
    ),
    mesh=_MESH,
    compiler_params=pltpu.CompilerParams(use_tc_tiling_on_sc=False),
    scratch_types=[
        pltpu.VMEM_SHARED((NP, LANES), jnp.float32),
        pltpu.VMEM_SHARED((NP, LANES), jnp.float32),
        pltpu.VMEM((NCHUNK, C), jnp.int32),
        pltpu.VMEM((NCHUNK, C), jnp.int32),
        pltpu.VMEM((RPW, LANES), jnp.float32),
        pltpu.VMEM((RPW, LANES), jnp.float32),
        pltpu.VMEM((RPW, LANES), jnp.float32),
        pltpu.VMEM((RPW, LANES), jnp.float32),
        pltpu.VMEM((RPW, LANES), jnp.float32),
        pltpu.VMEM((ZR, LANES), jnp.float32),
        pltpu.VMEM((NBUF, C, LANES), jnp.float32),
        pltpu.VMEM((16,), jnp.int32),
        pltpu.VMEM((16,), jnp.int32),
        pltpu.SMEM((16,), jnp.int32),
        pltpu.SemaphoreType.DMA((NBUF,)),
        pltpu.SemaphoreType.DMA((NBUF,)),
    ],
)
def _appnp_sc(src_hbm, dst_hbm, h_hbm, out_hbm, xacc, xu, flags,
              u_sh, acc_sh, srcix, dstix, u_buf, c1_buf, c2_buf, t_buf,
              x_buf, z_buf, gbufs, fv, fr, fs, gsems, ssems):
    t = lax.axis_index("s")
    cix = lax.axis_index("c")
    ocix = 1 - cix
    ones16 = jnp.full((16,), 1, jnp.int32)
    gb = pl.multiple_of(cix * HALF + t * RPW, 8)
    ob = pl.multiple_of(ocix * HALF + t * RPW, 8)

    @pl.when(t == 0)
    def _():
        fv[...] = ones16 * 0
        pltpu.sync_copy(fv, flags.at[cix])

    def xsync(seq):
        plsc.subcore_barrier()

        @pl.when(t == 0)
        def _():
            fv[...] = ones16 * seq
            pltpu.sync_copy(fv, flags.at[cix])

        def poll(i, done):
            @pl.when(done == 0)
            def _():
                pltpu.sync_copy(flags.at[ocix], fr)
            return jnp.where(fr[...][0] >= seq, jnp.int32(1), done)

        fr[...] = ones16 * jnp.int32(-1)
        lax.fori_loop(0, NPOLL, poll, jnp.int32(0))
        plsc.subcore_barrier()

    pltpu.sync_copy(src_hbm.at[cix, t], srcix)
    pltpu.sync_copy(dst_hbm.at[cix, t], dstix)

    def zfill(j, _):
        z_buf[j] = jnp.zeros((LANES,), jnp.float32)
        return 0
    lax.fori_loop(0, ZR, zfill, 0)

    def onesfill(j, _):
        gbufs[0, j] = jnp.full((LANES,), 1.0, jnp.float32)
        return 0
    lax.fori_loop(0, C, onesfill, 0)

    zb = pl.multiple_of(t * ZR, 8)
    pltpu.sync_copy(z_buf, u_sh.at[pl.ds(zb, ZR)])
    pltpu.sync_copy(z_buf, acc_sh.at[pl.ds(zb, ZR)])
    plsc.subcore_barrier()

    def deg_group(jo, _c):
        j0 = jo * NBUF
        for b in range(NBUF):
            pltpu.async_copy(gbufs.at[0], acc_sh.at[dstix.at[j0 + b]],
                             ssems.at[b], add=True)
        for b in range(NBUF):
            pltpu.make_async_copy(gbufs.at[0], acc_sh.at[dstix.at[j0 + b]],
                                  ssems.at[b]).wait()
        return 0
    lax.fori_loop(0, NGRP, deg_group, 0)
    plsc.subcore_barrier()

    pltpu.sync_copy(acc_sh.at[pl.ds(ob, RPW)], xacc.at[cix, pl.ds(t * RPW, RPW)])
    xsync(1)
    pltpu.sync_copy(acc_sh.at[pl.ds(gb, RPW)], t_buf)
    pltpu.sync_copy(xacc.at[ocix, pl.ds(t * RPW, RPW)], x_buf)
    pltpu.sync_copy(h_hbm.at[pl.ds(gb, RPW)], c2_buf)

    def rsqrt(v):
        i = lax.bitcast_convert_type(v, jnp.int32)
        i = jnp.int32(0x5F3759DF) - lax.shift_right_logical(i, 1)
        y = lax.bitcast_convert_type(i, jnp.float32)
        half = 0.5 * v
        y = y * (1.5 - half * y * y)
        y = y * (1.5 - half * y * y)
        y = y * (1.5 - half * y * y)
        y = y * (1.5 - half * y * y)
        return y

    def init_body(j, _):
        y = rsqrt(t_buf[j] + x_buf[j] + 1.0)
        u0 = y * c2_buf[j]
        u_buf[j] = u0
        c2_buf[j] = ALPHA * u0
        c1_buf[j] = (1.0 - ALPHA) * y * y
        return 0
    lax.fori_loop(0, RPW, init_body, 0)

    plsc.subcore_barrier()
    pltpu.sync_copy(z_buf, acc_sh.at[pl.ds(zb, ZR)])
    pltpu.sync_copy(u_buf, u_sh.at[pl.ds(gb, RPW)])
    pltpu.sync_copy(u_buf, xu.at[pl.ds(gb, RPW)])
    xsync(2)
    pltpu.sync_copy(xu.at[pl.ds(ob, RPW)], u_sh.at[pl.ds(ob, RPW)])
    plsc.subcore_barrier()

    def step(k, carry):
        for b in range(NBUF):
            pltpu.async_copy(u_sh.at[srcix.at[b]], gbufs.at[b], gsems.at[b])

        def edge_group(jo, _c):
            j0 = jo * NBUF
            for b in range(NBUF):
                j = j0 + b
                pltpu.make_async_copy(u_sh.at[srcix.at[j]], gbufs.at[b],
                                      gsems.at[b]).wait()
                pltpu.async_copy(gbufs.at[b], acc_sh.at[dstix.at[j]],
                                 ssems.at[b], add=True)
            for b in range(NBUF):
                j = j0 + b
                pltpu.make_async_copy(gbufs.at[b], acc_sh.at[dstix.at[j]],
                                      ssems.at[b]).wait()

                @pl.when(j + NBUF < NCHUNK)
                def _():
                    pltpu.async_copy(u_sh.at[srcix.at[j + NBUF]],
                                     gbufs.at[b], gsems.at[b])
            return 0
        lax.fori_loop(0, NGRP, edge_group, 0)
        plsc.subcore_barrier()

        pltpu.sync_copy(acc_sh.at[pl.ds(ob, RPW)],
                        xacc.at[cix, pl.ds(t * RPW, RPW)])
        xsync(3 + 2 * k)
        pltpu.sync_copy(acc_sh.at[pl.ds(gb, RPW)], t_buf)
        pltpu.sync_copy(xacc.at[ocix, pl.ds(t * RPW, RPW)], x_buf)

        def comb(j, _c):
            u_buf[j] = c1_buf[j] * (t_buf[j] + x_buf[j] + u_buf[j]) + c2_buf[j]
            return 0
        lax.fori_loop(0, RPW, comb, 0)

        plsc.subcore_barrier()
        pltpu.sync_copy(z_buf, acc_sh.at[pl.ds(zb, ZR)])
        pltpu.sync_copy(u_buf, u_sh.at[pl.ds(gb, RPW)])
        pltpu.sync_copy(u_buf, xu.at[pl.ds(gb, RPW)])
        xsync(4 + 2 * k)
        pltpu.sync_copy(xu.at[pl.ds(ob, RPW)], u_sh.at[pl.ds(ob, RPW)])
        plsc.subcore_barrier()
        return carry
    lax.fori_loop(0, K, step, 0)

    def fin(j, _c):
        t_buf[j] = u_buf[j] * rsqrt(c1_buf[j] * (1.0 / (1.0 - ALPHA)))
        return 0
    lax.fori_loop(0, RPW, fin, 0)
    pltpu.sync_copy(t_buf, out_hbm.at[pl.ds(gb, RPW)])


def kernel(x, edge_index, W1, W2):
    src = edge_index[0].astype(jnp.int32)
    dst = edge_index[1].astype(jnp.int32)
    pad = E_PAD - N_EDGES
    pad_idx = N_NODES + (jnp.arange(pad, dtype=jnp.int32) % 16)
    srcp = jnp.concatenate([src, pad_idx]).reshape(NC, NS, NCHUNK, C)
    dstp = jnp.concatenate([dst, pad_idx]).reshape(NC, NS, NCHUNK, C)

    xp = jnp.pad(x, ((0, NP - N_NODES), (0, 0)))
    h = _mlp(xp, W1.T, W2.T)
    z, _, _, _ = _appnp_sc(srcp, dstp, h)
    return z[:N_NODES]

# --- scband reference (transcript-rebuilt; emitter-appended) ---
"""Pipeline reference for scband-appnpnet-68865505624227 (READ-ONLY COPY).

The authoritative reference and input builder live on the scoring server;
editing this copy changes nothing except your own understanding.
"""

import jax, jax.numpy as jnp
import numpy as np

N_NODES = 10000
N_EDGES = 320000
N_FEATURES = 128
N_HIDDEN = 64
N_CLASSES = 16
K = 10
ALPHA = 0.1


def setup_inputs(seed: int = 0) -> dict:
    key = jax.random.key(seed)
    k1, k2, k3, k4 = jax.random.split(key, 4)
    x = jax.random.normal(k1, (N_NODES, N_FEATURES), dtype=jnp.float32)
    edge_index = jax.random.randint(k2, (2, N_EDGES), 0, N_NODES, dtype=jnp.int64)
    # Linear weights (torch convention: [out_features, in_features]), bias=False
    W1 = jax.random.normal(k3, (N_HIDDEN, N_FEATURES), dtype=jnp.float32) * (1.0 / np.sqrt(N_FEATURES))
    W2 = jax.random.normal(k4, (N_CLASSES, N_HIDDEN), dtype=jnp.float32) * (1.0 / np.sqrt(N_HIDDEN))
    return {"x": x, "edge_index": edge_index, "W1": W1, "W2": W2}


def _gcn_norm(edge_index, num_nodes):
    # add self loops
    loop = jnp.arange(num_nodes, dtype=edge_index.dtype)
    src = jnp.concatenate([edge_index[0], loop])
    dst = jnp.concatenate([edge_index[1], loop])
    ones = jnp.ones(src.shape[0], dtype=jnp.float32)
    deg = jax.ops.segment_sum(ones, dst, num_segments=num_nodes)
    deg_inv_sqrt = jnp.where(deg > 0, 1.0 / jnp.sqrt(deg), 0.0)
    norm = deg_inv_sqrt[src] * deg_inv_sqrt[dst]
    return src, dst, norm


def reference(x, edge_index, W1, W2):
    # lin1 + relu
    h = jnp.maximum(x @ W1.T, 0.0)
    # dropout: identity in eval mode
    h = h @ W2.T
    num_nodes = x.shape[0]
    src, dst, norm = _gcn_norm(edge_index, num_nodes)
    # APPNP propagation: z_{k+1} = (1-alpha) * A_hat z_k + alpha * h
    z = h
    for _ in range(K):
        msg = norm[:, None] * z[src]
        z = jax.ops.segment_sum(msg, dst, num_segments=num_nodes)
        z = (1.0 - ALPHA) * z + ALPHA * h
    return z

if __name__ == "__main__":
    import jax
    _d = setup_inputs()
    print(jax.jit(kernel)(*tuple(_d.values())))

</pallas_src>

<mosaic_0001>
#map = affine_map<(d0, d1) -> (0, 0, 0, 0)>
#map1 = affine_map<(d0, d1) -> (0, 0)>
#map2 = affine_map<(d0, d1) -> (0, 0, 0)>
module attributes {stable_mosaic.version = 14 : i64} {
  func.func @_appnp_sc(%arg0: i32, %arg1: i32, %arg2: memref<2x16x80x128xi32, #tpu.memory_space<hbm>>, %arg3: memref<2x16x80x128xi32, #tpu.memory_space<hbm>>, %arg4: memref<10240x16xf32, #tpu.memory_space<hbm>>, %arg5: memref<10240x16xf32, #tpu.memory_space<hbm>>, %arg6: memref<2x5120x16xf32, #tpu.memory_space<hbm>>, %arg7: memref<10240x16xf32, #tpu.memory_space<hbm>>, %arg8: memref<2x16xi32, #tpu.memory_space<hbm>>, %arg9: memref<10240x16xf32, #tpu.memory_space<vmem_shared>>, %arg10: memref<10240x16xf32, #tpu.memory_space<vmem_shared>>, %arg11: memref<80x128xi32, #tpu.memory_space<vmem>>, %arg12: memref<80x128xi32, #tpu.memory_space<vmem>>, %arg13: memref<320x16xf32, #tpu.memory_space<vmem>>, %arg14: memref<320x16xf32, #tpu.memory_space<vmem>>, %arg15: memref<320x16xf32, #tpu.memory_space<vmem>>, %arg16: memref<320x16xf32, #tpu.memory_space<vmem>>, %arg17: memref<320x16xf32, #tpu.memory_space<vmem>>, %arg18: memref<640x16xf32, #tpu.memory_space<vmem>>, %arg19: memref<8x128x16xf32, #tpu.memory_space<vmem>>, %arg20: memref<16xi32, #tpu.memory_space<vmem>>, %arg21: memref<16xi32, #tpu.memory_space<vmem>>, %arg22: memref<16xi32, #tpu.memory_space<smem>>, %arg23: memref<8x!tpu.dma_semaphore, #tpu.memory_space<semaphore_mem>>, %arg24: memref<8x!tpu.dma_semaphore, #tpu.memory_space<semaphore_mem>>) attributes {dimension_semantics = [#tpu.dimension_semantics<core_parallel>, #tpu.dimension_semantics<subcore_parallel>], iteration_bounds = array<i64: 2, 16>, scalar_prefetch = 0 : i64, scratch_operands = 16 : i64, tpu.core_type = #tpu.core_type<sc_vector_subcore>, window_params = [{transform_indices = #map}, {transform_indices = #map}, {transform_indices = #map1}, {transform_indices = #map1}, {transform_indices = #map2}, {transform_indices = #map1}, {transform_indices = #map1}]} {
    %sub3A = arith.constant 1 : i32
    %sub3A_0 = arith.subi %sub3A, %arg0 : i32
    %broadcast_in_dim3A = arith.constant 1 : i32
    %broadcast_in_dim3A_1 = vector.broadcast %broadcast_in_dim3A : i32 to vector<16xi32>
    %mul3A = arith.constant 5120 : i32
    %mul3A_2 = arith.muli %arg0, %mul3A : i32
    %mul3A_3 = arith.constant 320 : i32
    %mul3A_4 = arith.muli %arg1, %mul3A_3 : i32
    %add3A = arith.addi %mul3A_2, %mul3A_4 : i32
    %multiple_of3A = tpu.assume_multiple %add3A, 8 : i32
    %mul3A_5 = arith.constant 5120 : i32
    %mul3A_6 = arith.muli %sub3A_0, %mul3A_5 : i32
    %mul3A_7 = arith.constant 320 : i32
    %mul3A_8 = arith.muli %arg1, %mul3A_7 : i32
    %add3A_9 = arith.addi %mul3A_6, %mul3A_8 : i32
    %multiple_of3A_10 = tpu.assume_multiple %add3A_9, 8 : i32
    %eq3A = arith.constant 0 : i32
    %eq3A_11 = arith.cmpi eq, %arg1, %eq3A : i32
    %convert_element_type3A = arith.extui %eq3A_11 : i1 to i32
    %cond3A = arith.constant 0 : i32
    %cond3A_12 = arith.cmpi ne, %convert_element_type3A, %cond3A : i32
    scf.if %cond3A_12 {
      %mul3A_104 = arith.constant 0 : i32
      %mul3A_105 = vector.broadcast %mul3A_104 : i32 to vector<16xi32>
      %mul3A_106 = arith.muli %broadcast_in_dim3A_1, %mul3A_105 : vector<16xi32>
      %swap3A_107 = arith.constant 0 : index
      %swap3A_108 = tpu.vector_load %arg20[%swap3A_107] {strides = array<i32>} : memref<16xi32, #tpu.memory_space<vmem>>, vector<16xi32>,
      %swap3A_109 = vector.shape_cast %swap3A_108 : vector<16xi32> to vector<16xi32>
      %swap3A_110 = vector.shape_cast %mul3A_106 : vector<16xi32> to vector<16xi32>
      tpu.vector_store %arg20[%swap3A_107], %swap3A_110 {strides = array<i32>} : memref<16xi32, #tpu.memory_space<vmem>>, vector<16xi32>,
      "tpu.region"() ({
        %run_scoped3A = tpu.sem_alloc : memref<!tpu.dma_semaphore, #tpu.memory_space<semaphore_mem>>
        %dma_start3A = arith.constant 0 : i32
        %dma_start3A_111 = tpu.memref_slice %arg8[%arg0, %dma_start3A] : memref<2x16xi32, #tpu.memory_space<hbm>> -> memref<1x16xi32, #tpu.memory_space<hbm>>
        %dma_start3A_112 = tpu.memref_squeeze %dma_start3A_111 : memref<1x16xi32, #tpu.memory_space<hbm>> -> memref<16xi32, #tpu.memory_space<hbm>>
        %dma_start3A_113 = arith.constant 0 : i32
        %dma_start3A_114 = tpu.memref_slice %arg8[%arg0, %dma_start3A_113] : memref<2x16xi32, #tpu.memory_space<hbm>> -> memref<1x16xi32, #tpu.memory_space<hbm>>
        %dma_start3A_115 = tpu.memref_squeeze %dma_start3A_114 : memref<1x16xi32, #tpu.memory_space<hbm>> -> memref<16xi32, #tpu.memory_space<hbm>>
        tpu.enqueue_dma source(%arg20 : memref<16xi32, #tpu.memory_space<vmem>>) target(%dma_start3A_115 : memref<16xi32, #tpu.memory_space<hbm>>) target_semaphore(%run_scoped3A : memref<!tpu.dma_semaphore, #tpu.memory_space<semaphore_mem>>)
        %dma_wait3A = arith.constant 0 : i32
        %dma_wait3A_116 = tpu.memref_slice %arg8[%arg0, %dma_wait3A] : memref<2x16xi32, #tpu.memory_space<hbm>> -> memref<1x16xi32, #tpu.memory_space<hbm>>
        %dma_wait3A_117 = tpu.memref_squeeze %dma_wait3A_116 : memref<1x16xi32, #tpu.memory_space<hbm>> -> memref<16xi32, #tpu.memory_space<hbm>>
        %dma_wait3A_118 = arith.constant 0 : i32
        %dma_wait3A_119 = tpu.memref_slice %arg8[%arg0, %dma_wait3A_118] : memref<2x16xi32, #tpu.memory_space<hbm>> -> memref<1x16xi32, #tpu.memory_space<hbm>>
        %dma_wait3A_120 = tpu.memref_squeeze %dma_wait3A_119 : memref<1x16xi32, #tpu.memory_space<hbm>> -> memref<16xi32, #tpu.memory_space<hbm>>
        tpu.wait_dma2 semaphore(%run_scoped3A : memref<!tpu.dma_semaphore, #tpu.memory_space<semaphore_mem>>) src(%arg20 : memref<16xi32, #tpu.memory_space<vmem>>) dst(%dma_wait3A_120 : memref<16xi32, #tpu.memory_space<hbm>>)
        tpu.yield
      }) : () -> ()
    } else {
    }
    "tpu.region"() ({
      %run_scoped3A = tpu.sem_alloc : memref<!tpu.dma_semaphore, #tpu.memory_space<semaphore_mem>>
      %dma_start3A = arith.constant 0 : i32
      %dma_start3A_104 = arith.constant 0 : i32
      %dma_start3A_105 = tpu.memref_slice %arg2[%arg0, %arg1, %dma_start3A, %dma_start3A_104] : memref<2x16x80x128xi32, #tpu.memory_space<hbm>> -> memref<1x1x80x128xi32, #tpu.memory_space<hbm>>
      %dma_start3A_106 = tpu.memref_squeeze %dma_start3A_105 : memref<1x1x80x128xi32, #tpu.memory_space<hbm>> -> memref<80x128xi32, #tpu.memory_space<hbm>>
      %dma_start3A_107 = arith.constant 0 : i32
      %dma_start3A_108 = arith.constant 0 : i32
      %dma_start3A_109 = tpu.memref_slice %arg2[%arg0, %arg1, %dma_start3A_107, %dma_start3A_108] : memref<2x16x80x128xi32, #tpu.memory_space<hbm>> -> memref<1x1x80x128xi32, #tpu.memory_space<hbm>>
      %dma_start3A_110 = tpu.memref_squeeze %dma_start3A_109 : memref<1x1x80x128xi32, #tpu.memory_space<hbm>> -> memref<80x128xi32, #tpu.memory_space<hbm>>
      tpu.enqueue_dma source(%dma_start3A_110 : memref<80x128xi32, #tpu.memory_space<hbm>>) target(%arg11 : memref<80x128xi32, #tpu.memory_space<vmem>>) target_semaphore(%run_scoped3A : memref<!tpu.dma_semaphore, #tpu.memory_space<semaphore_mem>>)
      %dma_wait3A = arith.constant 0 : i32
      %dma_wait3A_111 = arith.constant 0 : i32
      %dma_wait3A_112 = tpu.memref_slice %arg2[%arg0, %arg1, %dma_wait3A, %dma_wait3A_111] : memref<2x16x80x128xi32, #tpu.memory_space<hbm>> -> memref<1x1x80x128xi32, #tpu.memory_space<hbm>>
      %dma_wait3A_113 = tpu.memref_squeeze %dma_wait3A_112 : memref<1x1x80x128xi32, #tpu.memory_space<hbm>> -> memref<80x128xi32, #tpu.memory_space<hbm>>
      %dma_wait3A_114 = arith.constant 0 : i32
      %dma_wait3A_115 = arith.constant 0 : i32
      %dma_wait3A_116 = tpu.memref_slice %arg2[%arg0, %arg1, %dma_wait3A_114, %dma_wait3A_115] : memref<2x16x80x128xi32, #tpu.memory_space<hbm>> -> memref<1x1x80x128xi32, #tpu.memory_space<hbm>>
      %dma_wait3A_117 = tpu.memref_squeeze %dma_wait3A_116 : memref<1x1x80x128xi32, #tpu.memory_space<hbm>> -> memref<80x128xi32, #tpu.memory_space<hbm>>
      tpu.wait_dma2 semaphore(%run_scoped3A : memref<!tpu.dma_semaphore, #tpu.memory_space<semaphore_mem>>) src(%dma_wait3A_117 : memref<80x128xi32, #tpu.memory_space<hbm>>) dst(%arg11 : memref<80x128xi32, #tpu.memory_space<vmem>>)
      tpu.yield
    }) : () -> ()
    "tpu.region"() ({
      %run_scoped3A = tpu.sem_alloc : memref<!tpu.dma_semaphore, #tpu.memory_space<semaphore_mem>>
      %dma_start3A = arith.constant 0 : i32
      %dma_start3A_104 = arith.constant 0 : i32
      %dma_start3A_105 = tpu.memref_slice %arg3[%arg0, %arg1, %dma_start3A, %dma_start3A_104] : memref<2x16x80x128xi32, #tpu.memory_space<hbm>> -> memref<1x1x80x128xi32, #tpu.memory_space<hbm>>
      %dma_start3A_106 = tpu.memref_squeeze %dma_start3A_105 : memref<1x1x80x128xi32, #tpu.memory_space<hbm>> -> memref<80x128xi32, #tpu.memory_space<hbm>>
      %dma_start3A_107 = arith.constant 0 : i32
      %dma_start3A_108 = arith.constant 0 : i32
      %dma_start3A_109 = tpu.memref_slice %arg3[%arg0, %arg1, %dma_start3A_107, %dma_start3A_108] : memref<2x16x80x128xi32, #tpu.memory_space<hbm>> -> memref<1x1x80x128xi32, #tpu.memory_space<hbm>>
      %dma_start3A_110 = tpu.memref_squeeze %dma_start3A_109 : memref<1x1x80x128xi32, #tpu.memory_space<hbm>> -> memref<80x128xi32, #tpu.memory_space<hbm>>
      tpu.enqueue_dma source(%dma_start3A_110 : memref<80x128xi32, #tpu.memory_space<hbm>>) target(%arg12 : memref<80x128xi32, #tpu.memory_space<vmem>>) target_semaphore(%run_scoped3A : memref<!tpu.dma_semaphore, #tpu.memory_space<semaphore_mem>>)
      %dma_wait3A = arith.constant 0 : i32
      %dma_wait3A_111 = arith.constant 0 : i32
      %dma_wait3A_112 = tpu.memref_slice %arg3[%arg0, %arg1, %dma_wait3A, %dma_wait3A_111] : memref<2x16x80x128xi32, #tpu.memory_space<hbm>> -> memref<1x1x80x128xi32, #tpu.memory_space<hbm>>
      %dma_wait3A_113 = tpu.memref_squeeze %dma_wait3A_112 : memref<1x1x80x128xi32, #tpu.memory_space<hbm>> -> memref<80x128xi32, #tpu.memory_space<hbm>>
      %dma_wait3A_114 = arith.constant 0 : i32
      %dma_wait3A_115 = arith.constant 0 : i32
      %dma_wait3A_116 = tpu.memref_slice %arg3[%arg0, %arg1, %dma_wait3A_114, %dma_wait3A_115] : memref<2x16x80x128xi32, #tpu.memory_space<hbm>> -> memref<1x1x80x128xi32, #tpu.memory_space<hbm>>
      %dma_wait3A_117 = tpu.memref_squeeze %dma_wait3A_116 : memref<1x1x80x128xi32, #tpu.memory_space<hbm>> -> memref<80x128xi32, #tpu.memory_space<hbm>>
      tpu.wait_dma2 semaphore(%run_scoped3A : memref<!tpu.dma_semaphore, #tpu.memory_space<semaphore_mem>>) src(%dma_wait3A_117 : memref<80x128xi32, #tpu.memory_space<hbm>>) dst(%arg12 : memref<80x128xi32, #tpu.memory_space<vmem>>)
      tpu.yield
    }) : () -> ()
    %scan3A = arith.constant 0 : i32
    %scan3A_13 = arith.constant 0 : i32
    %scan3A_14 = arith.constant 640 : i32
    %scan3A_15 = arith.addi %scan3A_13, %scan3A_14 : i32
    %scan3A_16 = arith.constant 1 : i32
    %scan3A_17 = scf.for %scan3A_104 = %scan3A_13 to %scan3A_15 step %scan3A_16 iter_args(%scan3A_105 = %scan3A) -> (i32)  : i32 {
      %broadcast_in_dim3A_106 = arith.constant 0.000000e+00 : f32
      %broadcast_in_dim3A_107 = vector.broadcast %broadcast_in_dim3A_106 : f32 to vector<16xf32>
      %swap3A_108 = arith.index_cast %scan3A_104 : i32 to index
      %swap3A_109 = arith.constant 0 : index
      %swap3A_110 = tpu.vector_load %arg18[%swap3A_108, %swap3A_109] {strides = array<i32>} : memref<640x16xf32, #tpu.memory_space<vmem>>, vector<1x16xf32>,
      %swap3A_111 = vector.shape_cast %swap3A_110 : vector<1x16xf32> to vector<16xf32>
      %swap3A_112 = vector.shape_cast %broadcast_in_dim3A_107 : vector<16xf32> to vector<1x16xf32>
      tpu.vector_store %arg18[%swap3A_108, %swap3A_109], %swap3A_112 {strides = array<i32>} : memref<640x16xf32, #tpu.memory_space<vmem>>, vector<1x16xf32>,
      %scan3A_113 = arith.constant 0 : i32
      scf.yield %scan3A_113 : i32
    }
    %scan3A_18 = arith.constant 640 : i32
    %scan3A_19 = arith.constant 0 : i32
    %scan3A_20 = arith.constant 0 : i32
    %scan3A_21 = arith.constant 128 : i32
    %scan3A_22 = arith.addi %scan3A_20, %scan3A_21 : i32
    %scan3A_23 = arith.constant 1 : i32
    %scan3A_24 = scf.for %scan3A_104 = %scan3A_20 to %scan3A_22 step %scan3A_23 iter_args(%scan3A_105 = %scan3A_19) -> (i32)  : i32 {
      %broadcast_in_dim3A_106 = arith.constant 1.000000e+00 : f32
      %broadcast_in_dim3A_107 = vector.broadcast %broadcast_in_dim3A_106 : f32 to vector<16xf32>
      %swap3A_108 = arith.constant 0 : i32
      %swap3A_109 = arith.index_cast %swap3A_108 : i32 to index
      %swap3A_110 = arith.index_cast %scan3A_104 : i32 to index
      %swap3A_111 = arith.constant 0 : index
      %swap3A_112 = tpu.vector_load %arg19[%swap3A_109, %swap3A_110, %swap3A_111] {strides = array<i32>} : memref<8x128x16xf32, #tpu.memory_space<vmem>>, vector<1x1x16xf32>,
      %swap3A_113 = vector.shape_cast %swap3A_112 : vector<1x1x16xf32> to vector<16xf32>
      %swap3A_114 = vector.shape_cast %broadcast_in_dim3A_107 : vector<16xf32> to vector<1x1x16xf32>
      tpu.vector_store %arg19[%swap3A_109, %swap3A_110, %swap3A_111], %swap3A_114 {strides = array<i32>} : memref<8x128x16xf32, #tpu.memory_space<vmem>>, vector<1x1x16xf32>,
      %scan3A_115 = arith.constant 0 : i32
      scf.yield %scan3A_115 : i32
    }
    %scan3A_25 = arith.constant 128 : i32
    %mul3A_26 = arith.constant 640 : i32
    %mul3A_27 = arith.muli %arg1, %mul3A_26 : i32
    %multiple_of3A_28 = tpu.assume_multiple %mul3A_27, 8 : i32
    "tpu.region"() ({
      %run_scoped3A = tpu.sem_alloc : memref<!tpu.dma_semaphore, #tpu.memory_space<semaphore_mem>>
      %dma_start3A = arith.constant 0 : i32
      %dma_start3A_104 = tpu.memref_slice %arg9[%multiple_of3A_28, %dma_start3A] : memref<10240x16xf32, #tpu.memory_space<vmem_shared>> -> memref<640x16xf32, #tpu.memory_space<vmem_shared>>
      %dma_start3A_105 = arith.constant 0 : i32
      %dma_start3A_106 = tpu.memref_slice %arg9[%multiple_of3A_28, %dma_start3A_105] : memref<10240x16xf32, #tpu.memory_space<vmem_shared>> -> memref<640x16xf32, #tpu.memory_space<vmem_shared>>
      tpu.enqueue_dma source(%arg18 : memref<640x16xf32, #tpu.memory_space<vmem>>) target(%dma_start3A_106 : memref<640x16xf32, #tpu.memory_space<vmem_shared>>) target_semaphore(%run_scoped3A : memref<!tpu.dma_semaphore, #tpu.memory_space<semaphore_mem>>)
      %dma_wait3A = arith.constant 0 : i32
      %dma_wait3A_107 = tpu.memref_slice %arg9[%multiple_of3A_28, %dma_wait3A] : memref<10240x16xf32, #tpu.memory_space<vmem_shared>> -> memref<640x16xf32, #tpu.memory_space<vmem_shared>>
      %dma_wait3A_108 = arith.constant 0 : i32
      %dma_wait3A_109 = tpu.memref_slice %arg9[%multiple_of3A_28, %dma_wait3A_108] : memref<10240x16xf32, #tpu.memory_space<vmem_shared>> -> memref<640x16xf32, #tpu.memory_space<vmem_shared>>
      tpu.wait_dma2 semaphore(%run_scoped3A : memref<!tpu.dma_semaphore, #tpu.memory_space<semaphore_mem>>) src(%arg18 : memref<640x16xf32, #tpu.memory_space<vmem>>) dst(%dma_wait3A_109 : memref<640x16xf32, #tpu.memory_space<vmem_shared>>)
      tpu.yield
    }) : () -> ()
    "tpu.region"() ({
      %run_scoped3A = tpu.sem_alloc : memref<!tpu.dma_semaphore, #tpu.memory_space<semaphore_mem>>
      %dma_start3A = arith.constant 0 : i32
      %dma_start3A_104 = tpu.memref_slice %arg10[%multiple_of3A_28, %dma_start3A] : memref<10240x16xf32, #tpu.memory_space<vmem_shared>> -> memref<640x16xf32, #tpu.memory_space<vmem_shared>>
      %dma_start3A_105 = arith.constant 0 : i32
      %dma_start3A_106 = tpu.memref_slice %arg10[%multiple_of3A_28, %dma_start3A_105] : memref<10240x16xf32, #tpu.memory_space<vmem_shared>> -> memref<640x16xf32, #tpu.memory_space<vmem_shared>>
      tpu.enqueue_dma source(%arg18 : memref<640x16xf32, #tpu.memory_space<vmem>>) target(%dma_start3A_106 : memref<640x16xf32, #tpu.memory_space<vmem_shared>>) target_semaphore(%run_scoped3A : memref<!tpu.dma_semaphore, #tpu.memory_space<semaphore_mem>>)
      %dma_wait3A = arith.constant 0 : i32
      %dma_wait3A_107 = tpu.memref_slice %arg10[%multiple_of3A_28, %dma_wait3A] : memref<10240x16xf32, #tpu.memory_space<vmem_shared>> -> memref<640x16xf32, #tpu.memory_space<vmem_shared>>
      %dma_wait3A_108 = arith.constant 0 : i32
      %dma_wait3A_109 = tpu.memref_slice %arg10[%multiple_of3A_28, %dma_wait3A_108] : memref<10240x16xf32, #tpu.memory_space<vmem_shared>> -> memref<640x16xf32, #tpu.memory_space<vmem_shared>>
      tpu.wait_dma2 semaphore(%run_scoped3A : memref<!tpu.dma_semaphore, #tpu.memory_space<semaphore_mem>>) src(%arg18 : memref<640x16xf32, #tpu.memory_space<vmem>>) dst(%dma_wait3A_109 : memref<640x16xf32, #tpu.memory_space<vmem_shared>>)
      tpu.yield
    }) : () -> ()
    %barrier3A = arith.constant 0 : index
    tpu.barrier barrier_id(%barrier3A)
    %scan3A_29 = arith.constant 0 : i32
    %scan3A_30 = arith.constant 0 : i32
    %scan3A_31 = arith.constant 10 : i32
    %scan3A_32 = arith.addi %scan3A_30, %scan3A_31 : i32
    %scan3A_33 = arith.constant 1 : i32
    %scan3A_34 = scf.for %scan3A_104 = %scan3A_30 to %scan3A_32 step %scan3A_33 iter_args(%scan3A_105 = %scan3A_29) -> (i32)  : i32 {
      %mul3A_106 = arith.constant 8 : i32
      %mul3A_107 = arith.muli %scan3A_104, %mul3A_106 : i32
      %add3A_108 = arith.constant 0 : i32
      %add3A_109 = arith.addi %mul3A_107, %add3A_108 : i32
      %dma_start3A = arith.constant 0 : i32
      %dma_start3A_110 = arith.constant 0 : i32
      %dma_start3A_111 = arith.constant 0 : i32
      %dma_start3A_112 = arith.constant 0 : i32
      %dma_start3A_113 = tpu.memref_slice %arg19[%dma_start3A, %dma_start3A_111, %dma_start3A_112] : memref<8x128x16xf32, #tpu.memory_space<vmem>> -> memref<1x128x16xf32, #tpu.memory_space<vmem>>
      %dma_start3A_114 = tpu.memref_squeeze %dma_start3A_113 : memref<1x128x16xf32, #tpu.memory_space<vmem>> -> memref<128x16xf32, #tpu.memory_space<vmem>>
      %dma_start3A_115 = arith.constant 0 : i32
      %dma_start3A_116 = tpu.memref_slice %arg12[%add3A_109, %dma_start3A_115] : memref<80x128xi32, #tpu.memory_space<vmem>> -> memref<1x128xi32, #tpu.memory_space<vmem>>
      %dma_start3A_117 = tpu.memref_squeeze %dma_start3A_116 : memref<1x128xi32, #tpu.memory_space<vmem>> -> memref<128xi32, #tpu.memory_space<vmem>>
      %dma_start3A_118 = arith.constant 0 : i32
      %dma_start3A_119 = arith.constant 0 : i32
      %dma_start3A_120 = tpu.memref_slice %arg10[%dma_start3A_118, %dma_start3A_119] : memref<10240x16xf32, #tpu.memory_space<vmem_shared>> -> memref<10240x16xf32, #tpu.memory_space<vmem_shared>>
      %dma_start3A_121 = tpu.memref_slice %arg24[%dma_start3A_110] : memref<8x!tpu.dma_semaphore, #tpu.memory_space<semaphore_mem>> -> memref<1x!tpu.dma_semaphore, #tpu.memory_space<semaphore_mem>>
      %dma_start3A_122 = tpu.memref_squeeze %dma_start3A_121 : memref<1x!tpu.dma_semaphore, #tpu.memory_space<semaphore_mem>> -> memref<!tpu.dma_semaphore, #tpu.memory_space<semaphore_mem>>
      tpu.enqueue_indirect_dma source(%dma_start3A_114 : memref<128x16xf32, #tpu.memory_space<vmem>>) target(%dma_start3A_120 : memref<10240x16xf32, #tpu.memory_space<vmem_shared>>) offsets(%dma_start3A_117 : memref<128xi32, #tpu.memory_space<vmem>>) semaphore(%dma_start3A_122 : memref<!tpu.dma_semaphore, #tpu.memory_space<semaphore_mem>>) {add = true}
      %add3A_123 = arith.constant 1 : i32
      %add3A_124 = arith.addi %mul3A_107, %add3A_123 : i32
      %dma_start3A_125 = arith.constant 0 : i32
      %dma_start3A_126 = arith.constant 1 : i32
      %dma_start3A_127 = arith.constant 0 : i32
      %dma_start3A_128 = arith.constant 0 : i32
      %dma_start3A_129 = tpu.memref_slice %arg19[%dma_start3A_125, %dma_start3A_127, %dma_start3A_128] : memref<8x128x16xf32, #tpu.memory_space<vmem>> -> memref<1x128x16xf32, #tpu.memory_space<vmem>>
      %dma_start3A_130 = tpu.memref_squeeze %dma_start3A_129 : memref<1x128x16xf32, #tpu.memory_space<vmem>> -> memref<128x16xf32, #tpu.memory_space<vmem>>
      %dma_start3A_131 = arith.constant 0 : i32
      %dma_start3A_132 = tpu.memref_slice %arg12[%add3A_124, %dma_start3A_131] : memref<80x128xi32, #tpu.memory_space<vmem>> -> memref<1x128xi32, #tpu.memory_space<vmem>>
      %dma_start3A_133 = tpu.memref_squeeze %dma_start3A_132 : memref<1x128xi32, #tpu.memory_space<vmem>> -> memref<128xi32, #tpu.memory_space<vmem>>
      %dma_start3A_134 = arith.constant 0 : i32
      %dma_start3A_135 = arith.constant 0 : i32
      %dma_start3A_136 = tpu.memref_slice %arg10[%dma_start3A_134, %dma_start3A_135] : memref<10240x16xf32, #tpu.memory_space<vmem_shared>> -> memref<10240x16xf32, #tpu.memory_space<vmem_shared>>
      %dma_start3A_137 = tpu.memref_slice %arg24[%dma_start3A_126] : memref<8x!tpu.dma_semaphore, #tpu.memory_space<semaphore_mem>> -> memref<1x!tpu.dma_semaphore, #tpu.memory_space<semaphore_mem>>
      %dma_start3A_138 = tpu.memref_squeeze %dma_start3A_137 : memref<1x!tpu.dma_semaphore, #tpu.memory_space<semaphore_mem>> -> memref<!tpu.dma_semaphore, #tpu.memory_space<semaphore_mem>>
      tpu.enqueue_indirect_dma source(%dma_start3A_130 : memref<128x16xf32, #tpu.memory_space<vmem>>) target(%dma_start3A_136 : memref<10240x16xf32, #tpu.memory_space<vmem_shared>>) offsets(%dma_start3A_133 : memref<128xi32, #tpu.memory_space<vmem>>) semaphore(%dma_start3A_138 : memref<!tpu.dma_semaphore, #tpu.memory_space<semaphore_mem>>) {add = true}
      %add3A_139 = arith.constant 2 : i32
      %add3A_140 = arith.addi %mul3A_107, %add3A_139 : i32
      %dma_start3A_141 = arith.constant 0 : i32
      %dma_start3A_142 = arith.constant 2 : i32
      %dma_start3A_143 = arith.constant 0 : i32
      %dma_start3A_144 = arith.constant 0 : i32
      %dma_start3A_145 = tpu.memref_slice %arg19[%dma_start3A_141, %dma_start3A_143, %dma_start3A_144] : memref<8x128x16xf32, #tpu.memory_space<vmem>> -> memref<1x128x16xf32, #tpu.memory_space<vmem>>
      %dma_start3A_146 = tpu.memref_squeeze %dma_start3A_145 : memref<1x128x16xf32, #tpu.memory_space<vmem>> -> memref<128x16xf32, #tpu.memory_space<vmem>>
      %dma_start3A_147 = arith.constant 0 : i32
      %dma_start3A_148 = tpu.memref_slice %arg12[%add3A_140, %dma_start3A_147] : memref<80x128xi32, #tpu.memory_space<vmem>> -> memref<1x128xi32, #tpu.memory_space<vmem>>
      %dma_start3A_149 = tpu.memref_squeeze %dma_start3A_148 : memref<1x128xi32, #tpu.memory_space<vmem>> -> memref<128xi32, #tpu.memory_space<vmem>>
      %dma_start3A_150 = arith.constant 0 : i32
      %dma_start3A_151 = arith.constant 0 : i32
      %dma_start3A_152 = tpu.memref_slice %arg10[%dma_start3A_150, %dma_start3A_151] : memref<10240x16xf32, #tpu.memory_space<vmem_shared>> -> memref<10240x16xf32, #tpu.memory_space<vmem_shared>>
      %dma_start3A_153 = tpu.memref_slice %arg24[%dma_start3A_142] : memref<8x!tpu.dma_semaphore, #tpu.memory_space<semaphore_mem>> -> memref<1x!tpu.dma_semaphore, #tpu.memory_space<semaphore_mem>>
      %dma_start3A_154 = tpu.memref_squeeze %dma_start3A_153 : memref<1x!tpu.dma_semaphore, #tpu.memory_space<semaphore_mem>> -> memref<!tpu.dma_semaphore, #tpu.memory_space<semaphore_mem>>
      tpu.enqueue_indirect_dma source(%dma_start3A_146 : memref<128x16xf32, #tpu.memory_space<vmem>>) target(%dma_start3A_152 : memref<10240x16xf32, #tpu.memory_space<vmem_shared>>) offsets(%dma_start3A_149 : memref<128xi32, #tpu.memory_space<vmem>>) semaphore(%dma_start3A_154 : memref<!tpu.dma_semaphore, #tpu.memory_space<semaphore_mem>>) {add = true}
      %add3A_155 = arith.constant 3 : i32
      %add3A_156 = arith.addi %mul3A_107, %add3A_155 : i32
      %dma_start3A_157 = arith.constant 0 : i32
      %dma_start3A_158 = arith.constant 3 : i32
      %dma_start3A_159 = arith.constant 0 : i32
      %dma_start3A_160 = arith.constant 0 : i32
      %dma_start3A_161 = tpu.memref_slice %arg19[%dma_start3A_157, %dma_start3A_159, %dma_start3A_160] : memref<8x128x16xf32, #tpu.memory_space<vmem>> -> memref<1x128x16xf32, #tpu.memory_space<vmem>>
      %dma_start3A_162 = tpu.memref_squeeze %dma_start3A_161 : memref<1x128x16xf32, #tpu.memory_space<vmem>> -> memref<128x16xf32, #tpu.memory_space<vmem>>
      %dma_start3A_163 = arith.constant 0 : i32
      %dma_start3A_164 = tpu.memref_slice %arg12[%add3A_156, %dma_start3A_163] : memref<80x128xi32, #tpu.memory_space<vmem>> -> memref<1x128xi32, #tpu.memory_space<vmem>>
      %dma_start3A_165 = tpu.memref_squeeze %dma_start3A_164 : memref<1x128xi32, #tpu.memory_space<vmem>> -> memref<128xi32, #tpu.memory_space<vmem>>
      %dma_start3A_166 = arith.constant 0 : i32
      %dma_start3A_167 = arith.constant 0 : i32
      %dma_start3A_168 = tpu.memref_slice %arg10[%dma_start3A_166, %dma_start3A_167] : memref<10240x16xf32, #tpu.memory_space<vmem_shared>> -> memref<10240x16xf32, #tpu.memory_space<vmem_shared>>
      %dma_start3A_169 = tpu.memref_slice %arg24[%dma_start3A_158] : memref<8x!tpu.dma_semaphore, #tpu.memory_space<semaphore_mem>> -> memref<1x!tpu.dma_semaphore, #tpu.memory_space<semaphore_mem>>
      %dma_start3A_170 = tpu.memref_squeeze %dma_start3A_169 : memref<1x!tpu.dma_semaphore, #tpu.memory_space<semaphore_mem>> -> memref<!tpu.dma_semaphore, #tpu.memory_space<semaphore_mem>>
      tpu.enqueue_indirect_dma source(%dma_start3A_162 : memref<128x16xf32, #tpu.memory_space<vmem>>) target(%dma_start3A_168 : memref<10240x16xf32, #tpu.memory_space<vmem_shared>>) offsets(%dma_start3A_165 : memref<128xi32, #tpu.memory_space<vmem>>) semaphore(%dma_start3A_170 : memref<!tpu.dma_semaphore, #tpu.memory_space<semaphore_mem>>) {add = true}
      %add3A_171 = arith.constant 4 : i32
      %add3A_172 = arith.addi %mul3A_107, %add3A_171 : i32
      %dma_start3A_173 = arith.constant 0 : i32
      %dma_start3A_174 = arith.constant 4 : i32
      %dma_start3A_175 = arith.constant 0 : i32
      %dma_start3A_176 = arith.constant 0 : i32
      %dma_start3A_177 = tpu.memref_slice %arg19[%dma_start3A_173, %dma_start3A_175, %dma_start3A_176] : memref<8x128x16xf32, #tpu.memory_space<vmem>> -> memref<1x128x16xf32, #tpu.memory_space<vmem>>
      %dma_start3A_178 = tpu.memref_squeeze %dma_start3A_177 : memref<1x128x16xf32, #tpu.memory_space<vmem>> -> memref<128x16xf32, #tpu.memory_space<vmem>>
      %dma_start3A_179 = arith.constant 0 : i32
      %dma_start3A_180 = tpu.memref_slice %arg12[%add3A_172, %dma_start3A_179] : memref<80x128xi32, #tpu.memory_space<vmem>> -> memref<1x128xi32, #tpu.memory_space<vmem>>
      %dma_start3A_181 = tpu.memref_squeeze %dma_start3A_180 : memref<1x128xi32, #tpu.memory_space<vmem>> -> memref<128xi32, #tpu.memory_space<vmem>>
      %dma_start3A_182 = arith.constant 0 : i32
      %dma_start3A_183 = arith.constant 0 : i32
      %dma_start3A_184 = tpu.memref_slice %arg10[%dma_start3A_182, %dma_start3A_183] : memref<10240x16xf32, #tpu.memory_space<vmem_shared>> -> memref<10240x16xf32, #tpu.memory_space<vmem_shared>>
      %dma_start3A_185 = tpu.memref_slice %arg24[%dma_start3A_174] : memref<8x!tpu.dma_semaphore, #tpu.memory_space<semaphore_mem>> -> memref<1x!tpu.dma_semaphore, #tpu.memory_space<semaphore_mem>>
      %dma_start3A_186 = tpu.memref_squeeze %dma_start3A_185 : memref<1x!tpu.dma_semaphore, #tpu.memory_space<semaphore_mem>> -> memref<!tpu.dma_semaphore, #tpu.memory_space<semaphore_mem>>
      tpu.enqueue_indirect_dma source(%dma_start3A_178 : memref<128x16xf32, #tpu.memory_space<vmem>>) target(%dma_start3A_184 : memref<10240x16xf32, #tpu.memory_space<vmem_shared>>) offsets(%dma_start3A_181 : memref<128xi32, #tpu.memory_space<vmem>>) semaphore(%dma_start3A_186 : memref<!tpu.dma_semaphore, #tpu.memory_space<semaphore_mem>>) {add = true}
      %add3A_187 = arith.constant 5 : i32
      %add3A_188 = arith.addi %mul3A_107, %add3A_187 : i32
      %dma_start3A_189 = arith.constant 0 : i32
      %dma_start3A_190 = arith.constant 5 : i32
      %dma_start3A_191 = arith.constant 0 : i32
      %dma_start3A_192 = arith.constant 0 : i32
      %dma_start3A_193 = tpu.memref_slice %arg19[%dma_start3A_189, %dma_start3A_191, %dma_start3A_192] : memref<8x128x16xf32, #tpu.memory_space<vmem>> -> memref<1x128x16xf32, #tpu.memory_space<vmem>>
      %dma_start3A_194 = tpu.memref_squeeze %dma_start3A_193 : memref<1x128x16xf32, #tpu.memory_space<vmem>> -> memref<128x16xf32, #tpu.memory_space<vmem>>
      %dma_start3A_195 = arith.constant 0 : i32
      %dma_start3A_196 = tpu.memref_slice %arg12[%add3A_188, %dma_start3A_195] : memref<80x128xi32, #tpu.memory_space<vmem>> -> memref<1x128xi32, #tpu.memory_space<vmem>>
      %dma_start3A_197 = tpu.memref_squeeze %dma_start3A_196 : memref<1x128xi32, #tpu.memory_space<vmem>> -> memref<128xi32, #tpu.memory_space<vmem>>
      %dma_start3A_198 = arith.constant 0 : i32
      %dma_start3A_199 = arith.constant 0 : i32
      %dma_start3A_200 = tpu.memref_slice %arg10[%dma_start3A_198, %dma_start3A_199] : memref<10240x16xf32, #tpu.memory_space<vmem_shared>> -> memref<10240x16xf32, #tpu.memory_space<vmem_shared>>
      %dma_start3A_201 = tpu.memref_slice %arg24[%dma_start3A_190] : memref<8x!tpu.dma_semaphore, #tpu.memory_space<semaphore_mem>> -> memref<1x!tpu.dma_semaphore, #tpu.memory_space<semaphore_mem>>
      %dma_start3A_202 = tpu.memref_squeeze %dma_start3A_201 : memref<1x!tpu.dma_semaphore, #tpu.memory_space<semaphore_mem>> -> memref<!tpu.dma_semaphore, #tpu.memory_space<semaphore_mem>>
      tpu.enqueue_indirect_dma source(%dma_start3A_194 : memref<128x16xf32, #tpu.memory_space<vmem>>) target(%dma_start3A_200 : memref<10240x16xf32, #tpu.memory_space<vmem_shared>>) offsets(%dma_start3A_197 : memref<128xi32, #tpu.memory_space<vmem>>) semaphore(%dma_start3A_202 : memref<!tpu.dma_semaphore, #tpu.memory_space<semaphore_mem>>) {add = true}
      %add3A_203 = arith.constant 6 : i32
      %add3A_204 = arith.addi %mul3A_107, %add3A_203 : i32
      %dma_start3A_205 = arith.constant 0 : i32
      %dma_start3A_206 = arith.constant 6 : i32
      %dma_start3A_207 = arith.constant 0 : i32
      %dma_start3A_208 = arith.constant 0 : i32
      %dma_start3A_209 = tpu.memref_slice %arg19[%dma_start3A_205, %dma_start3A_207, %dma_start3A_208] : memref<8x128x16xf32, #tpu.memory_space<vmem>> -> memref<1x128x16xf32, #tpu.memory_space<vmem>>
      %dma_start3A_210 = tpu.memref_squeeze %dma_start3A_209 : memref<1x128x16xf32, #tpu.memory_space<vmem>> -> memref<128x16xf32, #tpu.memory_space<vmem>>
      %dma_start3A_211 = arith.constant 0 : i32
      %dma_start3A_212 = tpu.memref_slice %arg12[%add3A_204, %dma_start3A_211] : memref<80x128xi32, #tpu.memory_space<vmem>> -> memref<1x128xi32, #tpu.memory_space<vmem>>
      %dma_start3A_213 = tpu.memref_squeeze %dma_start3A_212 : memref<1x128xi32, #tpu.memory_space<vmem>> -> memref<128xi32, #tpu.memory_space<vmem>>
      %dma_start3A_214 = arith.constant 0 : i32
      %dma_start3A_215 = arith.constant 0 : i32
      %dma_start3A_216 = tpu.memref_slice %arg10[%dma_start3A_214, %dma_start3A_215] : memref<10240x16xf32, #tpu.memory_space<vmem_shared>> -> memref<10240x16xf32, #tpu.memory_space<vmem_shared>>
      %dma_start3A_217 = tpu.memref_slice %arg24[%dma_start3A_206] : memref<8x!tpu.dma_semaphore, #tpu.memory_space<semaphore_mem>> -> memref<1x!tpu.dma_semaphore, #tpu.memory_space<semaphore_mem>>
      %dma_start3A_218 = tpu.memref_squeeze %dma_start3A_217 : memref<1x!tpu.dma_semaphore, #tpu.memory_space<semaphore_mem>> -> memref<!tpu.dma_semaphore, #tpu.memory_space<semaphore_mem>>
      tpu.enqueue_indirect_dma source(%dma_start3A_210 : memref<128x16xf32, #tpu.memory_space<vmem>>) target(%dma_start3A_216 : memref<10240x16xf32, #tpu.memory_space<vmem_shared>>) offsets(%dma_start3A_213 : memref<128xi32, #tpu.memory_space<vmem>>) semaphore(%dma_start3A_218 : memref<!tpu.dma_semaphore, #tpu.memory_space<semaphore_mem>>) {add = true}
      %add3A_219 = arith.constant 7 : i32
      %add3A_220 = arith.addi %mul3A_107, %add3A_219 : i32
      %dma_start3A_221 = arith.constant 0 : i32
      %dma_start3A_222 = arith.constant 7 : i32
      %dma_start3A_223 = arith.constant 0 : i32
      %dma_start3A_224 = arith.constant 0 : i32
      %dma_start3A_225 = tpu.memref_slice %arg19[%dma_start3A_221, %dma_start3A_223, %dma_start3A_224] : memref<8x128x16xf32, #tpu.memory_space<vmem>> -> memref<1x128x16xf32, #tpu.memory_space<vmem>>
      %dma_start3A_226 = tpu.memref_squeeze %dma_start3A_225 : memref<1x128x16xf32, #tpu.memory_space<vmem>> -> memref<128x16xf32, #tpu.memory_space<vmem>>
      %dma_start3A_227 = arith.constant 0 : i32
      %dma_start3A_228 = tpu.memref_slice %arg12[%add3A_220, %dma_start3A_227] : memref<80x128xi32, #tpu.memory_space<vmem>> -> memref<1x128xi32, #tpu.memory_space<vmem>>
      %dma_start3A_229 = tpu.memref_squeeze %dma_start3A_228 : memref<1x128xi32, #tpu.memory_space<vmem>> -> memref<128xi32, #tpu.memory_space<vmem>>
      %dma_start3A_230 = arith.constant 0 : i32
      %dma_start3A_231 = arith.constant 0 : i32
      %dma_start3A_232 = tpu.memref_slice %arg10[%dma_start3A_230, %dma_start3A_231] : memref<10240x16xf32, #tpu.memory_space<vmem_shared>> -> memref<10240x16xf32, #tpu.memory_space<vmem_shared>>
      %dma_start3A_233 = tpu.memref_slice %arg24[%dma_start3A_222] : memref<8x!tpu.dma_semaphore, #tpu.memory_space<semaphore_mem>> -> memref<1x!tpu.dma_semaphore, #tpu.memory_space<semaphore_mem>>
      %dma_start3A_234 = tpu.memref_squeeze %dma_start3A_233 : memref<1x!tpu.dma_semaphore, #tpu.memory_space<semaphore_mem>> -> memref<!tpu.dma_semaphore, #tpu.memory_space<semaphore_mem>>
      tpu.enqueue_indirect_dma source(%dma_start3A_226 : memref<128x16xf32, #tpu.memory_space<vmem>>) target(%dma_start3A_232 : memref<10240x16xf32, #tpu.memory_space<vmem_shared>>) offsets(%dma_start3A_229 : memref<128xi32, #tpu.memory_space<vmem>>) semaphore(%dma_start3A_234 : memref<!tpu.dma_semaphore, #tpu.memory_space<semaphore_mem>>) {add = true}
      %add3A_235 = arith.constant 0 : i32
      %add3A_236 = arith.addi %mul3A_107, %add3A_235 : i32
      %dma_wait3A = arith.constant 0 : i32
      %dma_wait3A_237 = arith.constant 0 : i32
      %dma_wait3A_238 = arith.constant 0 : i32
      %dma_wait3A_239 = arith.constant 0 : i32
      %dma_wait3A_240 = tpu.memref_slice %arg19[%dma_wait3A, %dma_wait3A_238, %dma_wait3A_239] : memref<8x128x16xf32, #tpu.memory_space<vmem>> -> memref<1x128x16xf32, #tpu.memory_space<vmem>>
      %dma_wait3A_241 = tpu.memref_squeeze %dma_wait3A_240 : memref<1x128x16xf32, #tpu.memory_space<vmem>> -> memref<128x16xf32, #tpu.memory_space<vmem>>
      %dma_wait3A_242 = arith.constant 0 : i32
      %dma_wait3A_243 = tpu.memref_slice %arg12[%add3A_236, %dma_wait3A_242] : memref<80x128xi32, #tpu.memory_space<vmem>> -> memref<1x128xi32, #tpu.memory_space<vmem>>
      %dma_wait3A_244 = tpu.memref_squeeze %dma_wait3A_243 : memref<1x128xi32, #tpu.memory_space<vmem>> -> memref<128xi32, #tpu.memory_space<vmem>>
      %dma_wait3A_245 = arith.constant 0 : i32
      %dma_wait3A_246 = arith.constant 0 : i32
      %dma_wait3A_247 = tpu.memref_slice %arg10[%dma_wait3A_245, %dma_wait3A_246] : memref<10240x16xf32, #tpu.memory_space<vmem_shared>> -> memref<10240x16xf32, #tpu.memory_space<vmem_shared>>
      %dma_wait3A_248 = tpu.memref_slice %arg24[%dma_wait3A_237] : memref<8x!tpu.dma_semaphore, #tpu.memory_space<semaphore_mem>> -> memref<1x!tpu.dma_semaphore, #tpu.memory_space<semaphore_mem>>
      %dma_wait3A_249 = tpu.memref_squeeze %dma_wait3A_248 : memref<1x!tpu.dma_semaphore, #tpu.memory_space<semaphore_mem>> -> memref<!tpu.dma_semaphore, #tpu.memory_space<semaphore_mem>>
      tpu.wait_indirect_dma semaphore(%dma_wait3A_249 : memref<!tpu.dma_semaphore, #tpu.memory_space<semaphore_mem>>) src(%dma_wait3A_241 : memref<128x16xf32, #tpu.memory_space<vmem>>) dst(%dma_wait3A_247 : memref<10240x16xf32, #tpu.memory_space<vmem_shared>>)
      %add3A_250 = arith.constant 1 : i32
      %add3A_251 = arith.addi %mul3A_107, %add3A_250 : i32
      %dma_wait3A_252 = arith.constant 0 : i32
      %dma_wait3A_253 = arith.constant 1 : i32
      %dma_wait3A_254 = arith.constant 0 : i32
      %dma_wait3A_255 = arith.constant 0 : i32
      %dma_wait3A_256 = tpu.memref_slice %arg19[%dma_wait3A_252, %dma_wait3A_254, %dma_wait3A_255] : memref<8x128x16xf32, #tpu.memory_space<vmem>> -> memref<1x128x16xf32, #tpu.memory_space<vmem>>
      %dma_wait3A_257 = tpu.memref_squeeze %dma_wait3A_256 : memref<1x128x16xf32, #tpu.memory_space<vmem>> -> memref<128x16xf32, #tpu.memory_space<vmem>>
      %dma_wait3A_258 = arith.constant 0 : i32
      %dma_wait3A_259 = tpu.memref_slice %arg12[%add3A_251, %dma_wait3A_258] : memref<80x128xi32, #tpu.memory_space<vmem>> -> memref<1x128xi32, #tpu.memory_space<vmem>>
      %dma_wait3A_260 = tpu.memref_squeeze %dma_wait3A_259 : memref<1x128xi32, #tpu.memory_space<vmem>> -> memref<128xi32, #tpu.memory_space<vmem>>
      %dma_wait3A_261 = arith.constant 0 : i32
      %dma_wait3A_262 = arith.constant 0 : i32
      %dma_wait3A_263 = tpu.memref_slice %arg10[%dma_wait3A_261, %dma_wait3A_262] : memref<10240x16xf32, #tpu.memory_space<vmem_shared>> -> memref<10240x16xf32, #tpu.memory_space<vmem_shared>>
      %dma_wait3A_264 = tpu.memref_slice %arg24[%dma_wait3A_253] : memref<8x!tpu.dma_semaphore, #tpu.memory_space<semaphore_mem>> -> memref<1x!tpu.dma_semaphore, #tpu.memory_space<semaphore_mem>>
      %dma_wait3A_265 = tpu.memref_squeeze %dma_wait3A_264 : memref<1x!tpu.dma_semaphore, #tpu.memory_space<semaphore_mem>> -> memref<!tpu.dma_semaphore, #tpu.memory_space<semaphore_mem>>
      tpu.wait_indirect_dma semaphore(%dma_wait3A_265 : memref<!tpu.dma_semaphore, #tpu.memory_space<semaphore_mem>>) src(%dma_wait3A_257 : memref<128x16xf32, #tpu.memory_space<vmem>>) dst(%dma_wait3A_263 : memref<10240x16xf32, #tpu.memory_space<vmem_shared>>)
      %add3A_266 = arith.constant 2 : i32
      %add3A_267 = arith.addi %mul3A_107, %add3A_266 : i32
      %dma_wait3A_268 = arith.constant 0 : i32
      %dma_wait3A_269 = arith.constant 2 : i32
      %dma_wait3A_270 = arith.constant 0 : i32
      %dma_wait3A_271 = arith.constant 0 : i32
      %dma_wait3A_272 = tpu.memref_slice %arg19[%dma_wait3A_268, %dma_wait3A_270, %dma_wait3A_271] : memref<8x128x16xf32, #tpu.memory_space<vmem>> -> memref<1x128x16xf32, #tpu.memory_space<vmem>>
      %dma_wait3A_273 = tpu.memref_squeeze %dma_wait3A_272 : memref<1x128x16xf32, #tpu.memory_space<vmem>> -> memref<128x16xf32, #tpu.memory_space<vmem>>
      %dma_wait3A_274 = arith.constant 0 : i32
      %dma_wait3A_275 = tpu.memref_slice %arg12[%add3A_267, %dma_wait3A_274] : memref<80x128xi32, #tpu.memory_space<vmem>> -> memref<1x128xi32, #tpu.memory_space<vmem>>
      %dma_wait3A_276 = tpu.memref_squeeze %dma_wait3A_275 : memref<1x128xi32, #tpu.memory_space<vmem>> -> memref<128xi32, #tpu.memory_space<vmem>>
      %dma_wait3A_277 = arith.constant 0 : i32
      %dma_wait3A_278 = arith.constant 0 : i32
      %dma_wait3A_279 = tpu.memref_slice %arg10[%dma_wait3A_277, %dma_wait3A_278] : memref<10240x16xf32, #tpu.memory_space<vmem_shared>> -> memref<10240x16xf32, #tpu.memory_space<vmem_shared>>
      %dma_wait3A_280 = tpu.memref_slice %arg24[%dma_wait3A_269] : memref<8x!tpu.dma_semaphore, #tpu.memory_space<semaphore_mem>> -> memref<1x!tpu.dma_semaphore, #tpu.memory_space<semaphore_mem>>
      %dma_wait3A_281 = tpu.memref_squeeze %dma_wait3A_280 : memref<1x!tpu.dma_semaphore, #tpu.memory_space<semaphore_mem>> -> memref<!tpu.dma_semaphore, #tpu.memory_space<semaphore_mem>>
      tpu.wait_indirect_dma semaphore(%dma_wait3A_281 : memref<!tpu.dma_semaphore, #tpu.memory_space<semaphore_mem>>) src(%dma_wait3A_273 : memref<128x16xf32, #tpu.memory_space<vmem>>) dst(%dma_wait3A_279 : memref<10240x16xf32, #tpu.memory_space<vmem_shared>>)
      %add3A_282 = arith.constant 3 : i32
      %add3A_283 = arith.addi %mul3A_107, %add3A_282 : i32
      %dma_wait3A_284 = arith.constant 0 : i32
      %dma_wait3A_285 = arith.constant 3 : i32
      %dma_wait3A_286 = arith.constant 0 : i32
      %dma_wait3A_287 = arith.constant 0 : i32
      %dma_wait3A_288 = tpu.memref_slice %arg19[%dma_wait3A_284, %dma_wait3A_286, %dma_wait3A_287] : memref<8x128x16xf32, #tpu.memory_space<vmem>> -> memref<1x128x16xf32, #tpu.memory_space<vmem>>
      %dma_wait3A_289 = tpu.memref_squeeze %dma_wait3A_288 : memref<1x128x16xf32, #tpu.memory_space<vmem>> -> memref<128x16xf32, #tpu.memory_space<vmem>>
      %dma_wait3A_290 = arith.constant 0 : i32
      %dma_wait3A_291 = tpu.memref_slice %arg12[%add3A_283, %dma_wait3A_290] : memref<80x128xi32, #tpu.memory_space<vmem>> -> memref<1x128xi32, #tpu.memory_space<vmem>>
      %dma_wait3A_292 = tpu.memref_squeeze %dma_wait3A_291 : memref<1x128xi32, #tpu.memory_space<vmem>> -> memref<128xi32, #tpu.memory_space<vmem>>
      %dma_wait3A_293 = arith.constant 0 : i32
      %dma_wait3A_294 = arith.constant 0 : i32
      %dma_wait3A_295 = tpu.memref_slice %arg10[%dma_wait3A_293, %dma_wait3A_294] : memref<10240x16xf32, #tpu.memory_space<vmem_shared>> -> memref<10240x16xf32, #tpu.memory_space<vmem_shared>>
      %dma_wait3A_296 = tpu.memref_slice %arg24[%dma_wait3A_285] : memref<8x!tpu.dma_semaphore, #tpu.memory_space<semaphore_mem>> -> memref<1x!tpu.dma_semaphore, #tpu.memory_space<semaphore_mem>>
      %dma_wait3A_297 = tpu.memref_squeeze %dma_wait3A_296 : memref<1x!tpu.dma_semaphore, #tpu.memory_space<semaphore_mem>> -> memref<!tpu.dma_semaphore, #tpu.memory_space<semaphore_mem>>
      tpu.wait_indirect_dma semaphore(%dma_wait3A_297 : memref<!tpu.dma_semaphore, #tpu.memory_space<semaphore_mem>>) src(%dma_wait3A_289 : memref<128x16xf32, #tpu.memory_space<vmem>>) dst(%dma_wait3A_295 : memref<10240x16xf32, #tpu.memory_space<vmem_shared>>)
      %add3A_298 = arith.constant 4 : i32
      %add3A_299 = arith.addi %mul3A_107, %add3A_298 : i32
      %dma_wait3A_300 = arith.constant 0 : i32
      %dma_wait3A_301 = arith.constant 4 : i32
      %dma_wait3A_302 = arith.constant 0 : i32
      %dma_wait3A_303 = arith.constant 0 : i32
      %dma_wait3A_304 = tpu.memref_slice %arg19[%dma_wait3A_300, %dma_wait3A_302, %dma_wait3A_303] : memref<8x128x16xf32, #tpu.memory_space<vmem>> -> memref<1x128x16xf32, #tpu.memory_space<vmem>>
      %dma_wait3A_305 = tpu.memref_squeeze %dma_wait3A_304 : memref<1x128x16xf32, #tpu.memory_space<vmem>> -> memref<128x16xf32, #tpu.memory_space<vmem>>
      %dma_wait3A_306 = arith.constant 0 : i32
      %dma_wait3A_307 = tpu.memref_slice %arg12[%add3A_299, %dma_wait3A_306] : memref<80x128xi32, #tpu.memory_space<vmem>> -> memref<1x128xi32, #tpu.memory_space<vmem>>
      %dma_wait3A_308 = tpu.memref_squeeze %dma_wait3A_307 : memref<1x128xi32, #tpu.memory_space<vmem>> -> memref<128xi32, #tpu.memory_space<vmem>>
      %dma_wait3A_309 = arith.constant 0 : i32
      %dma_wait3A_310 = arith.constant 0 : i32
      %dma_wait3A_311 = tpu.memref_slice %arg10[%dma_wait3A_309, %dma_wait3A_310] : memref<10240x16xf32, #tpu.memory_space<vmem_shared>> -> memref<10240x16xf32, #tpu.memory_space<vmem_shared>>
      %dma_wait3A_312 = tpu.memref_slice %arg24[%dma_wait3A_301] : memref<8x!tpu.dma_semaphore, #tpu.memory_space<semaphore_mem>> -> memref<1x!tpu.dma_semaphore, #tpu.memory_space<semaphore_mem>>
      %dma_wait3A_313 = tpu.memref_squeeze %dma_wait3A_312 : memref<1x!tpu.dma_semaphore, #tpu.memory_space<semaphore_mem>> -> memref<!tpu.dma_semaphore, #tpu.memory_space<semaphore_mem>>
      tpu.wait_indirect_dma semaphore(%dma_wait3A_313 : memref<!tpu.dma_semaphore, #tpu.memory_space<semaphore_mem>>) src(%dma_wait3A_305 : memref<128x16xf32, #tpu.memory_space<vmem>>) dst(%dma_wait3A_311 : memref<10240x16xf32, #tpu.memory_space<vmem_shared>>)
      %add3A_314 = arith.constant 5 : i32
      %add3A_315 = arith.addi %mul3A_107, %add3A_314 : i32
      %dma_wait3A_316 = arith.constant 0 : i32
      %dma_wait3A_317 = arith.constant 5 : i32
      %dma_wait3A_318 = arith.constant 0 : i32
      %dma_wait3A_319 = arith.constant 0 : i32
      %dma_wait3A_320 = tpu.memref_slice %arg19[%dma_wait3A_316, %dma_wait3A_318, %dma_wait3A_319] : memref<8x128x16xf32, #tpu.memory_space<vmem>> -> memref<1x128x16xf32, #tpu.memory_space<vmem>>
      %dma_wait3A_321 = tpu.memref_squeeze %dma_wait3A_320 : memref<1x128x16xf32, #tpu.memory_space<vmem>> -> memref<128x16xf32, #tpu.memory_space<vmem>>
      %dma_wait3A_322 = arith.constant 0 : i32
      %dma_wait3A_323 = tpu.memref_slice %arg12[%add3A_315, %dma_wait3A_322] : memref<80x128xi32, #tpu.memory_space<vmem>> -> memref<1x128xi32, #tpu.memory_space<vmem>>
      %dma_wait3A_324 = tpu.memref_squeeze %dma_wait3A_323 : memref<1x128xi32, #tpu.memory_space<vmem>> -> memref<128xi32, #tpu.memory_space<vmem>>
      %dma_wait3A_325 = arith.constant 0 : i32
      %dma_wait3A_326 = arith.constant 0 : i32
      %dma_wait3A_327 = tpu.memref_slice %arg10[%dma_wait3A_325, %dma_wait3A_326] : memref<10240x16xf32, #tpu.memory_space<vmem_shared>> -> memref<10240x16xf32, #tpu.memory_space<vmem_shared>>
      %dma_wait3A_328 = tpu.memref_slice %arg24[%dma_wait3A_317] : memref<8x!tpu.dma_semaphore, #tpu.memory_space<semaphore_mem>> -> memref<1x!tpu.dma_semaphore, #tpu.memory_space<semaphore_mem>>
      %dma_wait3A_329 = tpu.memref_squeeze %dma_wait3A_328 : memref<1x!tpu.dma_semaphore, #tpu.memory_space<semaphore_mem>> -> memref<!tpu.dma_semaphore, #tpu.memory_space<semaphore_mem>>
      tpu.wait_indirect_dma semaphore(%dma_wait3A_329 : memref<!tpu.dma_semaphore, #tpu.memory_space<semaphore_mem>>) src(%dma_wait3A_321 : memref<128x16xf32, #tpu.memory_space<vmem>>) dst(%dma_wait3A_327 : memref<10240x16xf32, #tpu.memory_space<vmem_shared>>)
      %add3A_330 = arith.constant 6 : i32
      %add3A_331 = arith.addi %mul3A_107, %add3A_330 : i32
      %dma_wait3A_332 = arith.constant 0 : i32
      %dma_wait3A_333 = arith.constant 6 : i32
      %dma_wait3A_334 = arith.constant 0 : i32
      %dma_wait3A_335 = arith.constant 0 : i32
      %dma_wait3A_336 = tpu.memref_slice %arg19[%dma_wait3A_332, %dma_wait3A_334, %dma_wait3A_335] : memref<8x128x16xf32, #tpu.memory_space<vmem>> -> memref<1x128x16xf32, #tpu.memory_space<vmem>>
      %dma_wait3A_337 = tpu.memref_squeeze %dma_wait3A_336 : memref<1x128x16xf32, #tpu.memory_space<vmem>> -> memref<128x16xf32, #tpu.memory_space<vmem>>
      %dma_wait3A_338 = arith.constant 0 : i32
      %dma_wait3A_339 = tpu.memref_slice %arg12[%add3A_331, %dma_wait3A_338] : memref<80x128xi32, #tpu.memory_space<vmem>> -> memref<1x128xi32, #tpu.memory_space<vmem>>
      %dma_wait3A_340 = tpu.memref_squeeze %dma_wait3A_339 : memref<1x128xi32, #tpu.memory_space<vmem>> -> memref<128xi32, #tpu.memory_space<vmem>>
      %dma_wait3A_341 = arith.constant 0 : i32
      %dma_wait3A_342 = arith.constant 0 : i32
      %dma_wait3A_343 = tpu.memref_slice %arg10[%dma_wait3A_341, %dma_wait3A_342] : memref<10240x16xf32, #tpu.memory_space<vmem_shared>> -> memref<10240x16xf32, #tpu.memory_space<vmem_shared>>
      %dma_wait3A_344 = tpu.memref_slice %arg24[%dma_wait3A_333] : memref<8x!tpu.dma_semaphore, #tpu.memory_space<semaphore_mem>> -> memref<1x!tpu.dma_semaphore, #tpu.memory_space<semaphore_mem>>
      %dma_wait3A_345 = tpu.memref_squeeze %dma_wait3A_344 : memref<1x!tpu.dma_semaphore, #tpu.memory_space<semaphore_mem>> -> memref<!tpu.dma_semaphore, #tpu.memory_space<semaphore_mem>>
      tpu.wait_indirect_dma semaphore(%dma_wait3A_345 : memref<!tpu.dma_semaphore, #tpu.memory_space<semaphore_mem>>) src(%dma_wait3A_337 : memref<128x16xf32, #tpu.memory_space<vmem>>) dst(%dma_wait3A_343 : memref<10240x16xf32, #tpu.memory_space<vmem_shared>>)
      %add3A_346 = arith.constant 7 : i32
      %add3A_347 = arith.addi %mul3A_107, %add3A_346 : i32
      %dma_wait3A_348 = arith.constant 0 : i32
      %dma_wait3A_349 = arith.constant 7 : i32
      %dma_wait3A_350 = arith.constant 0 : i32
      %dma_wait3A_351 = arith.constant 0 : i32
      %dma_wait3A_352 = tpu.memref_slice %arg19[%dma_wait3A_348, %dma_wait3A_350, %dma_wait3A_351] : memref<8x128x16xf32, #tpu.memory_space<vmem>> -> memref<1x128x16xf32, #tpu.memory_space<vmem>>
      %dma_wait3A_353 = tpu.memref_squeeze %dma_wait3A_352 : memref<1x128x16xf32, #tpu.memory_space<vmem>> -> memref<128x16xf32, #tpu.memory_space<vmem>>
      %dma_wait3A_354 = arith.constant 0 : i32
      %dma_wait3A_355 = tpu.memref_slice %arg12[%add3A_347, %dma_wait3A_354] : memref<80x128xi32, #tpu.memory_space<vmem>> -> memref<1x128xi32, #tpu.memory_space<vmem>>
      %dma_wait3A_356 = tpu.memref_squeeze %dma_wait3A_355 : memref<1x128xi32, #tpu.memory_space<vmem>> -> memref<128xi32, #tpu.memory_space<vmem>>
      %dma_wait3A_357 = arith.constant 0 : i32
      %dma_wait3A_358 = arith.constant 0 : i32
      %dma_wait3A_359 = tpu.memref_slice %arg10[%dma_wait3A_357, %dma_wait3A_358] : memref<10240x16xf32, #tpu.memory_space<vmem_shared>> -> memref<10240x16xf32, #tpu.memory_space<vmem_shared>>
      %dma_wait3A_360 = tpu.memref_slice %arg24[%dma_wait3A_349] : memref<8x!tpu.dma_semaphore, #tpu.memory_space<semaphore_mem>> -> memref<1x!tpu.dma_semaphore, #tpu.memory_space<semaphore_mem>>
      %dma_wait3A_361 = tpu.memref_squeeze %dma_wait3A_360 : memref<1x!tpu.dma_semaphore, #tpu.memory_space<semaphore_mem>> -> memref<!tpu.dma_semaphore, #tpu.memory_space<semaphore_mem>>
      tpu.wait_indirect_dma semaphore(%dma_wait3A_361 : memref<!tpu.dma_semaphore, #tpu.memory_space<semaphore_mem>>) src(%dma_wait3A_353 : memref<128x16xf32, #tpu.memory_space<vmem>>) dst(%dma_wait3A_359 : memref<10240x16xf32, #tpu.memory_space<vmem_shared>>)
      %scan3A_362 = arith.constant 0 : i32
      scf.yield %scan3A_362 : i32
    }
    %scan3A_35 = arith.constant 10 : i32
    %barrier3A_36 = arith.constant 0 : index
    tpu.barrier barrier_id(%barrier3A_36)
    %mul3A_37 = arith.constant 320 : i32
    %mul3A_38 = arith.muli %arg1, %mul3A_37 : i32
    "tpu.region"() ({
      %run_scoped3A = tpu.sem_alloc : memref<!tpu.dma_semaphore, #tpu.memory_space<semaphore_mem>>
      %dma_start3A = arith.constant 0 : i32
      %dma_start3A_104 = tpu.memref_slice %arg6[%arg0, %mul3A_38, %dma_start3A] : memref<2x5120x16xf32, #tpu.memory_space<hbm>> -> memref<1x320x16xf32, #tpu.memory_space<hbm>>
      %dma_start3A_105 = tpu.memref_squeeze %dma_start3A_104 : memref<1x320x16xf32, #tpu.memory_space<hbm>> -> memref<320x16xf32, #tpu.memory_space<hbm>>
      %dma_start3A_106 = arith.constant 0 : i32
      %dma_start3A_107 = tpu.memref_slice %arg10[%multiple_of3A_10, %dma_start3A_106] : memref<10240x16xf32, #tpu.memory_space<vmem_shared>> -> memref<320x16xf32, #tpu.memory_space<vmem_shared>>
      tpu.enqueue_dma source(%dma_start3A_107 : memref<320x16xf32, #tpu.memory_space<vmem_shared>>) target(%dma_start3A_105 : memref<320x16xf32, #tpu.memory_space<hbm>>) target_semaphore(%run_scoped3A : memref<!tpu.dma_semaphore, #tpu.memory_space<semaphore_mem>>)
      %dma_wait3A = arith.constant 0 : i32
      %dma_wait3A_108 = tpu.memref_slice %arg6[%arg0, %mul3A_38, %dma_wait3A] : memref<2x5120x16xf32, #tpu.memory_space<hbm>> -> memref<1x320x16xf32, #tpu.memory_space<hbm>>
      %dma_wait3A_109 = tpu.memref_squeeze %dma_wait3A_108 : memref<1x320x16xf32, #tpu.memory_space<hbm>> -> memref<320x16xf32, #tpu.memory_space<hbm>>
      %dma_wait3A_110 = arith.constant 0 : i32
      %dma_wait3A_111 = tpu.memref_slice %arg10[%multiple_of3A_10, %dma_wait3A_110] : memref<10240x16xf32, #tpu.memory_space<vmem_shared>> -> memref<320x16xf32, #tpu.memory_space<vmem_shared>>
      tpu.wait_dma2 semaphore(%run_scoped3A : memref<!tpu.dma_semaphore, #tpu.memory_space<semaphore_mem>>) src(%dma_wait3A_111 : memref<320x16xf32, #tpu.memory_space<vmem_shared>>) dst(%dma_wait3A_109 : memref<320x16xf32, #tpu.memory_space<hbm>>)
      tpu.yield
    }) : () -> ()
    %barrier3A_39 = arith.constant 0 : index
    tpu.barrier barrier_id(%barrier3A_39)
    %eq3A_40 = arith.constant 0 : i32
    %eq3A_41 = arith.cmpi eq, %arg1, %eq3A_40 : i32
    %convert_element_type3A_42 = arith.extui %eq3A_41 : i1 to i32
    %cond3A_43 = arith.constant 0 : i32
    %cond3A_44 = arith.cmpi ne, %convert_element_type3A_42, %cond3A_43 : i32
    scf.if %cond3A_44 {
      %mul3A_104 = arith.constant 1 : i32
      %mul3A_105 = vector.broadcast %mul3A_104 : i32 to vector<16xi32>
      %mul3A_106 = arith.muli %broadcast_in_dim3A_1, %mul3A_105 : vector<16xi32>
      %swap3A_107 = arith.constant 0 : index
      %swap3A_108 = tpu.vector_load %arg20[%swap3A_107] {strides = array<i32>} : memref<16xi32, #tpu.memory_space<vmem>>, vector<16xi32>,
      %swap3A_109 = vector.shape_cast %swap3A_108 : vector<16xi32> to vector<16xi32>
      %swap3A_110 = vector.shape_cast %mul3A_106 : vector<16xi32> to vector<16xi32>
      tpu.vector_store %arg20[%swap3A_107], %swap3A_110 {strides = array<i32>} : memref<16xi32, #tpu.memory_space<vmem>>, vector<16xi32>,
      "tpu.region"() ({
        %run_scoped3A = tpu.sem_alloc : memref<!tpu.dma_semaphore, #tpu.memory_space<semaphore_mem>>
        %dma_start3A = arith.constant 0 : i32
        %dma_start3A_111 = tpu.memref_slice %arg8[%arg0, %dma_start3A] : memref<2x16xi32, #tpu.memory_space<hbm>> -> memref<1x16xi32, #tpu.memory_space<hbm>>
        %dma_start3A_112 = tpu.memref_squeeze %dma_start3A_111 : memref<1x16xi32, #tpu.memory_space<hbm>> -> memref<16xi32, #tpu.memory_space<hbm>>
        %dma_start3A_113 = arith.constant 0 : i32
        %dma_start3A_114 = tpu.memref_slice %arg8[%arg0, %dma_start3A_113] : memref<2x16xi32, #tpu.memory_space<hbm>> -> memref<1x16xi32, #tpu.memory_space<hbm>>
        %dma_start3A_115 = tpu.memref_squeeze %dma_start3A_114 : memref<1x16xi32, #tpu.memory_space<hbm>> -> memref<16xi32, #tpu.memory_space<hbm>>
        tpu.enqueue_dma source(%arg20 : memref<16xi32, #tpu.memory_space<vmem>>) target(%dma_start3A_115 : memref<16xi32, #tpu.memory_space<hbm>>) target_semaphore(%run_scoped3A : memref<!tpu.dma_semaphore, #tpu.memory_space<semaphore_mem>>)
        %dma_wait3A = arith.constant 0 : i32
        %dma_wait3A_116 = tpu.memref_slice %arg8[%arg0, %dma_wait3A] : memref<2x16xi32, #tpu.memory_space<hbm>> -> memref<1x16xi32, #tpu.memory_space<hbm>>
        %dma_wait3A_117 = tpu.memref_squeeze %dma_wait3A_116 : memref<1x16xi32, #tpu.memory_space<hbm>> -> memref<16xi32, #tpu.memory_space<hbm>>
        %dma_wait3A_118 = arith.constant 0 : i32
        %dma_wait3A_119 = tpu.memref_slice %arg8[%arg0, %dma_wait3A_118] : memref<2x16xi32, #tpu.memory_space<hbm>> -> memref<1x16xi32, #tpu.memory_space<hbm>>
        %dma_wait3A_120 = tpu.memref_squeeze %dma_wait3A_119 : memref<1x16xi32, #tpu.memory_space<hbm>> -> memref<16xi32, #tpu.memory_space<hbm>>
        tpu.wait_dma2 semaphore(%run_scoped3A : memref<!tpu.dma_semaphore, #tpu.memory_space<semaphore_mem>>) src(%arg20 : memref<16xi32, #tpu.memory_space<vmem>>) dst(%dma_wait3A_120 : memref<16xi32, #tpu.memory_space<hbm>>)
        tpu.yield
      }) : () -> ()
    } else {
    }
    %mul3A_45 = arith.constant -1 : i32
    %mul3A_46 = vector.broadcast %mul3A_45 : i32 to vector<16xi32>
    %mul3A_47 = arith.muli %broadcast_in_dim3A_1, %mul3A_46 : vector<16xi32>
    %swap3A = arith.constant 0 : index
    %swap3A_48 = tpu.vector_load %arg21[%swap3A] {strides = array<i32>} : memref<16xi32, #tpu.memory_space<vmem>>, vector<16xi32>,
    %swap3A_49 = vector.shape_cast %swap3A_48 : vector<16xi32> to vector<16xi32>
    %swap3A_50 = vector.shape_cast %mul3A_47 : vector<16xi32> to vector<16xi32>
    tpu.vector_store %arg21[%swap3A], %swap3A_50 {strides = array<i32>} : memref<16xi32, #tpu.memory_space<vmem>>, vector<16xi32>,
    %scan3A_51 = arith.constant 0 : i32
    %scan3A_52 = arith.constant 0 : i32
    %scan3A_53 = arith.constant 64 : i32
    %scan3A_54 = arith.addi %scan3A_52, %scan3A_53 : i32
    %scan3A_55 = arith.constant 1 : i32
    %scan3A_56 = scf.for %scan3A_104 = %scan3A_52 to %scan3A_54 step %scan3A_55 iter_args(%scan3A_105 = %scan3A_51) -> (i32)  : i32 {
      %eq3A_106 = arith.constant 0 : i32
      %eq3A_107 = arith.cmpi eq, %scan3A_105, %eq3A_106 : i32
      %convert_element_type3A_108 = arith.extui %eq3A_107 : i1 to i32
      %cond3A_109 = arith.constant 0 : i32
      %cond3A_110 = arith.cmpi ne, %convert_element_type3A_108, %cond3A_109 : i32
      scf.if %cond3A_110 {
        "tpu.region"() ({
          %run_scoped3A = tpu.sem_alloc : memref<!tpu.dma_semaphore, #tpu.memory_space<semaphore_mem>>
          %dma_start3A = arith.constant 0 : i32
          %dma_start3A_114 = tpu.memref_slice %arg8[%sub3A_0, %dma_start3A] : memref<2x16xi32, #tpu.memory_space<hbm>> -> memref<1x16xi32, #tpu.memory_space<hbm>>
          %dma_start3A_115 = tpu.memref_squeeze %dma_start3A_114 : memref<1x16xi32, #tpu.memory_space<hbm>> -> memref<16xi32, #tpu.memory_space<hbm>>
          %dma_start3A_116 = arith.constant 0 : i32
          %dma_start3A_117 = tpu.memref_slice %arg8[%sub3A_0, %dma_start3A_116] : memref<2x16xi32, #tpu.memory_space<hbm>> -> memref<1x16xi32, #tpu.memory_space<hbm>>
          %dma_start3A_118 = tpu.memref_squeeze %dma_start3A_117 : memref<1x16xi32, #tpu.memory_space<hbm>> -> memref<16xi32, #tpu.memory_space<hbm>>
          tpu.enqueue_dma source(%dma_start3A_118 : memref<16xi32, #tpu.memory_space<hbm>>) target(%arg21 : memref<16xi32, #tpu.memory_space<vmem>>) target_semaphore(%run_scoped3A : memref<!tpu.dma_semaphore, #tpu.memory_space<semaphore_mem>>)
          %dma_wait3A = arith.constant 0 : i32
          %dma_wait3A_119 = tpu.memref_slice %arg8[%sub3A_0, %dma_wait3A] : memref<2x16xi32, #tpu.memory_space<hbm>> -> memref<1x16xi32, #tpu.memory_space<hbm>>
          %dma_wait3A_120 = tpu.memref_squeeze %dma_wait3A_119 : memref<1x16xi32, #tpu.memory_space<hbm>> -> memref<16xi32, #tpu.memory_space<hbm>>
          %dma_wait3A_121 = arith.constant 0 : i32
          %dma_wait3A_122 = tpu.memref_slice %arg8[%sub3A_0, %dma_wait3A_121] : memref<2x16xi32, #tpu.memory_space<hbm>> -> memref<1x16xi32, #tpu.memory_space<hbm>>
          %dma_wait3A_123 = tpu.memref_squeeze %dma_wait3A_122 : memref<1x16xi32, #tpu.memory_space<hbm>> -> memref<16xi32, #tpu.memory_space<hbm>>
          tpu.wait_dma2 semaphore(%run_scoped3A : memref<!tpu.dma_semaphore, #tpu.memory_space<semaphore_mem>>) src(%dma_wait3A_123 : memref<16xi32, #tpu.memory_space<hbm>>) dst(%arg21 : memref<16xi32, #tpu.memory_space<vmem>>)
          tpu.yield
        }) : () -> ()
      } else {
      }
      %get3A = arith.constant 0 : index
      %get3A_111 = tpu.vector_load %arg21[%get3A] {strides = array<i32>} : memref<16xi32, #tpu.memory_space<vmem>>, vector<16xi32>,
      %get3A_112 = vector.shape_cast %get3A_111 : vector<16xi32> to vector<16xi32>
      %slice3A = vector.extract_strided_slice %get3A_112 {offsets = [0], sizes = [1], strides = [1]} : vector<16xi32> to vector<1xi32>
      %squeeze3A = vector.extract %slice3A[0] : i32 from vector<1xi32>
      %ge3A = arith.constant 1 : i32
      %ge3A_113 = arith.cmpi sge, %squeeze3A, %ge3A : i32
      %jit3A = arith.constant 1 : i32
      %select_n3A = arith.select %ge3A_113, %jit3A, %scan3A_105 : i32
      scf.yield %select_n3A : i32
    }
    %scan3A_57 = arith.constant 64 : i32
    %barrier3A_58 = arith.constant 0 : index
    tpu.barrier barrier_id(%barrier3A_58)
    "tpu.region"() ({
      %run_scoped3A = tpu.sem_alloc : memref<!tpu.dma_semaphore, #tpu.memory_space<semaphore_mem>>
      %dma_start3A = arith.constant 0 : i32
      %dma_start3A_104 = tpu.memref_slice %arg10[%multiple_of3A, %dma_start3A] : memref<10240x16xf32, #tpu.memory_space<vmem_shared>> -> memref<320x16xf32, #tpu.memory_space<vmem_shared>>
      %dma_start3A_105 = arith.constant 0 : i32
      %dma_start3A_106 = tpu.memref_slice %arg10[%multiple_of3A, %dma_start3A_105] : memref<10240x16xf32, #tpu.memory_space<vmem_shared>> -> memref<320x16xf32, #tpu.memory_space<vmem_shared>>
      tpu.enqueue_dma source(%dma_start3A_106 : memref<320x16xf32, #tpu.memory_space<vmem_shared>>) target(%arg16 : memref<320x16xf32, #tpu.memory_space<vmem>>) target_semaphore(%run_scoped3A : memref<!tpu.dma_semaphore, #tpu.memory_space<semaphore_mem>>)
      %dma_wait3A = arith.constant 0 : i32
      %dma_wait3A_107 = tpu.memref_slice %arg10[%multiple_of3A, %dma_wait3A] : memref<10240x16xf32, #tpu.memory_space<vmem_shared>> -> memref<320x16xf32, #tpu.memory_space<vmem_shared>>
      %dma_wait3A_108 = arith.constant 0 : i32
      %dma_wait3A_109 = tpu.memref_slice %arg10[%multiple_of3A, %dma_wait3A_108] : memref<10240x16xf32, #tpu.memory_space<vmem_shared>> -> memref<320x16xf32, #tpu.memory_space<vmem_shared>>
      tpu.wait_dma2 semaphore(%run_scoped3A : memref<!tpu.dma_semaphore, #tpu.memory_space<semaphore_mem>>) src(%dma_wait3A_109 : memref<320x16xf32, #tpu.memory_space<vmem_shared>>) dst(%arg16 : memref<320x16xf32, #tpu.memory_space<vmem>>)
      tpu.yield
    }) : () -> ()
    %mul3A_59 = arith.constant 320 : i32
    %mul3A_60 = arith.muli %arg1, %mul3A_59 : i32
    "tpu.region"() ({
      %run_scoped3A = tpu.sem_alloc : memref<!tpu.dma_semaphore, #tpu.memory_space<semaphore_mem>>
      %dma_start3A = arith.constant 0 : i32
      %dma_start3A_104 = tpu.memref_slice %arg6[%sub3A_0, %mul3A_60, %dma_start3A] : memref<2x5120x16xf32, #tpu.memory_space<hbm>> -> memref<1x320x16xf32, #tpu.memory_space<hbm>>
      %dma_start3A_105 = tpu.memref_squeeze %dma_start3A_104 : memref<1x320x16xf32, #tpu.memory_space<hbm>> -> memref<320x16xf32, #tpu.memory_space<hbm>>
      %dma_start3A_106 = arith.constant 0 : i32
      %dma_start3A_107 = tpu.memref_slice %arg6[%sub3A_0, %mul3A_60, %dma_start3A_106] : memref<2x5120x16xf32, #tpu.memory_space<hbm>> -> memref<1x320x16xf32, #tpu.memory_space<hbm>>
      %dma_start3A_108 = tpu.memref_squeeze %dma_start3A_107 : memref<1x320x16xf32, #tpu.memory_space<hbm>> -> memref<320x16xf32, #tpu.memory_space<hbm>>
      tpu.enqueue_dma source(%dma_start3A_108 : memref<320x16xf32, #tpu.memory_space<hbm>>) target(%arg17 : memref<320x16xf32, #tpu.memory_space<vmem>>) target_semaphore(%run_scoped3A : memref<!tpu.dma_semaphore, #tpu.memory_space<semaphore_mem>>)
      %dma_wait3A = arith.constant 0 : i32
      %dma_wait3A_109 = tpu.memref_slice %arg6[%sub3A_0, %mul3A_60, %dma_wait3A] : memref<2x5120x16xf32, #tpu.memory_space<hbm>> -> memref<1x320x16xf32, #tpu.memory_space<hbm>>
      %dma_wait3A_110 = tpu.memref_squeeze %dma_wait3A_109 : memref<1x320x16xf32, #tpu.memory_space<hbm>> -> memref<320x16xf32, #tpu.memory_space<hbm>>
      %dma_wait3A_111 = arith.constant 0 : i32
      %dma_wait3A_112 = tpu.memref_slice %arg6[%sub3A_0, %mul3A_60, %dma_wait3A_111] : memref<2x5120x16xf32, #tpu.memory_space<hbm>> -> memref<1x320x16xf32, #tpu.memory_space<hbm>>
      %dma_wait3A_113 = tpu.memref_squeeze %dma_wait3A_112 : memref<1x320x16xf32, #tpu.memory_space<hbm>> -> memref<320x16xf32, #tpu.memory_space<hbm>>
      tpu.wait_dma2 semaphore(%run_scoped3A : memref<!tpu.dma_semaphore, #tpu.memory_space<semaphore_mem>>) src(%dma_wait3A_113 : memref<320x16xf32, #tpu.memory_space<hbm>>) dst(%arg17 : memref<320x16xf32, #tpu.memory_space<vmem>>)
      tpu.yield
    }) : () -> ()
    "tpu.region"() ({
      %run_scoped3A = tpu.sem_alloc : memref<!tpu.dma_semaphore, #tpu.memory_space<semaphore_mem>>
      %dma_start3A = arith.constant 0 : i32
      %dma_start3A_104 = tpu.memref_slice %arg4[%multiple_of3A, %dma_start3A] : memref<10240x16xf32, #tpu.memory_space<hbm>> -> memref<320x16xf32, #tpu.memory_space<hbm>>
      %dma_start3A_105 = arith.constant 0 : i32
      %dma_start3A_106 = tpu.memref_slice %arg4[%multiple_of3A, %dma_start3A_105] : memref<10240x16xf32, #tpu.memory_space<hbm>> -> memref<320x16xf32, #tpu.memory_space<hbm>>
      tpu.enqueue_dma source(%dma_start3A_106 : memref<320x16xf32, #tpu.memory_space<hbm>>) target(%arg15 : memref<320x16xf32, #tpu.memory_space<vmem>>) target_semaphore(%run_scoped3A : memref<!tpu.dma_semaphore, #tpu.memory_space<semaphore_mem>>)
      %dma_wait3A = arith.constant 0 : i32
      %dma_wait3A_107 = tpu.memref_slice %arg4[%multiple_of3A, %dma_wait3A] : memref<10240x16xf32, #tpu.memory_space<hbm>> -> memref<320x16xf32, #tpu.memory_space<hbm>>
      %dma_wait3A_108 = arith.constant 0 : i32
      %dma_wait3A_109 = tpu.memref_slice %arg4[%multiple_of3A, %dma_wait3A_108] : memref<10240x16xf32, #tpu.memory_space<hbm>> -> memref<320x16xf32, #tpu.memory_space<hbm>>
      tpu.wait_dma2 semaphore(%run_scoped3A : memref<!tpu.dma_semaphore, #tpu.memory_space<semaphore_mem>>) src(%dma_wait3A_109 : memref<320x16xf32, #tpu.memory_space<hbm>>) dst(%arg15 : memref<320x16xf32, #tpu.memory_space<vmem>>)
      tpu.yield
    }) : () -> ()
    %scan3A_61 = arith.constant 0 : i32
    %scan3A_62 = arith.constant 0 : i32
    %scan3A_63 = arith.constant 320 : i32
    %scan3A_64 = arith.addi %scan3A_62, %scan3A_63 : i32
    %scan3A_65 = arith.constant 1 : i32
    %scan3A_66 = scf.for %scan3A_104 = %scan3A_62 to %scan3A_64 step %scan3A_65 iter_args(%scan3A_105 = %scan3A_61) -> (i32)  : i32 {
      %get3A = arith.index_cast %scan3A_104 : i32 to index
      %get3A_106 = arith.constant 0 : index
      %get3A_107 = tpu.vector_load %arg16[%get3A, %get3A_106] {strides = array<i32>} : memref<320x16xf32, #tpu.memory_space<vmem>>, vector<1x16xf32>,
      %get3A_108 = vector.shape_cast %get3A_107 : vector<1x16xf32> to vector<16xf32>
      %get3A_109 = arith.index_cast %scan3A_104 : i32 to index
      %get3A_110 = arith.constant 0 : index
      %get3A_111 = tpu.vector_load %arg17[%get3A_109, %get3A_110] {strides = array<i32>} : memref<320x16xf32, #tpu.memory_space<vmem>>, vector<1x16xf32>,
      %get3A_112 = vector.shape_cast %get3A_111 : vector<1x16xf32> to vector<16xf32>
      %add3A_113 = arith.addf %get3A_108, %get3A_112 : vector<16xf32>
      %add3A_114 = arith.constant 1.000000e+00 : f32
      %add3A_115 = vector.broadcast %add3A_114 : f32 to vector<16xf32>
      %add3A_116 = arith.addf %add3A_113, %add3A_115 : vector<16xf32>
      %bitcast_convert_type3A = tpu.bitcast %add3A_116 : vector<16xf32> -> vector<16xi32>
      %shift_right_logical3A = arith.constant 1 : i32
      %shift_right_logical3A_117 = vector.broadcast %shift_right_logical3A : i32 to vector<16xi32>
      %shift_right_logical3A_118 = arith.shrui %bitcast_convert_type3A, %shift_right_logical3A_117 : vector<16xi32>
      %sub3A_119 = arith.constant 1597463007 : i32
      %sub3A_120 = vector.broadcast %sub3A_119 : i32 to vector<16xi32>
      %sub3A_121 = arith.subi %sub3A_120, %shift_right_logical3A_118 : vector<16xi32>
      %bitcast_convert_type3A_122 = tpu.bitcast %sub3A_121 : vector<16xi32> -> vector<16xf32>
      %mul3A_123 = arith.constant 5.000000e-01 : f32
      %mul3A_124 = vector.broadcast %mul3A_123 : f32 to vector<16xf32>
      %mul3A_125 = arith.mulf %mul3A_124, %add3A_116 : vector<16xf32>
      %mul3A_126 = arith.mulf %mul3A_125, %bitcast_convert_type3A_122 : vector<16xf32>
      %mul3A_127 = arith.mulf %mul3A_126, %bitcast_convert_type3A_122 : vector<16xf32>
      %sub3A_128 = arith.constant 1.500000e+00 : f32
      %sub3A_129 = vector.broadcast %sub3A_128 : f32 to vector<16xf32>
      %sub3A_130 = arith.subf %sub3A_129, %mul3A_127 : vector<16xf32>
      %mul3A_131 = arith.mulf %bitcast_convert_type3A_122, %sub3A_130 : vector<16xf32>
      %mul3A_132 = arith.mulf %mul3A_125, %mul3A_131 : vector<16xf32>
      %mul3A_133 = arith.mulf %mul3A_132, %mul3A_131 : vector<16xf32>
      %sub3A_134 = arith.constant 1.500000e+00 : f32
      %sub3A_135 = vector.broadcast %sub3A_134 : f32 to vector<16xf32>
      %sub3A_136 = arith.subf %sub3A_135, %mul3A_133 : vector<16xf32>
      %mul3A_137 = arith.mulf %mul3A_131, %sub3A_136 : vector<16xf32>
      %mul3A_138 = arith.mulf %mul3A_125, %mul3A_137 : vector<16xf32>
      %mul3A_139 = arith.mulf %mul3A_138, %mul3A_137 : vector<16xf32>
      %sub3A_140 = arith.constant 1.500000e+00 : f32
      %sub3A_141 = vector.broadcast %sub3A_140 : f32 to vector<16xf32>
      %sub3A_142 = arith.subf %sub3A_141, %mul3A_139 : vector<16xf32>
      %mul3A_143 = arith.mulf %mul3A_137, %sub3A_142 : vector<16xf32>
      %mul3A_144 = arith.mulf %mul3A_125, %mul3A_143 : vector<16xf32>
      %mul3A_145 = arith.mulf %mul3A_144, %mul3A_143 : vector<16xf32>
      %sub3A_146 = arith.constant 1.500000e+00 : f32
      %sub3A_147 = vector.broadcast %sub3A_146 : f32 to vector<16xf32>
      %sub3A_148 = arith.subf %sub3A_147, %mul3A_145 : vector<16xf32>
      %mul3A_149 = arith.mulf %mul3A_143, %sub3A_148 : vector<16xf32>
      %get3A_150 = arith.index_cast %scan3A_104 : i32 to index
      %get3A_151 = arith.constant 0 : index
      %get3A_152 = tpu.vector_load %arg15[%get3A_150, %get3A_151] {strides = array<i32>} : memref<320x16xf32, #tpu.memory_space<vmem>>, vector<1x16xf32>,
      %get3A_153 = vector.shape_cast %get3A_152 : vector<1x16xf32> to vector<16xf32>
      %mul3A_154 = arith.mulf %mul3A_149, %get3A_153 : vector<16xf32>
      %swap3A_155 = arith.index_cast %scan3A_104 : i32 to index
      %swap3A_156 = arith.constant 0 : index
      %swap3A_157 = tpu.vector_load %arg13[%swap3A_155, %swap3A_156] {strides = array<i32>} : memref<320x16xf32, #tpu.memory_space<vmem>>, vector<1x16xf32>,
      %swap3A_158 = vector.shape_cast %swap3A_157 : vector<1x16xf32> to vector<16xf32>
      %swap3A_159 = vector.shape_cast %mul3A_154 : vector<16xf32> to vector<1x16xf32>
      tpu.vector_store %arg13[%swap3A_155, %swap3A_156], %swap3A_159 {strides = array<i32>} : memref<320x16xf32, #tpu.memory_space<vmem>>, vector<1x16xf32>,
      %mul3A_160 = arith.constant 1.000000e-01 : f32
      %mul3A_161 = vector.broadcast %mul3A_160 : f32 to vector<16xf32>
      %mul3A_162 = arith.mulf %mul3A_161, %mul3A_154 : vector<16xf32>
      %swap3A_163 = arith.index_cast %scan3A_104 : i32 to index
      %swap3A_164 = arith.constant 0 : index
      %swap3A_165 = tpu.vector_load %arg15[%swap3A_163, %swap3A_164] {strides = array<i32>} : memref<320x16xf32, #tpu.memory_space<vmem>>, vector<1x16xf32>,
      %swap3A_166 = vector.shape_cast %swap3A_165 : vector<1x16xf32> to vector<16xf32>
      %swap3A_167 = vector.shape_cast %mul3A_162 : vector<16xf32> to vector<1x16xf32>
      tpu.vector_store %arg15[%swap3A_163, %swap3A_164], %swap3A_167 {strides = array<i32>} : memref<320x16xf32, #tpu.memory_space<vmem>>, vector<1x16xf32>,
      %mul3A_168 = arith.constant 0.899999976 : f32
      %mul3A_169 = vector.broadcast %mul3A_168 : f32 to vector<16xf32>
      %mul3A_170 = arith.mulf %mul3A_169, %mul3A_149 : vector<16xf32>
      %mul3A_171 = arith.mulf %mul3A_170, %mul3A_149 : vector<16xf32>
      %swap3A_172 = arith.index_cast %scan3A_104 : i32 to index
      %swap3A_173 = arith.constant 0 : index
      %swap3A_174 = tpu.vector_load %arg14[%swap3A_172, %swap3A_173] {strides = array<i32>} : memref<320x16xf32, #tpu.memory_space<vmem>>, vector<1x16xf32>,
      %swap3A_175 = vector.shape_cast %swap3A_174 : vector<1x16xf32> to vector<16xf32>
      %swap3A_176 = vector.shape_cast %mul3A_171 : vector<16xf32> to vector<1x16xf32>
      tpu.vector_store %arg14[%swap3A_172, %swap3A_173], %swap3A_176 {strides = array<i32>} : memref<320x16xf32, #tpu.memory_space<vmem>>, vector<1x16xf32>,
      %scan3A_177 = arith.constant 0 : i32
      scf.yield %scan3A_177 : i32
    }
    %scan3A_67 = arith.constant 320 : i32
    %barrier3A_68 = arith.constant 0 : index
    tpu.barrier barrier_id(%barrier3A_68)
    "tpu.region"() ({
      %run_scoped3A = tpu.sem_alloc : memref<!tpu.dma_semaphore, #tpu.memory_space<semaphore_mem>>
      %dma_start3A = arith.constant 0 : i32
      %dma_start3A_104 = tpu.memref_slice %arg10[%multiple_of3A_28, %dma_start3A] : memref<10240x16xf32, #tpu.memory_space<vmem_shared>> -> memref<640x16xf32, #tpu.memory_space<vmem_shared>>
      %dma_start3A_105 = arith.constant 0 : i32
      %dma_start3A_106 = tpu.memref_slice %arg10[%multiple_of3A_28, %dma_start3A_105] : memref<10240x16xf32, #tpu.memory_space<vmem_shared>> -> memref<640x16xf32, #tpu.memory_space<vmem_shared>>
      tpu.enqueue_dma source(%arg18 : memref<640x16xf32, #tpu.memory_space<vmem>>) target(%dma_start3A_106 : memref<640x16xf32, #tpu.memory_space<vmem_shared>>) target_semaphore(%run_scoped3A : memref<!tpu.dma_semaphore, #tpu.memory_space<semaphore_mem>>)
      %dma_wait3A = arith.constant 0 : i32
      %dma_wait3A_107 = tpu.memref_slice %arg10[%multiple_of3A_28, %dma_wait3A] : memref<10240x16xf32, #tpu.memory_space<vmem_shared>> -> memref<640x16xf32, #tpu.memory_space<vmem_shared>>
      %dma_wait3A_108 = arith.constant 0 : i32
      %dma_wait3A_109 = tpu.memref_slice %arg10[%multiple_of3A_28, %dma_wait3A_108] : memref<10240x16xf32, #tpu.memory_space<vmem_shared>> -> memref<640x16xf32, #tpu.memory_space<vmem_shared>>
      tpu.wait_dma2 semaphore(%run_scoped3A : memref<!tpu.dma_semaphore, #tpu.memory_space<semaphore_mem>>) src(%arg18 : memref<640x16xf32, #tpu.memory_space<vmem>>) dst(%dma_wait3A_109 : memref<640x16xf32, #tpu.memory_space<vmem_shared>>)
      tpu.yield
    }) : () -> ()
    "tpu.region"() ({
      %run_scoped3A = tpu.sem_alloc : memref<!tpu.dma_semaphore, #tpu.memory_space<semaphore_mem>>
      %dma_start3A = arith.constant 0 : i32
      %dma_start3A_104 = tpu.memref_slice %arg9[%multiple_of3A, %dma_start3A] : memref<10240x16xf32, #tpu.memory_space<vmem_shared>> -> memref<320x16xf32, #tpu.memory_space<vmem_shared>>
      %dma_start3A_105 = arith.constant 0 : i32
      %dma_start3A_106 = tpu.memref_slice %arg9[%multiple_of3A, %dma_start3A_105] : memref<10240x16xf32, #tpu.memory_space<vmem_shared>> -> memref<320x16xf32, #tpu.memory_space<vmem_shared>>
      tpu.enqueue_dma source(%arg13 : memref<320x16xf32, #tpu.memory_space<vmem>>) target(%dma_start3A_106 : memref<320x16xf32, #tpu.memory_space<vmem_shared>>) target_semaphore(%run_scoped3A : memref<!tpu.dma_semaphore, #tpu.memory_space<semaphore_mem>>)
      %dma_wait3A = arith.constant 0 : i32
      %dma_wait3A_107 = tpu.memref_slice %arg9[%multiple_of3A, %dma_wait3A] : memref<10240x16xf32, #tpu.memory_space<vmem_shared>> -> memref<320x16xf32, #tpu.memory_space<vmem_shared>>
      %dma_wait3A_108 = arith.constant 0 : i32
      %dma_wait3A_109 = tpu.memref_slice %arg9[%multiple_of3A, %dma_wait3A_108] : memref<10240x16xf32, #tpu.memory_space<vmem_shared>> -> memref<320x16xf32, #tpu.memory_space<vmem_shared>>
      tpu.wait_dma2 semaphore(%run_scoped3A : memref<!tpu.dma_semaphore, #tpu.memory_space<semaphore_mem>>) src(%arg13 : memref<320x16xf32, #tpu.memory_space<vmem>>) dst(%dma_wait3A_109 : memref<320x16xf32, #tpu.memory_space<vmem_shared>>)
      tpu.yield
    }) : () -> ()
    "tpu.region"() ({
      %run_scoped3A = tpu.sem_alloc : memref<!tpu.dma_semaphore, #tpu.memory_space<semaphore_mem>>
      %dma_start3A = arith.constant 0 : i32
      %dma_start3A_104 = tpu.memref_slice %arg7[%multiple_of3A, %dma_start3A] : memref<10240x16xf32, #tpu.memory_space<hbm>> -> memref<320x16xf32, #tpu.memory_space<hbm>>
      %dma_start3A_105 = arith.constant 0 : i32
      %dma_start3A_106 = tpu.memref_slice %arg7[%multiple_of3A, %dma_start3A_105] : memref<10240x16xf32, #tpu.memory_space<hbm>> -> memref<320x16xf32, #tpu.memory_space<hbm>>
      tpu.enqueue_dma source(%arg13 : memref<320x16xf32, #tpu.memory_space<vmem>>) target(%dma_start3A_106 : memref<320x16xf32, #tpu.memory_space<hbm>>) target_semaphore(%run_scoped3A : memref<!tpu.dma_semaphore, #tpu.memory_space<semaphore_mem>>)
      %dma_wait3A = arith.constant 0 : i32
      %dma_wait3A_107 = tpu.memref_slice %arg7[%multiple_of3A, %dma_wait3A] : memref<10240x16xf32, #tpu.memory_space<hbm>> -> memref<320x16xf32, #tpu.memory_space<hbm>>
      %dma_wait3A_108 = arith.constant 0 : i32
      %dma_wait3A_109 = tpu.memref_slice %arg7[%multiple_of3A, %dma_wait3A_108] : memref<10240x16xf32, #tpu.memory_space<hbm>> -> memref<320x16xf32, #tpu.memory_space<hbm>>
      tpu.wait_dma2 semaphore(%run_scoped3A : memref<!tpu.dma_semaphore, #tpu.memory_space<semaphore_mem>>) src(%arg13 : memref<320x16xf32, #tpu.memory_space<vmem>>) dst(%dma_wait3A_109 : memref<320x16xf32, #tpu.memory_space<hbm>>)
      tpu.yield
    }) : () -> ()
    %barrier3A_69 = arith.constant 0 : index
    tpu.barrier barrier_id(%barrier3A_69)
    %eq3A_70 = arith.constant 0 : i32
    %eq3A_71 = arith.cmpi eq, %arg1, %eq3A_70 : i32
    %convert_element_type3A_72 = arith.extui %eq3A_71 : i1 to i32
    %cond3A_73 = arith.constant 0 : i32
    %cond3A_74 = arith.cmpi ne, %convert_element_type3A_72, %cond3A_73 : i32
    scf.if %cond3A_74 {
      %mul3A_104 = arith.constant 2 : i32
      %mul3A_105 = vector.broadcast %mul3A_104 : i32 to vector<16xi32>
      %mul3A_106 = arith.muli %broadcast_in_dim3A_1, %mul3A_105 : vector<16xi32>
      %swap3A_107 = arith.constant 0 : index
      %swap3A_108 = tpu.vector_load %arg20[%swap3A_107] {strides = array<i32>} : memref<16xi32, #tpu.memory_space<vmem>>, vector<16xi32>,
      %swap3A_109 = vector.shape_cast %swap3A_108 : vector<16xi32> to vector<16xi32>
      %swap3A_110 = vector.shape_cast %mul3A_106 : vector<16xi32> to vector<16xi32>
      tpu.vector_store %arg20[%swap3A_107], %swap3A_110 {strides = array<i32>} : memref<16xi32, #tpu.memory_space<vmem>>, vector<16xi32>,
      "tpu.region"() ({
        %run_scoped3A = tpu.sem_alloc : memref<!tpu.dma_semaphore, #tpu.memory_space<semaphore_mem>>
        %dma_start3A = arith.constant 0 : i32
        %dma_start3A_111 = tpu.memref_slice %arg8[%arg0, %dma_start3A] : memref<2x16xi32, #tpu.memory_space<hbm>> -> memref<1x16xi32, #tpu.memory_space<hbm>>
        %dma_start3A_112 = tpu.memref_squeeze %dma_start3A_111 : memref<1x16xi32, #tpu.memory_space<hbm>> -> memref<16xi32, #tpu.memory_space<hbm>>
        %dma_start3A_113 = arith.constant 0 : i32
        %dma_start3A_114 = tpu.memref_slice %arg8[%arg0, %dma_start3A_113] : memref<2x16xi32, #tpu.memory_space<hbm>> -> memref<1x16xi32, #tpu.memory_space<hbm>>
        %dma_start3A_115 = tpu.memref_squeeze %dma_start3A_114 : memref<1x16xi32, #tpu.memory_space<hbm>> -> memref<16xi32, #tpu.memory_space<hbm>>
        tpu.enqueue_dma source(%arg20 : memref<16xi32, #tpu.memory_space<vmem>>) target(%dma_start3A_115 : memref<16xi32, #tpu.memory_space<hbm>>) target_semaphore(%run_scoped3A : memref<!tpu.dma_semaphore, #tpu.memory_space<semaphore_mem>>)
        %dma_wait3A = arith.constant 0 : i32
        %dma_wait3A_116 = tpu.memref_slice %arg8[%arg0, %dma_wait3A] : memref<2x16xi32, #tpu.memory_space<hbm>> -> memref<1x16xi32, #tpu.memory_space<hbm>>
        %dma_wait3A_117 = tpu.memref_squeeze %dma_wait3A_116 : memref<1x16xi32, #tpu.memory_space<hbm>> -> memref<16xi32, #tpu.memory_space<hbm>>
        %dma_wait3A_118 = arith.constant 0 : i32
        %dma_wait3A_119 = tpu.memref_slice %arg8[%arg0, %dma_wait3A_118] : memref<2x16xi32, #tpu.memory_space<hbm>> -> memref<1x16xi32, #tpu.memory_space<hbm>>
        %dma_wait3A_120 = tpu.memref_squeeze %dma_wait3A_119 : memref<1x16xi32, #tpu.memory_space<hbm>> -> memref<16xi32, #tpu.memory_space<hbm>>
        tpu.wait_dma2 semaphore(%run_scoped3A : memref<!tpu.dma_semaphore, #tpu.memory_space<semaphore_mem>>) src(%arg20 : memref<16xi32, #tpu.memory_space<vmem>>) dst(%dma_wait3A_120 : memref<16xi32, #tpu.memory_space<hbm>>)
        tpu.yield
      }) : () -> ()
    } else {
    }
    %mul3A_75 = arith.constant -1 : i32
    %mul3A_76 = vector.broadcast %mul3A_75 : i32 to vector<16xi32>
    %mul3A_77 = arith.muli %broadcast_in_dim3A_1, %mul3A_76 : vector<16xi32>
    %swap3A_78 = arith.constant 0 : index
    %swap3A_79 = tpu.vector_load %arg21[%swap3A_78] {strides = array<i32>} : memref<16xi32, #tpu.memory_space<vmem>>, vector<16xi32>,
    %swap3A_80 = vector.shape_cast %swap3A_79 : vector<16xi32> to vector<16xi32>
    %swap3A_81 = vector.shape_cast %mul3A_77 : vector<16xi32> to vector<16xi32>
    tpu.vector_store %arg21[%swap3A_78], %swap3A_81 {strides = array<i32>} : memref<16xi32, #tpu.memory_space<vmem>>, vector<16xi32>,
    %scan3A_82 = arith.constant 0 : i32
    %scan3A_83 = arith.constant 0 : i32
    %scan3A_84 = arith.constant 64 : i32
    %scan3A_85 = arith.addi %scan3A_83, %scan3A_84 : i32
    %scan3A_86 = arith.constant 1 : i32
    %scan3A_87 = scf.for %scan3A_104 = %scan3A_83 to %scan3A_85 step %scan3A_86 iter_args(%scan3A_105 = %scan3A_82) -> (i32)  : i32 {
      %eq3A_106 = arith.constant 0 : i32
      %eq3A_107 = arith.cmpi eq, %scan3A_105, %eq3A_106 : i32
      %convert_element_type3A_108 = arith.extui %eq3A_107 : i1 to i32
      %cond3A_109 = arith.constant 0 : i32
      %cond3A_110 = arith.cmpi ne, %convert_element_type3A_108, %cond3A_109 : i32
      scf.if %cond3A_110 {
        "tpu.region"() ({
          %run_scoped3A = tpu.sem_alloc : memref<!tpu.dma_semaphore, #tpu.memory_space<semaphore_mem>>
          %dma_start3A = arith.constant 0 : i32
          %dma_start3A_114 = tpu.memref_slice %arg8[%sub3A_0, %dma_start3A] : memref<2x16xi32, #tpu.memory_space<hbm>> -> memref<1x16xi32, #tpu.memory_space<hbm>>
          %dma_start3A_115 = tpu.memref_squeeze %dma_start3A_114 : memref<1x16xi32, #tpu.memory_space<hbm>> -> memref<16xi32, #tpu.memory_space<hbm>>
          %dma_start3A_116 = arith.constant 0 : i32
          %dma_start3A_117 = tpu.memref_slice %arg8[%sub3A_0, %dma_start3A_116] : memref<2x16xi32, #tpu.memory_space<hbm>> -> memref<1x16xi32, #tpu.memory_space<hbm>>
          %dma_start3A_118 = tpu.memref_squeeze %dma_start3A_117 : memref<1x16xi32, #tpu.memory_space<hbm>> -> memref<16xi32, #tpu.memory_space<hbm>>
          tpu.enqueue_dma source(%dma_start3A_118 : memref<16xi32, #tpu.memory_space<hbm>>) target(%arg21 : memref<16xi32, #tpu.memory_space<vmem>>) target_semaphore(%run_scoped3A : memref<!tpu.dma_semaphore, #tpu.memory_space<semaphore_mem>>)
          %dma_wait3A = arith.constant 0 : i32
          %dma_wait3A_119 = tpu.memref_slice %arg8[%sub3A_0, %dma_wait3A] : memref<2x16xi32, #tpu.memory_space<hbm>> -> memref<1x16xi32, #tpu.memory_space<hbm>>
          %dma_wait3A_120 = tpu.memref_squeeze %dma_wait3A_119 : memref<1x16xi32, #tpu.memory_space<hbm>> -> memref<16xi32, #tpu.memory_space<hbm>>
          %dma_wait3A_121 = arith.constant 0 : i32
          %dma_wait3A_122 = tpu.memref_slice %arg8[%sub3A_0, %dma_wait3A_121] : memref<2x16xi32, #tpu.memory_space<hbm>> -> memref<1x16xi32, #tpu.memory_space<hbm>>
          %dma_wait3A_123 = tpu.memref_squeeze %dma_wait3A_122 : memref<1x16xi32, #tpu.memory_space<hbm>> -> memref<16xi32, #tpu.memory_space<hbm>>
          tpu.wait_dma2 semaphore(%run_scoped3A : memref<!tpu.dma_semaphore, #tpu.memory_space<semaphore_mem>>) src(%dma_wait3A_123 : memref<16xi32, #tpu.memory_space<hbm>>) dst(%arg21 : memref<16xi32, #tpu.memory_space<vmem>>)
          tpu.yield
        }) : () -> ()
      } else {
      }
      %get3A = arith.constant 0 : index
      %get3A_111 = tpu.vector_load %arg21[%get3A] {strides = array<i32>} : memref<16xi32, #tpu.memory_space<vmem>>, vector<16xi32>,
      %get3A_112 = vector.shape_cast %get3A_111 : vector<16xi32> to vector<16xi32>
      %slice3A = vector.extract_strided_slice %get3A_112 {offsets = [0], sizes = [1], strides = [1]} : vector<16xi32> to vector<1xi32>
      %squeeze3A = vector.extract %slice3A[0] : i32 from vector<1xi32>
      %ge3A = arith.constant 2 : i32
      %ge3A_113 = arith.cmpi sge, %squeeze3A, %ge3A : i32
      %jit3A = arith.constant 1 : i32
      %select_n3A = arith.select %ge3A_113, %jit3A, %scan3A_105 : i32
      scf.yield %select_n3A : i32
    }
    %scan3A_88 = arith.constant 64 : i32
    %barrier3A_89 = arith.constant 0 : index
    tpu.barrier barrier_id(%barrier3A_89)
    "tpu.region"() ({
      %run_scoped3A = tpu.sem_alloc : memref<!tpu.dma_semaphore, #tpu.memory_space<semaphore_mem>>
      %dma_start3A = arith.constant 0 : i32
      %dma_start3A_104 = tpu.memref_slice %arg9[%multiple_of3A_10, %dma_start3A] : memref<10240x16xf32, #tpu.memory_space<vmem_shared>> -> memref<320x16xf32, #tpu.memory_space<vmem_shared>>
      %dma_start3A_105 = arith.constant 0 : i32
      %dma_start3A_106 = tpu.memref_slice %arg7[%multiple_of3A_10, %dma_start3A_105] : memref<10240x16xf32, #tpu.memory_space<hbm>> -> memref<320x16xf32, #tpu.memory_space<hbm>>
      tpu.enqueue_dma source(%dma_start3A_106 : memref<320x16xf32, #tpu.memory_space<hbm>>) target(%dma_start3A_104 : memref<320x16xf32, #tpu.memory_space<vmem_shared>>) target_semaphore(%run_scoped3A : memref<!tpu.dma_semaphore, #tpu.memory_space<semaphore_mem>>)
      %dma_wait3A = arith.constant 0 : i32
      %dma_wait3A_107 = tpu.memref_slice %arg9[%multiple_of3A_10, %dma_wait3A] : memref<10240x16xf32, #tpu.memory_space<vmem_shared>> -> memref<320x16xf32, #tpu.memory_space<vmem_shared>>
      %dma_wait3A_108 = arith.constant 0 : i32
      %dma_wait3A_109 = tpu.memref_slice %arg7[%multiple_of3A_10, %dma_wait3A_108] : memref<10240x16xf32, #tpu.memory_space<hbm>> -> memref<320x16xf32, #tpu.memory_space<hbm>>
      tpu.wait_dma2 semaphore(%run_scoped3A : memref<!tpu.dma_semaphore, #tpu.memory_space<semaphore_mem>>) src(%dma_wait3A_109 : memref<320x16xf32, #tpu.memory_space<hbm>>) dst(%dma_wait3A_107 : memref<320x16xf32, #tpu.memory_space<vmem_shared>>)
      tpu.yield
    }) : () -> ()
    %barrier3A_90 = arith.constant 0 : index
    tpu.barrier barrier_id(%barrier3A_90)
    %scan3A_91 = arith.constant 0 : i32
    %scan3A_92 = arith.constant 0 : i32
    %scan3A_93 = arith.constant 10 : i32
    %scan3A_94 = arith.addi %scan3A_92, %scan3A_93 : i32
    %scan3A_95 = arith.constant 1 : i32
    scf.for %scan3A_104 = %scan3A_92 to %scan3A_94 step %scan3A_95  : i32 {
      %dma_start3A = arith.constant 0 : i32
      %dma_start3A_105 = arith.constant 0 : i32
      %dma_start3A_106 = arith.constant 0 : i32
      %dma_start3A_107 = arith.constant 0 : i32
      %dma_start3A_108 = arith.constant 0 : i32
      %dma_start3A_109 = tpu.memref_slice %arg19[%dma_start3A_105, %dma_start3A_107, %dma_start3A_108] : memref<8x128x16xf32, #tpu.memory_space<vmem>> -> memref<1x128x16xf32, #tpu.memory_space<vmem>>
      %dma_start3A_110 = tpu.memref_squeeze %dma_start3A_109 : memref<1x128x16xf32, #tpu.memory_space<vmem>> -> memref<128x16xf32, #tpu.memory_space<vmem>>
      %dma_start3A_111 = arith.constant 0 : i32
      %dma_start3A_112 = tpu.memref_slice %arg11[%dma_start3A, %dma_start3A_111] : memref<80x128xi32, #tpu.memory_space<vmem>> -> memref<1x128xi32, #tpu.memory_space<vmem>>
      %dma_start3A_113 = tpu.memref_squeeze %dma_start3A_112 : memref<1x128xi32, #tpu.memory_space<vmem>> -> memref<128xi32, #tpu.memory_space<vmem>>
      %dma_start3A_114 = arith.constant 0 : i32
      %dma_start3A_115 = arith.constant 0 : i32
      %dma_start3A_116 = tpu.memref_slice %arg9[%dma_start3A_114, %dma_start3A_115] : memref<10240x16xf32, #tpu.memory_space<vmem_shared>> -> memref<10240x16xf32, #tpu.memory_space<vmem_shared>>
      %dma_start3A_117 = tpu.memref_slice %arg23[%dma_start3A_106] : memref<8x!tpu.dma_semaphore, #tpu.memory_space<semaphore_mem>> -> memref<1x!tpu.dma_semaphore, #tpu.memory_space<semaphore_mem>>
      %dma_start3A_118 = tpu.memref_squeeze %dma_start3A_117 : memref<1x!tpu.dma_semaphore, #tpu.memory_space<semaphore_mem>> -> memref<!tpu.dma_semaphore, #tpu.memory_space<semaphore_mem>>
      tpu.enqueue_indirect_dma source(%dma_start3A_116 : memref<10240x16xf32, #tpu.memory_space<vmem_shared>>) target(%dma_start3A_110 : memref<128x16xf32, #tpu.memory_space<vmem>>) offsets(%dma_start3A_113 : memref<128xi32, #tpu.memory_space<vmem>>) semaphore(%dma_start3A_118 : memref<!tpu.dma_semaphore, #tpu.memory_space<semaphore_mem>>)
      %dma_start3A_119 = arith.constant 1 : i32
      %dma_start3A_120 = arith.constant 1 : i32
      %dma_start3A_121 = arith.constant 1 : i32
      %dma_start3A_122 = arith.constant 0 : i32
      %dma_start3A_123 = arith.constant 0 : i32
      %dma_start3A_124 = tpu.memref_slice %arg19[%dma_start3A_120, %dma_start3A_122, %dma_start3A_123] : memref<8x128x16xf32, #tpu.memory_space<vmem>> -> memref<1x128x16xf32, #tpu.memory_space<vmem>>
      %dma_start3A_125 = tpu.memref_squeeze %dma_start3A_124 : memref<1x128x16xf32, #tpu.memory_space<vmem>> -> memref<128x16xf32, #tpu.memory_space<vmem>>
      %dma_start3A_126 = arith.constant 0 : i32
      %dma_start3A_127 = tpu.memref_slice %arg11[%dma_start3A_119, %dma_start3A_126] : memref<80x128xi32, #tpu.memory_space<vmem>> -> memref<1x128xi32, #tpu.memory_space<vmem>>
      %dma_start3A_128 = tpu.memref_squeeze %dma_start3A_127 : memref<1x128xi32, #tpu.memory_space<vmem>> -> memref<128xi32, #tpu.memory_space<vmem>>
      %dma_start3A_129 = arith.constant 0 : i32
      %dma_start3A_130 = arith.constant 0 : i32
      %dma_start3A_131 = tpu.memref_slice %arg9[%dma_start3A_129, %dma_start3A_130] : memref<10240x16xf32, #tpu.memory_space<vmem_shared>> -> memref<10240x16xf32, #tpu.memory_space<vmem_shared>>
      %dma_start3A_132 = tpu.memref_slice %arg23[%dma_start3A_121] : memref<8x!tpu.dma_semaphore, #tpu.memory_space<semaphore_mem>> -> memref<1x!tpu.dma_semaphore, #tpu.memory_space<semaphore_mem>>
      %dma_start3A_133 = tpu.memref_squeeze %dma_start3A_132 : memref<1x!tpu.dma_semaphore, #tpu.memory_space<semaphore_mem>> -> memref<!tpu.dma_semaphore, #tpu.memory_space<semaphore_mem>>
      tpu.enqueue_indirect_dma source(%dma_start3A_131 : memref<10240x16xf32, #tpu.memory_space<vmem_shared>>) target(%dma_start3A_125 : memref<128x16xf32, #tpu.memory_space<vmem>>) offsets(%dma_start3A_128 : memref<128xi32, #tpu.memory_space<vmem>>) semaphore(%dma_start3A_133 : memref<!tpu.dma_semaphore, #tpu.memory_space<semaphore_mem>>)
      %dma_start3A_134 = arith.constant 2 : i32
      %dma_start3A_135 = arith.constant 2 : i32
      %dma_start3A_136 = arith.constant 2 : i32
      %dma_start3A_137 = arith.constant 0 : i32
      %dma_start3A_138 = arith.constant 0 : i32
      %dma_start3A_139 = tpu.memref_slice %arg19[%dma_start3A_135, %dma_start3A_137, %dma_start3A_138] : memref<8x128x16xf32, #tpu.memory_space<vmem>> -> memref<1x128x16xf32, #tpu.memory_space<vmem>>
      %dma_start3A_140 = tpu.memref_squeeze %dma_start3A_139 : memref<1x128x16xf32, #tpu.memory_space<vmem>> -> memref<128x16xf32, #tpu.memory_space<vmem>>
      %dma_start3A_141 = arith.constant 0 : i32
      %dma_start3A_142 = tpu.memref_slice %arg11[%dma_start3A_134, %dma_start3A_141] : memref<80x128xi32, #tpu.memory_space<vmem>> -> memref<1x128xi32, #tpu.memory_space<vmem>>
      %dma_start3A_143 = tpu.memref_squeeze %dma_start3A_142 : memref<1x128xi32, #tpu.memory_space<vmem>> -> memref<128xi32, #tpu.memory_space<vmem>>
      %dma_start3A_144 = arith.constant 0 : i32
      %dma_start3A_145 = arith.constant 0 : i32
      %dma_start3A_146 = tpu.memref_slice %arg9[%dma_start3A_144, %dma_start3A_145] : memref<10240x16xf32, #tpu.memory_space<vmem_shared>> -> memref<10240x16xf32, #tpu.memory_space<vmem_shared>>
      %dma_start3A_147 = tpu.memref_slice %arg23[%dma_start3A_136] : memref<8x!tpu.dma_semaphore, #tpu.memory_space<semaphore_mem>> -> memref<1x!tpu.dma_semaphore, #tpu.memory_space<semaphore_mem>>
      %dma_start3A_148 = tpu.memref_squeeze %dma_start3A_147 : memref<1x!tpu.dma_semaphore, #tpu.memory_space<semaphore_mem>> -> memref<!tpu.dma_semaphore, #tpu.memory_space<semaphore_mem>>
      tpu.enqueue_indirect_dma source(%dma_start3A_146 : memref<10240x16xf32, #tpu.memory_space<vmem_shared>>) target(%dma_start3A_140 : memref<128x16xf32, #tpu.memory_space<vmem>>) offsets(%dma_start3A_143 : memref<128xi32, #tpu.memory_space<vmem>>) semaphore(%dma_start3A_148 : memref<!tpu.dma_semaphore, #tpu.memory_space<semaphore_mem>>)
      %dma_start3A_149 = arith.constant 3 : i32
      %dma_start3A_150 = arith.constant 3 : i32
      %dma_start3A_151 = arith.constant 3 : i32
      %dma_start3A_152 = arith.constant 0 : i32
      %dma_start3A_153 = arith.constant 0 : i32
      %dma_start3A_154 = tpu.memref_slice %arg19[%dma_start3A_150, %dma_start3A_152, %dma_start3A_153] : memref<8x128x16xf32, #tpu.memory_space<vmem>> -> memref<1x128x16xf32, #tpu.memory_space<vmem>>
      %dma_start3A_155 = tpu.memref_squeeze %dma_start3A_154 : memref<1x128x16xf32, #tpu.memory_space<vmem>> -> memref<128x16xf32, #tpu.memory_space<vmem>>
      %dma_start3A_156 = arith.constant 0 : i32
      %dma_start3A_157 = tpu.memref_slice %arg11[%dma_start3A_149, %dma_start3A_156] : memref<80x128xi32, #tpu.memory_space<vmem>> -> memref<1x128xi32, #tpu.memory_space<vmem>>
      %dma_start3A_158 = tpu.memref_squeeze %dma_start3A_157 : memref<1x128xi32, #tpu.memory_space<vmem>> -> memref<128xi32, #tpu.memory_space<vmem>>
      %dma_start3A_159 = arith.constant 0 : i32
      %dma_start3A_160 = arith.constant 0 : i32
      %dma_start3A_161 = tpu.memref_slice %arg9[%dma_start3A_159, %dma_start3A_160] : memref<10240x16xf32, #tpu.memory_space<vmem_shared>> -> memref<10240x16xf32, #tpu.memory_space<vmem_shared>>
      %dma_start3A_162 = tpu.memref_slice %arg23[%dma_start3A_151] : memref<8x!tpu.dma_semaphore, #tpu.memory_space<semaphore_mem>> -> memref<1x!tpu.dma_semaphore, #tpu.memory_space<semaphore_mem>>
      %dma_start3A_163 = tpu.memref_squeeze %dma_start3A_162 : memref<1x!tpu.dma_semaphore, #tpu.memory_space<semaphore_mem>> -> memref<!tpu.dma_semaphore, #tpu.memory_space<semaphore_mem>>
      tpu.enqueue_indirect_dma source(%dma_start3A_161 : memref<10240x16xf32, #tpu.memory_space<vmem_shared>>) target(%dma_start3A_155 : memref<128x16xf32, #tpu.memory_space<vmem>>) offsets(%dma_start3A_158 : memref<128xi32, #tpu.memory_space<vmem>>) semaphore(%dma_start3A_163 : memref<!tpu.dma_semaphore, #tpu.memory_space<semaphore_mem>>)
      %dma_start3A_164 = arith.constant 4 : i32
      %dma_start3A_165 = arith.constant 4 : i32
      %dma_start3A_166 = arith.constant 4 : i32
      %dma_start3A_167 = arith.constant 0 : i32
      %dma_start3A_168 = arith.constant 0 : i32
      %dma_start3A_169 = tpu.memref_slice %arg19[%dma_start3A_165, %dma_start3A_167, %dma_start3A_168] : memref<8x128x16xf32, #tpu.memory_space<vmem>> -> memref<1x128x16xf32, #tpu.memory_space<vmem>>
      %dma_start3A_170 = tpu.memref_squeeze %dma_start3A_169 : memref<1x128x16xf32, #tpu.memory_space<vmem>> -> memref<128x16xf32, #tpu.memory_space<vmem>>
      %dma_start3A_171 = arith.constant 0 : i32
      %dma_start3A_172 = tpu.memref_slice %arg11[%dma_start3A_164, %dma_start3A_171] : memref<80x128xi32, #tpu.memory_space<vmem>> -> memref<1x128xi32, #tpu.memory_space<vmem>>
      %dma_start3A_173 = tpu.memref_squeeze %dma_start3A_172 : memref<1x128xi32, #tpu.memory_space<vmem>> -> memref<128xi32, #tpu.memory_space<vmem>>
      %dma_start3A_174 = arith.constant 0 : i32
      %dma_start3A_175 = arith.constant 0 : i32
      %dma_start3A_176 = tpu.memref_slice %arg9[%dma_start3A_174, %dma_start3A_175] : memref<10240x16xf32, #tpu.memory_space<vmem_shared>> -> memref<10240x16xf32, #tpu.memory_space<vmem_shared>>
      %dma_start3A_177 = tpu.memref_slice %arg23[%dma_start3A_166] : memref<8x!tpu.dma_semaphore, #tpu.memory_space<semaphore_mem>> -> memref<1x!tpu.dma_semaphore, #tpu.memory_space<semaphore_mem>>
      %dma_start3A_178 = tpu.memref_squeeze %dma_start3A_177 : memref<1x!tpu.dma_semaphore, #tpu.memory_space<semaphore_mem>> -> memref<!tpu.dma_semaphore, #tpu.memory_space<semaphore_mem>>
      tpu.enqueue_indirect_dma source(%dma_start3A_176 : memref<10240x16xf32, #tpu.memory_space<vmem_shared>>) target(%dma_start3A_170 : memref<128x16xf32, #tpu.memory_space<vmem>>) offsets(%dma_start3A_173 : memref<128xi32, #tpu.memory_space<vmem>>) semaphore(%dma_start3A_178 : memref<!tpu.dma_semaphore, #tpu.memory_space<semaphore_mem>>)
      %dma_start3A_179 = arith.constant 5 : i32
      %dma_start3A_180 = arith.constant 5 : i32
      %dma_start3A_181 = arith.constant 5 : i32
      %dma_start3A_182 = arith.constant 0 : i32
      %dma_start3A_183 = arith.constant 0 : i32
      %dma_start3A_184 = tpu.memref_slice %arg19[%dma_start3A_180, %dma_start3A_182, %dma_start3A_183] : memref<8x128x16xf32, #tpu.memory_space<vmem>> -> memref<1x128x16xf32, #tpu.memory_space<vmem>>
      %dma_start3A_185 = tpu.memref_squeeze %dma_start3A_184 : memref<1x128x16xf32, #tpu.memory_space<vmem>> -> memref<128x16xf32, #tpu.memory_space<vmem>>
      %dma_start3A_186 = arith.constant 0 : i32
      %dma_start3A_187 = tpu.memref_slice %arg11[%dma_start3A_179, %dma_start3A_186] : memref<80x128xi32, #tpu.memory_space<vmem>> -> memref<1x128xi32, #tpu.memory_space<vmem>>
      %dma_start3A_188 = tpu.memref_squeeze %dma_start3A_187 : memref<1x128xi32, #tpu.memory_space<vmem>> -> memref<128xi32, #tpu.memory_space<vmem>>
      %dma_start3A_189 = arith.constant 0 : i32
      %dma_start3A_190 = arith.constant 0 : i32
      %dma_start3A_191 = tpu.memref_slice %arg9[%dma_start3A_189, %dma_start3A_190] : memref<10240x16xf32, #tpu.memory_space<vmem_shared>> -> memref<10240x16xf32, #tpu.memory_space<vmem_shared>>
      %dma_start3A_192 = tpu.memref_slice %arg23[%dma_start3A_181] : memref<8x!tpu.dma_semaphore, #tpu.memory_space<semaphore_mem>> -> memref<1x!tpu.dma_semaphore, #tpu.memory_space<semaphore_mem>>
      %dma_start3A_193 = tpu.memref_squeeze %dma_start3A_192 : memref<1x!tpu.dma_semaphore, #tpu.memory_space<semaphore_mem>> -> memref<!tpu.dma_semaphore, #tpu.memory_space<semaphore_mem>>
      tpu.enqueue_indirect_dma source(%dma_start3A_191 : memref<10240x16xf32, #tpu.memory_space<vmem_shared>>) target(%dma_start3A_185 : memref<128x16xf32, #tpu.memory_space<vmem>>) offsets(%dma_start3A_188 : memref<128xi32, #tpu.memory_space<vmem>>) semaphore(%dma_start3A_193 : memref<!tpu.dma_semaphore, #tpu.memory_space<semaphore_mem>>)
      %dma_start3A_194 = arith.constant 6 : i32
      %dma_start3A_195 = arith.constant 6 : i32
      %dma_start3A_196 = arith.constant 6 : i32
      %dma_start3A_197 = arith.constant 0 : i32
      %dma_start3A_198 = arith.constant 0 : i32
      %dma_start3A_199 = tpu.memref_slice %arg19[%dma_start3A_195, %dma_start3A_197, %dma_start3A_198] : memref<8x128x16xf32, #tpu.memory_space<vmem>> -> memref<1x128x16xf32, #tpu.memory_space<vmem>>
      %dma_start3A_200 = tpu.memref_squeeze %dma_start3A_199 : memref<1x128x16xf32, #tpu.memory_space<vmem>> -> memref<128x16xf32, #tpu.memory_space<vmem>>
      %dma_start3A_201 = arith.constant 0 : i32
      %dma_start3A_202 = tpu.memref_slice %arg11[%dma_start3A_194, %dma_start3A_201] : memref<80x128xi32, #tpu.memory_space<vmem>> -> memref<1x128xi32, #tpu.memory_space<vmem>>
      %dma_start3A_203 = tpu.memref_squeeze %dma_start3A_202 : memref<1x128xi32, #tpu.memory_space<vmem>> -> memref<128xi32, #tpu.memory_space<vmem>>
      %dma_start3A_204 = arith.constant 0 : i32
      %dma_start3A_205 = arith.constant 0 : i32
      %dma_start3A_206 = tpu.memref_slice %arg9[%dma_start3A_204, %dma_start3A_205] : memref<10240x16xf32, #tpu.memory_space<vmem_shared>> -> memref<10240x16xf32, #tpu.memory_space<vmem_shared>>
      %dma_start3A_207 = tpu.memref_slice %arg23[%dma_start3A_196] : memref<8x!tpu.dma_semaphore, #tpu.memory_space<semaphore_mem>> -> memref<1x!tpu.dma_semaphore, #tpu.memory_space<semaphore_mem>>
      %dma_start3A_208 = tpu.memref_squeeze %dma_start3A_207 : memref<1x!tpu.dma_semaphore, #tpu.memory_space<semaphore_mem>> -> memref<!tpu.dma_semaphore, #tpu.memory_space<semaphore_mem>>
      tpu.enqueue_indirect_dma source(%dma_start3A_206 : memref<10240x16xf32, #tpu.memory_space<vmem_shared>>) target(%dma_start3A_200 : memref<128x16xf32, #tpu.memory_space<vmem>>) offsets(%dma_start3A_203 : memref<128xi32, #tpu.memory_space<vmem>>) semaphore(%dma_start3A_208 : memref<!tpu.dma_semaphore, #tpu.memory_space<semaphore_mem>>)
      %dma_start3A_209 = arith.constant 7 : i32
      %dma_start3A_210 = arith.constant 7 : i32
      %dma_start3A_211 = arith.constant 7 : i32
      %dma_start3A_212 = arith.constant 0 : i32
      %dma_start3A_213 = arith.constant 0 : i32
      %dma_start3A_214 = tpu.memref_slice %arg19[%dma_start3A_210, %dma_start3A_212, %dma_start3A_213] : memref<8x128x16xf32, #tpu.memory_space<vmem>> -> memref<1x128x16xf32, #tpu.memory_space<vmem>>
      %dma_start3A_215 = tpu.memref_squeeze %dma_start3A_214 : memref<1x128x16xf32, #tpu.memory_space<vmem>> -> memref<128x16xf32, #tpu.memory_space<vmem>>
      %dma_start3A_216 = arith.constant 0 : i32
      %dma_start3A_217 = tpu.memref_slice %arg11[%dma_start3A_209, %dma_start3A_216] : memref<80x128xi32, #tpu.memory_space<vmem>> -> memref<1x128xi32, #tpu.memory_space<vmem>>
      %dma_start3A_218 = tpu.memref_squeeze %dma_start3A_217 : memref<1x128xi32, #tpu.memory_space<vmem>> -> memref<128xi32, #tpu.memory_space<vmem>>
      %dma_start3A_219 = arith.constant 0 : i32
      %dma_start3A_220 = arith.constant 0 : i32
      %dma_start3A_221 = tpu.memref_slice %arg9[%dma_start3A_219, %dma_start3A_220] : memref<10240x16xf32, #tpu.memory_space<vmem_shared>> -> memref<10240x16xf32, #tpu.memory_space<vmem_shared>>
      %dma_start3A_222 = tpu.memref_slice %arg23[%dma_start3A_211] : memref<8x!tpu.dma_semaphore, #tpu.memory_space<semaphore_mem>> -> memref<1x!tpu.dma_semaphore, #tpu.memory_space<semaphore_mem>>
      %dma_start3A_223 = tpu.memref_squeeze %dma_start3A_222 : memref<1x!tpu.dma_semaphore, #tpu.memory_space<semaphore_mem>> -> memref<!tpu.dma_semaphore, #tpu.memory_space<semaphore_mem>>
      tpu.enqueue_indirect_dma source(%dma_start3A_221 : memref<10240x16xf32, #tpu.memory_space<vmem_shared>>) target(%dma_start3A_215 : memref<128x16xf32, #tpu.memory_space<vmem>>) offsets(%dma_start3A_218 : memref<128xi32, #tpu.memory_space<vmem>>) semaphore(%dma_start3A_223 : memref<!tpu.dma_semaphore, #tpu.memory_space<semaphore_mem>>)
      %scan3A_224 = arith.constant 0 : i32
      %scan3A_225 = arith.constant 0 : i32
      %scan3A_226 = arith.constant 10 : i32
      %scan3A_227 = arith.addi %scan3A_225, %scan3A_226 : i32
      %scan3A_228 = arith.constant 1 : i32
      %scan3A_229 = scf.for %scan3A_295 = %scan3A_225 to %scan3A_227 step %scan3A_228 iter_args(%scan3A_296 = %scan3A_224) -> (i32)  : i32 {
        %mul3A_297 = arith.constant 8 : i32
        %mul3A_298 = arith.muli %scan3A_295, %mul3A_297 : i32
        %add3A_299 = arith.constant 0 : i32
        %add3A_300 = arith.addi %mul3A_298, %add3A_299 : i32
        %dma_wait3A = arith.constant 0 : i32
        %dma_wait3A_301 = arith.constant 0 : i32
        %dma_wait3A_302 = arith.constant 0 : i32
        %dma_wait3A_303 = arith.constant 0 : i32
        %dma_wait3A_304 = tpu.memref_slice %arg19[%dma_wait3A, %dma_wait3A_302, %dma_wait3A_303] : memref<8x128x16xf32, #tpu.memory_space<vmem>> -> memref<1x128x16xf32, #tpu.memory_space<vmem>>
        %dma_wait3A_305 = tpu.memref_squeeze %dma_wait3A_304 : memref<1x128x16xf32, #tpu.memory_space<vmem>> -> memref<128x16xf32, #tpu.memory_space<vmem>>
        %dma_wait3A_306 = arith.constant 0 : i32
        %dma_wait3A_307 = tpu.memref_slice %arg11[%add3A_300, %dma_wait3A_306] : memref<80x128xi32, #tpu.memory_space<vmem>> -> memref<1x128xi32, #tpu.memory_space<vmem>>
        %dma_wait3A_308 = tpu.memref_squeeze %dma_wait3A_307 : memref<1x128xi32, #tpu.memory_space<vmem>> -> memref<128xi32, #tpu.memory_space<vmem>>
        %dma_wait3A_309 = arith.constant 0 : i32
        %dma_wait3A_310 = arith.constant 0 : i32
        %dma_wait3A_311 = tpu.memref_slice %arg9[%dma_wait3A_309, %dma_wait3A_310] : memref<10240x16xf32, #tpu.memory_space<vmem_shared>> -> memref<10240x16xf32, #tpu.memory_space<vmem_shared>>
        %dma_wait3A_312 = tpu.memref_slice %arg23[%dma_wait3A_301] : memref<8x!tpu.dma_semaphore, #tpu.memory_space<semaphore_mem>> -> memref<1x!tpu.dma_semaphore, #tpu.memory_space<semaphore_mem>>
        %dma_wait3A_313 = tpu.memref_squeeze %dma_wait3A_312 : memref<1x!tpu.dma_semaphore, #tpu.memory_space<semaphore_mem>> -> memref<!tpu.dma_semaphore, #tpu.memory_space<semaphore_mem>>
        tpu.wait_indirect_dma semaphore(%dma_wait3A_313 : memref<!tpu.dma_semaphore, #tpu.memory_space<semaphore_mem>>) src(%dma_wait3A_311 : memref<10240x16xf32, #tpu.memory_space<vmem_shared>>) dst(%dma_wait3A_305 : memref<128x16xf32, #tpu.memory_space<vmem>>)
        %dma_start3A_314 = arith.constant 0 : i32
        %dma_start3A_315 = arith.constant 0 : i32
        %dma_start3A_316 = arith.constant 0 : i32
        %dma_start3A_317 = arith.constant 0 : i32
        %dma_start3A_318 = tpu.memref_slice %arg19[%dma_start3A_314, %dma_start3A_316, %dma_start3A_317] : memref<8x128x16xf32, #tpu.memory_space<vmem>> -> memref<1x128x16xf32, #tpu.memory_space<vmem>>
        %dma_start3A_319 = tpu.memref_squeeze %dma_start3A_318 : memref<1x128x16xf32, #tpu.memory_space<vmem>> -> memref<128x16xf32, #tpu.memory_space<vmem>>
        %dma_start3A_320 = arith.constant 0 : i32
        %dma_start3A_321 = tpu.memref_slice %arg12[%add3A_300, %dma_start3A_320] : memref<80x128xi32, #tpu.memory_space<vmem>> -> memref<1x128xi32, #tpu.memory_space<vmem>>
        %dma_start3A_322 = tpu.memref_squeeze %dma_start3A_321 : memref<1x128xi32, #tpu.memory_space<vmem>> -> memref<128xi32, #tpu.memory_space<vmem>>
        %dma_start3A_323 = arith.constant 0 : i32
        %dma_start3A_324 = arith.constant 0 : i32
        %dma_start3A_325 = tpu.memref_slice %arg10[%dma_start3A_323, %dma_start3A_324] : memref<10240x16xf32, #tpu.memory_space<vmem_shared>> -> memref<10240x16xf32, #tpu.memory_space<vmem_shared>>
        %dma_start3A_326 = tpu.memref_slice %arg24[%dma_start3A_315] : memref<8x!tpu.dma_semaphore, #tpu.memory_space<semaphore_mem>> -> memref<1x!tpu.dma_semaphore, #tpu.memory_space<semaphore_mem>>
        %dma_start3A_327 = tpu.memref_squeeze %dma_start3A_326 : memref<1x!tpu.dma_semaphore, #tpu.memory_space<semaphore_mem>> -> memref<!tpu.dma_semaphore, #tpu.memory_space<semaphore_mem>>
        tpu.enqueue_indirect_dma source(%dma_start3A_319 : memref<128x16xf32, #tpu.memory_space<vmem>>) target(%dma_start3A_325 : memref<10240x16xf32, #tpu.memory_space<vmem_shared>>) offsets(%dma_start3A_322 : memref<128xi32, #tpu.memory_space<vmem>>) semaphore(%dma_start3A_327 : memref<!tpu.dma_semaphore, #tpu.memory_space<semaphore_mem>>) {add = true}
        %add3A_328 = arith.constant 1 : i32
        %add3A_329 = arith.addi %mul3A_298, %add3A_328 : i32
        %dma_wait3A_330 = arith.constant 1 : i32
        %dma_wait3A_331 = arith.constant 1 : i32
        %dma_wait3A_332 = arith.constant 0 : i32
        %dma_wait3A_333 = arith.constant 0 : i32
        %dma_wait3A_334 = tpu.memref_slice %arg19[%dma_wait3A_330, %dma_wait3A_332, %dma_wait3A_333] : memref<8x128x16xf32, #tpu.memory_space<vmem>> -> memref<1x128x16xf32, #tpu.memory_space<vmem>>
        %dma_wait3A_335 = tpu.memref_squeeze %dma_wait3A_334 : memref<1x128x16xf32, #tpu.memory_space<vmem>> -> memref<128x16xf32, #tpu.memory_space<vmem>>
        %dma_wait3A_336 = arith.constant 0 : i32
        %dma_wait3A_337 = tpu.memref_slice %arg11[%add3A_329, %dma_wait3A_336] : memref<80x128xi32, #tpu.memory_space<vmem>> -> memref<1x128xi32, #tpu.memory_space<vmem>>
        %dma_wait3A_338 = tpu.memref_squeeze %dma_wait3A_337 : memref<1x128xi32, #tpu.memory_space<vmem>> -> memref<128xi32, #tpu.memory_space<vmem>>
        %dma_wait3A_339 = arith.constant 0 : i32
        %dma_wait3A_340 = arith.constant 0 : i32
        %dma_wait3A_341 = tpu.memref_slice %arg9[%dma_wait3A_339, %dma_wait3A_340] : memref<10240x16xf32, #tpu.memory_space<vmem_shared>> -> memref<10240x16xf32, #tpu.memory_space<vmem_shared>>
        %dma_wait3A_342 = tpu.memref_slice %arg23[%dma_wait3A_331] : memref<8x!tpu.dma_semaphore, #tpu.memory_space<semaphore_mem>> -> memref<1x!tpu.dma_semaphore, #tpu.memory_space<semaphore_mem>>
        %dma_wait3A_343 = tpu.memref_squeeze %dma_wait3A_342 : memref<1x!tpu.dma_semaphore, #tpu.memory_space<semaphore_mem>> -> memref<!tpu.dma_semaphore, #tpu.memory_space<semaphore_mem>>
        tpu.wait_indirect_dma semaphore(%dma_wait3A_343 : memref<!tpu.dma_semaphore, #tpu.memory_space<semaphore_mem>>) src(%dma_wait3A_341 : memref<10240x16xf32, #tpu.memory_space<vmem_shared>>) dst(%dma_wait3A_335 : memref<128x16xf32, #tpu.memory_space<vmem>>)
        %dma_start3A_344 = arith.constant 1 : i32
        %dma_start3A_345 = arith.constant 1 : i32
        %dma_start3A_346 = arith.constant 0 : i32
        %dma_start3A_347 = arith.constant 0 : i32
        %dma_start3A_348 = tpu.memref_slice %arg19[%dma_start3A_344, %dma_start3A_346, %dma_start3A_347] : memref<8x128x16xf32, #tpu.memory_space<vmem>> -> memref<1x128x16xf32, #tpu.memory_space<vmem>>
        %dma_start3A_349 = tpu.memref_squeeze %dma_start3A_348 : memref<1x128x16xf32, #tpu.memory_space<vmem>> -> memref<128x16xf32, #tpu.memory_space<vmem>>
        %dma_start3A_350 = arith.constant 0 : i32
        %dma_start3A_351 = tpu.memref_slice %arg12[%add3A_329, %dma_start3A_350] : memref<80x128xi32, #tpu.memory_space<vmem>> -> memref<1x128xi32, #tpu.memory_space<vmem>>
        %dma_start3A_352 = tpu.memref_squeeze %dma_start3A_351 : memref<1x128xi32, #tpu.memory_space<vmem>> -> memref<128xi32, #tpu.memory_space<vmem>>
        %dma_start3A_353 = arith.constant 0 : i32
        %dma_start3A_354 = arith.constant 0 : i32
        %dma_start3A_355 = tpu.memref_slice %arg10[%dma_start3A_353, %dma_start3A_354] : memref<10240x16xf32, #tpu.memory_space<vmem_shared>> -> memref<10240x16xf32, #tpu.memory_space<vmem_shared>>
        %dma_start3A_356 = tpu.memref_slice %arg24[%dma_start3A_345] : memref<8x!tpu.dma_semaphore, #tpu.memory_space<semaphore_mem>> -> memref<1x!tpu.dma_semaphore, #tpu.memory_space<semaphore_mem>>
        %dma_start3A_357 = tpu.memref_squeeze %dma_start3A_356 : memref<1x!tpu.dma_semaphore, #tpu.memory_space<semaphore_mem>> -> memref<!tpu.dma_semaphore, #tpu.memory_space<semaphore_mem>>
        tpu.enqueue_indirect_dma source(%dma_start3A_349 : memref<128x16xf32, #tpu.memory_space<vmem>>) target(%dma_start3A_355 : memref<10240x16xf32, #tpu.memory_space<vmem_shared>>) offsets(%dma_start3A_352 : memref<128xi32, #tpu.memory_space<vmem>>) semaphore(%dma_start3A_357 : memref<!tpu.dma_semaphore, #tpu.memory_space<semaphore_mem>>) {add = true}
        %add3A_358 = arith.constant 2 : i32
        %add3A_359 = arith.addi %mul3A_298, %add3A_358 : i32
        %dma_wait3A_360 = arith.constant 2 : i32
        %dma_wait3A_361 = arith.constant 2 : i32
        %dma_wait3A_362 = arith.constant 0 : i32
        %dma_wait3A_363 = arith.constant 0 : i32
        %dma_wait3A_364 = tpu.memref_slice %arg19[%dma_wait3A_360, %dma_wait3A_362, %dma_wait3A_363] : memref<8x128x16xf32, #tpu.memory_space<vmem>> -> memref<1x128x16xf32, #tpu.memory_space<vmem>>
        %dma_wait3A_365 = tpu.memref_squeeze %dma_wait3A_364 : memref<1x128x16xf32, #tpu.memory_space<vmem>> -> memref<128x16xf32, #tpu.memory_space<vmem>>
        %dma_wait3A_366 = arith.constant 0 : i32
        %dma_wait3A_367 = tpu.memref_slice %arg11[%add3A_359, %dma_wait3A_366] : memref<80x128xi32, #tpu.memory_space<vmem>> -> memref<1x128xi32, #tpu.memory_space<vmem>>
        %dma_wait3A_368 = tpu.memref_squeeze %dma_wait3A_367 : memref<1x128xi32, #tpu.memory_space<vmem>> -> memref<128xi32, #tpu.memory_space<vmem>>
        %dma_wait3A_369 = arith.constant 0 : i32
        %dma_wait3A_370 = arith.constant 0 : i32
        %dma_wait3A_371 = tpu.memref_slice %arg9[%dma_wait3A_369, %dma_wait3A_370] : memref<10240x16xf32, #tpu.memory_space<vmem_shared>> -> memref<10240x16xf32, #tpu.memory_space<vmem_shared>>
        %dma_wait3A_372 = tpu.memref_slice %arg23[%dma_wait3A_361] : memref<8x!tpu.dma_semaphore, #tpu.memory_space<semaphore_mem>> -> memref<1x!tpu.dma_semaphore, #tpu.memory_space<semaphore_mem>>
        %dma_wait3A_373 = tpu.memref_squeeze %dma_wait3A_372 : memref<1x!tpu.dma_semaphore, #tpu.memory_space<semaphore_mem>> -> memref<!tpu.dma_semaphore, #tpu.memory_space<semaphore_mem>>
        tpu.wait_indirect_dma semaphore(%dma_wait3A_373 : memref<!tpu.dma_semaphore, #tpu.memory_space<semaphore_mem>>) src(%dma_wait3A_371 : memref<10240x16xf32, #tpu.memory_space<vmem_shared>>) dst(%dma_wait3A_365 : memref<128x16xf32, #tpu.memory_space<vmem>>)
        %dma_start3A_374 = arith.constant 2 : i32
        %dma_start3A_375 = arith.constant 2 : i32
        %dma_start3A_376 = arith.constant 0 : i32
        %dma_start3A_377 = arith.constant 0 : i32
        %dma_start3A_378 = tpu.memref_slice %arg19[%dma_start3A_374, %dma_start3A_376, %dma_start3A_377] : memref<8x128x16xf32, #tpu.memory_space<vmem>> -> memref<1x128x16xf32, #tpu.memory_space<vmem>>
        %dma_start3A_379 = tpu.memref_squeeze %dma_start3A_378 : memref<1x128x16xf32, #tpu.memory_space<vmem>> -> memref<128x16xf32, #tpu.memory_space<vmem>>
        %dma_start3A_380 = arith.constant 0 : i32
        %dma_start3A_381 = tpu.memref_slice %arg12[%add3A_359, %dma_start3A_380] : memref<80x128xi32, #tpu.memory_space<vmem>> -> memref<1x128xi32, #tpu.memory_space<vmem>>
        %dma_start3A_382 = tpu.memref_squeeze %dma_start3A_381 : memref<1x128xi32, #tpu.memory_space<vmem>> -> memref<128xi32, #tpu.memory_space<vmem>>
        %dma_start3A_383 = arith.constant 0 : i32
        %dma_start3A_384 = arith.constant 0 : i32
        %dma_start3A_385 = tpu.memref_slice %arg10[%dma_start3A_383, %dma_start3A_384] : memref<10240x16xf32, #tpu.memory_space<vmem_shared>> -> memref<10240x16xf32, #tpu.memory_space<vmem_shared>>
        %dma_start3A_386 = tpu.memref_slice %arg24[%dma_start3A_375] : memref<8x!tpu.dma_semaphore, #tpu.memory_space<semaphore_mem>> -> memref<1x!tpu.dma_semaphore, #tpu.memory_space<semaphore_mem>>
        %dma_start3A_387 = tpu.memref_squeeze %dma_start3A_386 : memref<1x!tpu.dma_semaphore, #tpu.memory_space<semaphore_mem>> -> memref<!tpu.dma_semaphore, #tpu.memory_space<semaphore_mem>>
        tpu.enqueue_indirect_dma source(%dma_start3A_379 : memref<128x16xf32, #tpu.memory_space<vmem>>) target(%dma_start3A_385 : memref<10240x16xf32, #tpu.memory_space<vmem_shared>>) offsets(%dma_start3A_382 : memref<128xi32, #tpu.memory_space<vmem>>) semaphore(%dma_start3A_387 : memref<!tpu.dma_semaphore, #tpu.memory_space<semaphore_mem>>) {add = true}
        %add3A_388 = arith.constant 3 : i32
        %add3A_389 = arith.addi %mul3A_298, %add3A_388 : i32
        %dma_wait3A_390 = arith.constant 3 : i32
        %dma_wait3A_391 = arith.constant 3 : i32
        %dma_wait3A_392 = arith.constant 0 : i32
        %dma_wait3A_393 = arith.constant 0 : i32
        %dma_wait3A_394 = tpu.memref_slice %arg19[%dma_wait3A_390, %dma_wait3A_392, %dma_wait3A_393] : memref<8x128x16xf32, #tpu.memory_space<vmem>> -> memref<1x128x16xf32, #tpu.memory_space<vmem>>
        %dma_wait3A_395 = tpu.memref_squeeze %dma_wait3A_394 : memref<1x128x16xf32, #tpu.memory_space<vmem>> -> memref<128x16xf32, #tpu.memory_space<vmem>>
        %dma_wait3A_396 = arith.constant 0 : i32
        %dma_wait3A_397 = tpu.memref_slice %arg11[%add3A_389, %dma_wait3A_396] : memref<80x128xi32, #tpu.memory_space<vmem>> -> memref<1x128xi32, #tpu.memory_space<vmem>>
        %dma_wait3A_398 = tpu.memref_squeeze %dma_wait3A_397 : memref<1x128xi32, #tpu.memory_space<vmem>> -> memref<128xi32, #tpu.memory_space<vmem>>
        %dma_wait3A_399 = arith.constant 0 : i32
        %dma_wait3A_400 = arith.constant 0 : i32
        %dma_wait3A_401 = tpu.memref_slice %arg9[%dma_wait3A_399, %dma_wait3A_400] : memref<10240x16xf32, #tpu.memory_space<vmem_shared>> -> memref<10240x16xf32, #tpu.memory_space<vmem_shared>>
        %dma_wait3A_402 = tpu.memref_slice %arg23[%dma_wait3A_391] : memref<8x!tpu.dma_semaphore, #tpu.memory_space<semaphore_mem>> -> memref<1x!tpu.dma_semaphore, #tpu.memory_space<semaphore_mem>>
        %dma_wait3A_403 = tpu.memref_squeeze %dma_wait3A_402 : memref<1x!tpu.dma_semaphore, #tpu.memory_space<semaphore_mem>> -> memref<!tpu.dma_semaphore, #tpu.memory_space<semaphore_mem>>
        tpu.wait_indirect_dma semaphore(%dma_wait3A_403 : memref<!tpu.dma_semaphore, #tpu.memory_space<semaphore_mem>>) src(%dma_wait3A_401 : memref<10240x16xf32, #tpu.memory_space<vmem_shared>>) dst(%dma_wait3A_395 : memref<128x16xf32, #tpu.memory_space<vmem>>)
        %dma_start3A_404 = arith.constant 3 : i32
        %dma_start3A_405 = arith.constant 3 : i32
        %dma_start3A_406 = arith.constant 0 : i32
        %dma_start3A_407 = arith.constant 0 : i32
        %dma_start3A_408 = tpu.memref_slice %arg19[%dma_start3A_404, %dma_start3A_406, %dma_start3A_407] : memref<8x128x16xf32, #tpu.memory_space<vmem>> -> memref<1x128x16xf32, #tpu.memory_space<vmem>>
        %dma_start3A_409 = tpu.memref_squeeze %dma_start3A_408 : memref<1x128x16xf32, #tpu.memory_space<vmem>> -> memref<128x16xf32, #tpu.memory_space<vmem>>
        %dma_start3A_410 = arith.constant 0 : i32
        %dma_start3A_411 = tpu.memref_slice %arg12[%add3A_389, %dma_start3A_410] : memref<80x128xi32, #tpu.memory_space<vmem>> -> memref<1x128xi32, #tpu.memory_space<vmem>>
        %dma_start3A_412 = tpu.memref_squeeze %dma_start3A_411 : memref<1x128xi32, #tpu.memory_space<vmem>> -> memref<128xi32, #tpu.memory_space<vmem>>
        %dma_start3A_413 = arith.constant 0 : i32
        %dma_start3A_414 = arith.constant 0 : i32
        %dma_start3A_415 = tpu.memref_slice %arg10[%dma_start3A_413, %dma_start3A_414] : memref<10240x16xf32, #tpu.memory_space<vmem_shared>> -> memref<10240x16xf32, #tpu.memory_space<vmem_shared>>
        %dma_start3A_416 = tpu.memref_slice %arg24[%dma_start3A_405] : memref<8x!tpu.dma_semaphore, #tpu.memory_space<semaphore_mem>> -> memref<1x!tpu.dma_semaphore, #tpu.memory_space<semaphore_mem>>
        %dma_start3A_417 = tpu.memref_squeeze %dma_start3A_416 : memref<1x!tpu.dma_semaphore, #tpu.memory_space<semaphore_mem>> -> memref<!tpu.dma_semaphore, #tpu.memory_space<semaphore_mem>>
        tpu.enqueue_indirect_dma source(%dma_start3A_409 : memref<128x16xf32, #tpu.memory_space<vmem>>) target(%dma_start3A_415 : memref<10240x16xf32, #tpu.memory_space<vmem_shared>>) offsets(%dma_start3A_412 : memref<128xi32, #tpu.memory_space<vmem>>) semaphore(%dma_start3A_417 : memref<!tpu.dma_semaphore, #tpu.memory_space<semaphore_mem>>) {add = true}
        %add3A_418 = arith.constant 4 : i32
        %add3A_419 = arith.addi %mul3A_298, %add3A_418 : i32
        %dma_wait3A_420 = arith.constant 4 : i32
        %dma_wait3A_421 = arith.constant 4 : i32
        %dma_wait3A_422 = arith.constant 0 : i32
        %dma_wait3A_423 = arith.constant 0 : i32
        %dma_wait3A_424 = tpu.memref_slice %arg19[%dma_wait3A_420, %dma_wait3A_422, %dma_wait3A_423] : memref<8x128x16xf32, #tpu.memory_space<vmem>> -> memref<1x128x16xf32, #tpu.memory_space<vmem>>
        %dma_wait3A_425 = tpu.memref_squeeze %dma_wait3A_424 : memref<1x128x16xf32, #tpu.memory_space<vmem>> -> memref<128x16xf32, #tpu.memory_space<vmem>>
        %dma_wait3A_426 = arith.constant 0 : i32
        %dma_wait3A_427 = tpu.memref_slice %arg11[%add3A_419, %dma_wait3A_426] : memref<80x128xi32, #tpu.memory_space<vmem>> -> memref<1x128xi32, #tpu.memory_space<vmem>>
        %dma_wait3A_428 = tpu.memref_squeeze %dma_wait3A_427 : memref<1x128xi32, #tpu.memory_space<vmem>> -> memref<128xi32, #tpu.memory_space<vmem>>
        %dma_wait3A_429 = arith.constant 0 : i32
        %dma_wait3A_430 = arith.constant 0 : i32
        %dma_wait3A_431 = tpu.memref_slice %arg9[%dma_wait3A_429, %dma_wait3A_430] : memref<10240x16xf32, #tpu.memory_space<vmem_shared>> -> memref<10240x16xf32, #tpu.memory_space<vmem_shared>>
        %dma_wait3A_432 = tpu.memref_slice %arg23[%dma_wait3A_421] : memref<8x!tpu.dma_semaphore, #tpu.memory_space<semaphore_mem>> -> memref<1x!tpu.dma_semaphore, #tpu.memory_space<semaphore_mem>>
        %dma_wait3A_433 = tpu.memref_squeeze %dma_wait3A_432 : memref<1x!tpu.dma_semaphore, #tpu.memory_space<semaphore_mem>> -> memref<!tpu.dma_semaphore, #tpu.memory_space<semaphore_mem>>
        tpu.wait_indirect_dma semaphore(%dma_wait3A_433 : memref<!tpu.dma_semaphore, #tpu.memory_space<semaphore_mem>>) src(%dma_wait3A_431 : memref<10240x16xf32, #tpu.memory_space<vmem_shared>>) dst(%dma_wait3A_425 : memref<128x16xf32, #tpu.memory_space<vmem>>)
        %dma_start3A_434 = arith.constant 4 : i32
        %dma_start3A_435 = arith.constant 4 : i32
        %dma_start3A_436 = arith.constant 0 : i32
        %dma_start3A_437 = arith.constant 0 : i32
        %dma_start3A_438 = tpu.memref_slice %arg19[%dma_start3A_434, %dma_start3A_436, %dma_start3A_437] : memref<8x128x16xf32, #tpu.memory_space<vmem>> -> memref<1x128x16xf32, #tpu.memory_space<vmem>>
        %dma_start3A_439 = tpu.memref_squeeze %dma_start3A_438 : memref<1x128x16xf32, #tpu.memory_space<vmem>> -> memref<128x16xf32, #tpu.memory_space<vmem>>
        %dma_start3A_440 = arith.constant 0 : i32
        %dma_start3A_441 = tpu.memref_slice %arg12[%add3A_419, %dma_start3A_440] : memref<80x128xi32, #tpu.memory_space<vmem>> -> memref<1x128xi32, #tpu.memory_space<vmem>>
        %dma_start3A_442 = tpu.memref_squeeze %dma_start3A_441 : memref<1x128xi32, #tpu.memory_space<vmem>> -> memref<128xi32, #tpu.memory_space<vmem>>
        %dma_start3A_443 = arith.constant 0 : i32
        %dma_start3A_444 = arith.constant 0 : i32
        %dma_start3A_445 = tpu.memref_slice %arg10[%dma_start3A_443, %dma_start3A_444] : memref<10240x16xf32, #tpu.memory_space<vmem_shared>> -> memref<10240x16xf32, #tpu.memory_space<vmem_shared>>
        %dma_start3A_446 = tpu.memref_slice %arg24[%dma_start3A_435] : memref<8x!tpu.dma_semaphore, #tpu.memory_space<semaphore_mem>> -> memref<1x!tpu.dma_semaphore, #tpu.memory_space<semaphore_mem>>
        %dma_start3A_447 = tpu.memref_squeeze %dma_start3A_446 : memref<1x!tpu.dma_semaphore, #tpu.memory_space<semaphore_mem>> -> memref<!tpu.dma_semaphore, #tpu.memory_space<semaphore_mem>>
        tpu.enqueue_indirect_dma source(%dma_start3A_439 : memref<128x16xf32, #tpu.memory_space<vmem>>) target(%dma_start3A_445 : memref<10240x16xf32, #tpu.memory_space<vmem_shared>>) offsets(%dma_start3A_442 : memref<128xi32, #tpu.memory_space<vmem>>) semaphore(%dma_start3A_447 : memref<!tpu.dma_semaphore, #tpu.memory_space<semaphore_mem>>) {add = true}
        %add3A_448 = arith.constant 5 : i32
        %add3A_449 = arith.addi %mul3A_298, %add3A_448 : i32
        %dma_wait3A_450 = arith.constant 5 : i32
        %dma_wait3A_451 = arith.constant 5 : i32
        %dma_wait3A_452 = arith.constant 0 : i32
        %dma_wait3A_453 = arith.constant 0 : i32
        %dma_wait3A_454 = tpu.memref_slice %arg19[%dma_wait3A_450, %dma_wait3A_452, %dma_wait3A_453] : memref<8x128x16xf32, #tpu.memory_space<vmem>> -> memref<1x128x16xf32, #tpu.memory_space<vmem>>
        %dma_wait3A_455 = tpu.memref_squeeze %dma_wait3A_454 : memref<1x128x16xf32, #tpu.memory_space<vmem>> -> memref<128x16xf32, #tpu.memory_space<vmem>>
        %dma_wait3A_456 = arith.constant 0 : i32
        %dma_wait3A_457 = tpu.memref_slice %arg11[%add3A_449, %dma_wait3A_456] : memref<80x128xi32, #tpu.memory_space<vmem>> -> memref<1x128xi32, #tpu.memory_space<vmem>>
        %dma_wait3A_458 = tpu.memref_squeeze %dma_wait3A_457 : memref<1x128xi32, #tpu.memory_space<vmem>> -> memref<128xi32, #tpu.memory_space<vmem>>
        %dma_wait3A_459 = arith.constant 0 : i32
        %dma_wait3A_460 = arith.constant 0 : i32
        %dma_wait3A_461 = tpu.memref_slice %arg9[%dma_wait3A_459, %dma_wait3A_460] : memref<10240x16xf32, #tpu.memory_space<vmem_shared>> -> memref<10240x16xf32, #tpu.memory_space<vmem_shared>>
        %dma_wait3A_462 = tpu.memref_slice %arg23[%dma_wait3A_451] : memref<8x!tpu.dma_semaphore, #tpu.memory_space<semaphore_mem>> -> memref<1x!tpu.dma_semaphore, #tpu.memory_space<semaphore_mem>>
        %dma_wait3A_463 = tpu.memref_squeeze %dma_wait3A_462 : memref<1x!tpu.dma_semaphore, #tpu.memory_space<semaphore_mem>> -> memref<!tpu.dma_semaphore, #tpu.memory_space<semaphore_mem>>
        tpu.wait_indirect_dma semaphore(%dma_wait3A_463 : memref<!tpu.dma_semaphore, #tpu.memory_space<semaphore_mem>>) src(%dma_wait3A_461 : memref<10240x16xf32, #tpu.memory_space<vmem_shared>>) dst(%dma_wait3A_455 : memref<128x16xf32, #tpu.memory_space<vmem>>)
        %dma_start3A_464 = arith.constant 5 : i32
        %dma_start3A_465 = arith.constant 5 : i32
        %dma_start3A_466 = arith.constant 0 : i32
        %dma_start3A_467 = arith.constant 0 : i32
        %dma_start3A_468 = tpu.memref_slice %arg19[%dma_start3A_464, %dma_start3A_466, %dma_start3A_467] : memref<8x128x16xf32, #tpu.memory_space<vmem>> -> memref<1x128x16xf32, #tpu.memory_space<vmem>>
        %dma_start3A_469 = tpu.memref_squeeze %dma_start3A_468 : memref<1x128x16xf32, #tpu.memory_space<vmem>> -> memref<128x16xf32, #tpu.memory_space<vmem>>
        %dma_start3A_470 = arith.constant 0 : i32
        %dma_start3A_471 = tpu.memref_slice %arg12[%add3A_449, %dma_start3A_470] : memref<80x128xi32, #tpu.memory_space<vmem>> -> memref<1x128xi32, #tpu.memory_space<vmem>>
        %dma_start3A_472 = tpu.memref_squeeze %dma_start3A_471 : memref<1x128xi32, #tpu.memory_space<vmem>> -> memref<128xi32, #tpu.memory_space<vmem>>
        %dma_start3A_473 = arith.constant 0 : i32
        %dma_start3A_474 = arith.constant 0 : i32
        %dma_start3A_475 = tpu.memref_slice %arg10[%dma_start3A_473, %dma_start3A_474] : memref<10240x16xf32, #tpu.memory_space<vmem_shared>> -> memref<10240x16xf32, #tpu.memory_space<vmem_shared>>
        %dma_start3A_476 = tpu.memref_slice %arg24[%dma_start3A_465] : memref<8x!tpu.dma_semaphore, #tpu.memory_space<semaphore_mem>> -> memref<1x!tpu.dma_semaphore, #tpu.memory_space<semaphore_mem>>
        %dma_start3A_477 = tpu.memref_squeeze %dma_start3A_476 : memref<1x!tpu.dma_semaphore, #tpu.memory_space<semaphore_mem>> -> memref<!tpu.dma_semaphore, #tpu.memory_space<semaphore_mem>>
        tpu.enqueue_indirect_dma source(%dma_start3A_469 : memref<128x16xf32, #tpu.memory_space<vmem>>) target(%dma_start3A_475 : memref<10240x16xf32, #tpu.memory_space<vmem_shared>>) offsets(%dma_start3A_472 : memref<128xi32, #tpu.memory_space<vmem>>) semaphore(%dma_start3A_477 : memref<!tpu.dma_semaphore, #tpu.memory_space<semaphore_mem>>) {add = true}
        %add3A_478 = arith.constant 6 : i32
        %add3A_479 = arith.addi %mul3A_298, %add3A_478 : i32
        %dma_wait3A_480 = arith.constant 6 : i32
        %dma_wait3A_481 = arith.constant 6 : i32
        %dma_wait3A_482 = arith.constant 0 : i32
        %dma_wait3A_483 = arith.constant 0 : i32
        %dma_wait3A_484 = tpu.memref_slice %arg19[%dma_wait3A_480, %dma_wait3A_482, %dma_wait3A_483] : memref<8x128x16xf32, #tpu.memory_space<vmem>> -> memref<1x128x16xf32, #tpu.memory_space<vmem>>
        %dma_wait3A_485 = tpu.memref_squeeze %dma_wait3A_484 : memref<1x128x16xf32, #tpu.memory_space<vmem>> -> memref<128x16xf32, #tpu.memory_space<vmem>>
        %dma_wait3A_486 = arith.constant 0 : i32
        %dma_wait3A_487 = tpu.memref_slice %arg11[%add3A_479, %dma_wait3A_486] : memref<80x128xi32, #tpu.memory_space<vmem>> -> memref<1x128xi32, #tpu.memory_space<vmem>>
        %dma_wait3A_488 = tpu.memref_squeeze %dma_wait3A_487 : memref<1x128xi32, #tpu.memory_space<vmem>> -> memref<128xi32, #tpu.memory_space<vmem>>
        %dma_wait3A_489 = arith.constant 0 : i32
        %dma_wait3A_490 = arith.constant 0 : i32
        %dma_wait3A_491 = tpu.memref_slice %arg9[%dma_wait3A_489, %dma_wait3A_490] : memref<10240x16xf32, #tpu.memory_space<vmem_shared>> -> memref<10240x16xf32, #tpu.memory_space<vmem_shared>>
        %dma_wait3A_492 = tpu.memref_slice %arg23[%dma_wait3A_481] : memref<8x!tpu.dma_semaphore, #tpu.memory_space<semaphore_mem>> -> memref<1x!tpu.dma_semaphore, #tpu.memory_space<semaphore_mem>>
        %dma_wait3A_493 = tpu.memref_squeeze %dma_wait3A_492 : memref<1x!tpu.dma_semaphore, #tpu.memory_space<semaphore_mem>> -> memref<!tpu.dma_semaphore, #tpu.memory_space<semaphore_mem>>
        tpu.wait_indirect_dma semaphore(%dma_wait3A_493 : memref<!tpu.dma_semaphore, #tpu.memory_space<semaphore_mem>>) src(%dma_wait3A_491 : memref<10240x16xf32, #tpu.memory_space<vmem_shared>>) dst(%dma_wait3A_485 : memref<128x16xf32, #tpu.memory_space<vmem>>)
        %dma_start3A_494 = arith.constant 6 : i32
        %dma_start3A_495 = arith.constant 6 : i32
        %dma_start3A_496 = arith.constant 0 : i32
        %dma_start3A_497 = arith.constant 0 : i32
        %dma_start3A_498 = tpu.memref_slice %arg19[%dma_start3A_494, %dma_start3A_496, %dma_start3A_497] : memref<8x128x16xf32, #tpu.memory_space<vmem>> -> memref<1x128x16xf32, #tpu.memory_space<vmem>>
        %dma_start3A_499 = tpu.memref_squeeze %dma_start3A_498 : memref<1x128x16xf32, #tpu.memory_space<vmem>> -> memref<128x16xf32, #tpu.memory_space<vmem>>
        %dma_start3A_500 = arith.constant 0 : i32
        %dma_start3A_501 = tpu.memref_slice %arg12[%add3A_479, %dma_start3A_500] : memref<80x128xi32, #tpu.memory_space<vmem>> -> memref<1x128xi32, #tpu.memory_space<vmem>>
        %dma_start3A_502 = tpu.memref_squeeze %dma_start3A_501 : memref<1x128xi32, #tpu.memory_space<vmem>> -> memref<128xi32, #tpu.memory_space<vmem>>
        %dma_start3A_503 = arith.constant 0 : i32
        %dma_start3A_504 = arith.constant 0 : i32
        %dma_start3A_505 = tpu.memref_slice %arg10[%dma_start3A_503, %dma_start3A_504] : memref<10240x16xf32, #tpu.memory_space<vmem_shared>> -> memref<10240x16xf32, #tpu.memory_space<vmem_shared>>
        %dma_start3A_506 = tpu.memref_slice %arg24[%dma_start3A_495] : memref<8x!tpu.dma_semaphore, #tpu.memory_space<semaphore_mem>> -> memref<1x!tpu.dma_semaphore, #tpu.memory_space<semaphore_mem>>
        %dma_start3A_507 = tpu.memref_squeeze %dma_start3A_506 : memref<1x!tpu.dma_semaphore, #tpu.memory_space<semaphore_mem>> -> memref<!tpu.dma_semaphore, #tpu.memory_space<semaphore_mem>>
        tpu.enqueue_indirect_dma source(%dma_start3A_499 : memref<128x16xf32, #tpu.memory_space<vmem>>) target(%dma_start3A_505 : memref<10240x16xf32, #tpu.memory_space<vmem_shared>>) offsets(%dma_start3A_502 : memref<128xi32, #tpu.memory_space<vmem>>) semaphore(%dma_start3A_507 : memref<!tpu.dma_semaphore, #tpu.memory_space<semaphore_mem>>) {add = true}
        %add3A_508 = arith.constant 7 : i32
        %add3A_509 = arith.addi %mul3A_298, %add3A_508 : i32
        %dma_wait3A_510 = arith.constant 7 : i32
        %dma_wait3A_511 = arith.constant 7 : i32
        %dma_wait3A_512 = arith.constant 0 : i32
        %dma_wait3A_513 = arith.constant 0 : i32
        %dma_wait3A_514 = tpu.memref_slice %arg19[%dma_wait3A_510, %dma_wait3A_512, %dma_wait3A_513] : memref<8x128x16xf32, #tpu.memory_space<vmem>> -> memref<1x128x16xf32, #tpu.memory_space<vmem>>
        %dma_wait3A_515 = tpu.memref_squeeze %dma_wait3A_514 : memref<1x128x16xf32, #tpu.memory_space<vmem>> -> memref<128x16xf32, #tpu.memory_space<vmem>>
        %dma_wait3A_516 = arith.constant 0 : i32
        %dma_wait3A_517 = tpu.memref_slice %arg11[%add3A_509, %dma_wait3A_516] : memref<80x128xi32, #tpu.memory_space<vmem>> -> memref<1x128xi32, #tpu.memory_space<vmem>>
        %dma_wait3A_518 = tpu.memref_squeeze %dma_wait3A_517 : memref<1x128xi32, #tpu.memory_space<vmem>> -> memref<128xi32, #tpu.memory_space<vmem>>
        %dma_wait3A_519 = arith.constant 0 : i32
        %dma_wait3A_520 = arith.constant 0 : i32
        %dma_wait3A_521 = tpu.memref_slice %arg9[%dma_wait3A_519, %dma_wait3A_520] : memref<10240x16xf32, #tpu.memory_space<vmem_shared>> -> memref<10240x16xf32, #tpu.memory_space<vmem_shared>>
        %dma_wait3A_522 = tpu.memref_slice %arg23[%dma_wait3A_511] : memref<8x!tpu.dma_semaphore, #tpu.memory_space<semaphore_mem>> -> memref<1x!tpu.dma_semaphore, #tpu.memory_space<semaphore_mem>>
        %dma_wait3A_523 = tpu.memref_squeeze %dma_wait3A_522 : memref<1x!tpu.dma_semaphore, #tpu.memory_space<semaphore_mem>> -> memref<!tpu.dma_semaphore, #tpu.memory_space<semaphore_mem>>
        tpu.wait_indirect_dma semaphore(%dma_wait3A_523 : memref<!tpu.dma_semaphore, #tpu.memory_space<semaphore_mem>>) src(%dma_wait3A_521 : memref<10240x16xf32, #tpu.memory_space<vmem_shared>>) dst(%dma_wait3A_515 : memref<128x16xf32, #tpu.memory_space<vmem>>)
        %dma_start3A_524 = arith.constant 7 : i32
        %dma_start3A_525 = arith.constant 7 : i32
        %dma_start3A_526 = arith.constant 0 : i32
        %dma_start3A_527 = arith.constant 0 : i32
        %dma_start3A_528 = tpu.memref_slice %arg19[%dma_start3A_524, %dma_start3A_526, %dma_start3A_527] : memref<8x128x16xf32, #tpu.memory_space<vmem>> -> memref<1x128x16xf32, #tpu.memory_space<vmem>>
        %dma_start3A_529 = tpu.memref_squeeze %dma_start3A_528 : memref<1x128x16xf32, #tpu.memory_space<vmem>> -> memref<128x16xf32, #tpu.memory_space<vmem>>
        %dma_start3A_530 = arith.constant 0 : i32
        %dma_start3A_531 = tpu.memref_slice %arg12[%add3A_509, %dma_start3A_530] : memref<80x128xi32, #tpu.memory_space<vmem>> -> memref<1x128xi32, #tpu.memory_space<vmem>>
        %dma_start3A_532 = tpu.memref_squeeze %dma_start3A_531 : memref<1x128xi32, #tpu.memory_space<vmem>> -> memref<128xi32, #tpu.memory_space<vmem>>
        %dma_start3A_533 = arith.constant 0 : i32
        %dma_start3A_534 = arith.constant 0 : i32
        %dma_start3A_535 = tpu.memref_slice %arg10[%dma_start3A_533, %dma_start3A_534] : memref<10240x16xf32, #tpu.memory_space<vmem_shared>> -> memref<10240x16xf32, #tpu.memory_space<vmem_shared>>
        %dma_start3A_536 = tpu.memref_slice %arg24[%dma_start3A_525] : memref<8x!tpu.dma_semaphore, #tpu.memory_space<semaphore_mem>> -> memref<1x!tpu.dma_semaphore, #tpu.memory_space<semaphore_mem>>
        %dma_start3A_537 = tpu.memref_squeeze %dma_start3A_536 : memref<1x!tpu.dma_semaphore, #tpu.memory_space<semaphore_mem>> -> memref<!tpu.dma_semaphore, #tpu.memory_space<semaphore_mem>>
        tpu.enqueue_indirect_dma source(%dma_start3A_529 : memref<128x16xf32, #tpu.memory_space<vmem>>) target(%dma_start3A_535 : memref<10240x16xf32, #tpu.memory_space<vmem_shared>>) offsets(%dma_start3A_532 : memref<128xi32, #tpu.memory_space<vmem>>) semaphore(%dma_start3A_537 : memref<!tpu.dma_semaphore, #tpu.memory_space<semaphore_mem>>) {add = true}
        %add3A_538 = arith.constant 0 : i32
        %add3A_539 = arith.addi %mul3A_298, %add3A_538 : i32
        %dma_wait3A_540 = arith.constant 0 : i32
        %dma_wait3A_541 = arith.constant 0 : i32
        %dma_wait3A_542 = arith.constant 0 : i32
        %dma_wait3A_543 = arith.constant 0 : i32
        %dma_wait3A_544 = tpu.memref_slice %arg19[%dma_wait3A_540, %dma_wait3A_542, %dma_wait3A_543] : memref<8x128x16xf32, #tpu.memory_space<vmem>> -> memref<1x128x16xf32, #tpu.memory_space<vmem>>
        %dma_wait3A_545 = tpu.memref_squeeze %dma_wait3A_544 : memref<1x128x16xf32, #tpu.memory_space<vmem>> -> memref<128x16xf32, #tpu.memory_space<vmem>>
        %dma_wait3A_546 = arith.constant 0 : i32
        %dma_wait3A_547 = tpu.memref_slice %arg12[%add3A_539, %dma_wait3A_546] : memref<80x128xi32, #tpu.memory_space<vmem>> -> memref<1x128xi32, #tpu.memory_space<vmem>>
        %dma_wait3A_548 = tpu.memref_squeeze %dma_wait3A_547 : memref<1x128xi32, #tpu.memory_space<vmem>> -> memref<128xi32, #tpu.memory_space<vmem>>
        %dma_wait3A_549 = arith.constant 0 : i32
        %dma_wait3A_550 = arith.constant 0 : i32
        %dma_wait3A_551 = tpu.memref_slice %arg10[%dma_wait3A_549, %dma_wait3A_550] : memref<10240x16xf32, #tpu.memory_space<vmem_shared>> -> memref<10240x16xf32, #tpu.memory_space<vmem_shared>>
        %dma_wait3A_552 = tpu.memref_slice %arg24[%dma_wait3A_541] : memref<8x!tpu.dma_semaphore, #tpu.memory_space<semaphore_mem>> -> memref<1x!tpu.dma_semaphore, #tpu.memory_space<semaphore_mem>>
        %dma_wait3A_553 = tpu.memref_squeeze %dma_wait3A_552 : memref<1x!tpu.dma_semaphore, #tpu.memory_space<semaphore_mem>> -> memref<!tpu.dma_semaphore, #tpu.memory_space<semaphore_mem>>
        tpu.wait_indirect_dma semaphore(%dma_wait3A_553 : memref<!tpu.dma_semaphore, #tpu.memory_space<semaphore_mem>>) src(%dma_wait3A_545 : memref<128x16xf32, #tpu.memory_space<vmem>>) dst(%dma_wait3A_551 : memref<10240x16xf32, #tpu.memory_space<vmem_shared>>)
        %add3A_554 = arith.constant 8 : i32
        %add3A_555 = arith.addi %add3A_539, %add3A_554 : i32
        %lt3A = arith.constant 80 : i32
        %lt3A_556 = arith.cmpi slt, %add3A_555, %lt3A : i32
        %convert_element_type3A_557 = arith.extui %lt3A_556 : i1 to i32
        %cond3A_558 = arith.constant 0 : i32
        %cond3A_559 = arith.cmpi ne, %convert_element_type3A_557, %cond3A_558 : i32
        scf.if %cond3A_559 {
          %add3A_722 = arith.constant 8 : i32
          %add3A_723 = arith.addi %add3A_539, %add3A_722 : i32
          %dma_start3A_724 = arith.constant 0 : i32
          %dma_start3A_725 = arith.constant 0 : i32
          %dma_start3A_726 = arith.constant 0 : i32
          %dma_start3A_727 = arith.constant 0 : i32
          %dma_start3A_728 = tpu.memref_slice %arg19[%dma_start3A_724, %dma_start3A_726, %dma_start3A_727] : memref<8x128x16xf32, #tpu.memory_space<vmem>> -> memref<1x128x16xf32, #tpu.memory_space<vmem>>
          %dma_start3A_729 = tpu.memref_squeeze %dma_start3A_728 : memref<1x128x16xf32, #tpu.memory_space<vmem>> -> memref<128x16xf32, #tpu.memory_space<vmem>>
          %dma_start3A_730 = arith.constant 0 : i32
          %dma_start3A_731 = tpu.memref_slice %arg11[%add3A_723, %dma_start3A_730] : memref<80x128xi32, #tpu.memory_space<vmem>> -> memref<1x128xi32, #tpu.memory_space<vmem>>
          %dma_start3A_732 = tpu.memref_squeeze %dma_start3A_731 : memref<1x128xi32, #tpu.memory_space<vmem>> -> memref<128xi32, #tpu.memory_space<vmem>>
          %dma_start3A_733 = arith.constant 0 : i32
          %dma_start3A_734 = arith.constant 0 : i32
          %dma_start3A_735 = tpu.memref_slice %arg9[%dma_start3A_733, %dma_start3A_734] : memref<10240x16xf32, #tpu.memory_space<vmem_shared>> -> memref<10240x16xf32, #tpu.memory_space<vmem_shared>>
          %dma_start3A_736 = tpu.memref_slice %arg23[%dma_start3A_725] : memref<8x!tpu.dma_semaphore, #tpu.memory_space<semaphore_mem>> -> memref<1x!tpu.dma_semaphore, #tpu.memory_space<semaphore_mem>>
          %dma_start3A_737 = tpu.memref_squeeze %dma_start3A_736 : memref<1x!tpu.dma_semaphore, #tpu.memory_space<semaphore_mem>> -> memref<!tpu.dma_semaphore, #tpu.memory_space<semaphore_mem>>
          tpu.enqueue_indirect_dma source(%dma_start3A_735 : memref<10240x16xf32, #tpu.memory_space<vmem_shared>>) target(%dma_start3A_729 : memref<128x16xf32, #tpu.memory_space<vmem>>) offsets(%dma_start3A_732 : memref<128xi32, #tpu.memory_space<vmem>>) semaphore(%dma_start3A_737 : memref<!tpu.dma_semaphore, #tpu.memory_space<semaphore_mem>>)
        } else {
        }
        %add3A_560 = arith.constant 1 : i32
        %add3A_561 = arith.addi %mul3A_298, %add3A_560 : i32
        %dma_wait3A_562 = arith.constant 1 : i32
        %dma_wait3A_563 = arith.constant 1 : i32
        %dma_wait3A_564 = arith.constant 0 : i32
        %dma_wait3A_565 = arith.constant 0 : i32
        %dma_wait3A_566 = tpu.memref_slice %arg19[%dma_wait3A_562, %dma_wait3A_564, %dma_wait3A_565] : memref<8x128x16xf32, #tpu.memory_space<vmem>> -> memref<1x128x16xf32, #tpu.memory_space<vmem>>
        %dma_wait3A_567 = tpu.memref_squeeze %dma_wait3A_566 : memref<1x128x16xf32, #tpu.memory_space<vmem>> -> memref<128x16xf32, #tpu.memory_space<vmem>>
        %dma_wait3A_568 = arith.constant 0 : i32
        %dma_wait3A_569 = tpu.memref_slice %arg12[%add3A_561, %dma_wait3A_568] : memref<80x128xi32, #tpu.memory_space<vmem>> -> memref<1x128xi32, #tpu.memory_space<vmem>>
        %dma_wait3A_570 = tpu.memref_squeeze %dma_wait3A_569 : memref<1x128xi32, #tpu.memory_space<vmem>> -> memref<128xi32, #tpu.memory_space<vmem>>
        %dma_wait3A_571 = arith.constant 0 : i32
        %dma_wait3A_572 = arith.constant 0 : i32
        %dma_wait3A_573 = tpu.memref_slice %arg10[%dma_wait3A_571, %dma_wait3A_572] : memref<10240x16xf32, #tpu.memory_space<vmem_shared>> -> memref<10240x16xf32, #tpu.memory_space<vmem_shared>>
        %dma_wait3A_574 = tpu.memref_slice %arg24[%dma_wait3A_563] : memref<8x!tpu.dma_semaphore, #tpu.memory_space<semaphore_mem>> -> memref<1x!tpu.dma_semaphore, #tpu.memory_space<semaphore_mem>>
        %dma_wait3A_575 = tpu.memref_squeeze %dma_wait3A_574 : memref<1x!tpu.dma_semaphore, #tpu.memory_space<semaphore_mem>> -> memref<!tpu.dma_semaphore, #tpu.memory_space<semaphore_mem>>
        tpu.wait_indirect_dma semaphore(%dma_wait3A_575 : memref<!tpu.dma_semaphore, #tpu.memory_space<semaphore_mem>>) src(%dma_wait3A_567 : memref<128x16xf32, #tpu.memory_space<vmem>>) dst(%dma_wait3A_573 : memref<10240x16xf32, #tpu.memory_space<vmem_shared>>)
        %add3A_576 = arith.constant 8 : i32
        %add3A_577 = arith.addi %add3A_561, %add3A_576 : i32
        %lt3A_578 = arith.constant 80 : i32
        %lt3A_579 = arith.cmpi slt, %add3A_577, %lt3A_578 : i32
        %convert_element_type3A_580 = arith.extui %lt3A_579 : i1 to i32
        %cond3A_581 = arith.constant 0 : i32
        %cond3A_582 = arith.cmpi ne, %convert_element_type3A_580, %cond3A_581 : i32
        scf.if %cond3A_582 {
          %add3A_722 = arith.constant 8 : i32
          %add3A_723 = arith.addi %add3A_561, %add3A_722 : i32
          %dma_start3A_724 = arith.constant 1 : i32
          %dma_start3A_725 = arith.constant 1 : i32
          %dma_start3A_726 = arith.constant 0 : i32
          %dma_start3A_727 = arith.constant 0 : i32
          %dma_start3A_728 = tpu.memref_slice %arg19[%dma_start3A_724, %dma_start3A_726, %dma_start3A_727] : memref<8x128x16xf32, #tpu.memory_space<vmem>> -> memref<1x128x16xf32, #tpu.memory_space<vmem>>
          %dma_start3A_729 = tpu.memref_squeeze %dma_start3A_728 : memref<1x128x16xf32, #tpu.memory_space<vmem>> -> memref<128x16xf32, #tpu.memory_space<vmem>>
          %dma_start3A_730 = arith.constant 0 : i32
          %dma_start3A_731 = tpu.memref_slice %arg11[%add3A_723, %dma_start3A_730] : memref<80x128xi32, #tpu.memory_space<vmem>> -> memref<1x128xi32, #tpu.memory_space<vmem>>
          %dma_start3A_732 = tpu.memref_squeeze %dma_start3A_731 : memref<1x128xi32, #tpu.memory_space<vmem>> -> memref<128xi32, #tpu.memory_space<vmem>>
          %dma_start3A_733 = arith.constant 0 : i32
          %dma_start3A_734 = arith.constant 0 : i32
          %dma_start3A_735 = tpu.memref_slice %arg9[%dma_start3A_733, %dma_start3A_734] : memref<10240x16xf32, #tpu.memory_space<vmem_shared>> -> memref<10240x16xf32, #tpu.memory_space<vmem_shared>>
          %dma_start3A_736 = tpu.memref_slice %arg23[%dma_start3A_725] : memref<8x!tpu.dma_semaphore, #tpu.memory_space<semaphore_mem>> -> memref<1x!tpu.dma_semaphore, #tpu.memory_space<semaphore_mem>>
          %dma_start3A_737 = tpu.memref_squeeze %dma_start3A_736 : memref<1x!tpu.dma_semaphore, #tpu.memory_space<semaphore_mem>> -> memref<!tpu.dma_semaphore, #tpu.memory_space<semaphore_mem>>
          tpu.enqueue_indirect_dma source(%dma_start3A_735 : memref<10240x16xf32, #tpu.memory_space<vmem_shared>>) target(%dma_start3A_729 : memref<128x16xf32, #tpu.memory_space<vmem>>) offsets(%dma_start3A_732 : memref<128xi32, #tpu.memory_space<vmem>>) semaphore(%dma_start3A_737 : memref<!tpu.dma_semaphore, #tpu.memory_space<semaphore_mem>>)
        } else {
        }
        %add3A_583 = arith.constant 2 : i32
        %add3A_584 = arith.addi %mul3A_298, %add3A_583 : i32
        %dma_wait3A_585 = arith.constant 2 : i32
        %dma_wait3A_586 = arith.constant 2 : i32
        %dma_wait3A_587 = arith.constant 0 : i32
        %dma_wait3A_588 = arith.constant 0 : i32
        %dma_wait3A_589 = tpu.memref_slice %arg19[%dma_wait3A_585, %dma_wait3A_587, %dma_wait3A_588] : memref<8x128x16xf32, #tpu.memory_space<vmem>> -> memref<1x128x16xf32, #tpu.memory_space<vmem>>
        %dma_wait3A_590 = tpu.memref_squeeze %dma_wait3A_589 : memref<1x128x16xf32, #tpu.memory_space<vmem>> -> memref<128x16xf32, #tpu.memory_space<vmem>>
        %dma_wait3A_591 = arith.constant 0 : i32
        %dma_wait3A_592 = tpu.memref_slice %arg12[%add3A_584, %dma_wait3A_591] : memref<80x128xi32, #tpu.memory_space<vmem>> -> memref<1x128xi32, #tpu.memory_space<vmem>>
        %dma_wait3A_593 = tpu.memref_squeeze %dma_wait3A_592 : memref<1x128xi32, #tpu.memory_space<vmem>> -> memref<128xi32, #tpu.memory_space<vmem>>
        %dma_wait3A_594 = arith.constant 0 : i32
        %dma_wait3A_595 = arith.constant 0 : i32
        %dma_wait3A_596 = tpu.memref_slice %arg10[%dma_wait3A_594, %dma_wait3A_595] : memref<10240x16xf32, #tpu.memory_space<vmem_shared>> -> memref<10240x16xf32, #tpu.memory_space<vmem_shared>>
        %dma_wait3A_597 = tpu.memref_slice %arg24[%dma_wait3A_586] : memref<8x!tpu.dma_semaphore, #tpu.memory_space<semaphore_mem>> -> memref<1x!tpu.dma_semaphore, #tpu.memory_space<semaphore_mem>>
        %dma_wait3A_598 = tpu.memref_squeeze %dma_wait3A_597 : memref<1x!tpu.dma_semaphore, #tpu.memory_space<semaphore_mem>> -> memref<!tpu.dma_semaphore, #tpu.memory_space<semaphore_mem>>
        tpu.wait_indirect_dma semaphore(%dma_wait3A_598 : memref<!tpu.dma_semaphore, #tpu.memory_space<semaphore_mem>>) src(%dma_wait3A_590 : memref<128x16xf32, #tpu.memory_space<vmem>>) dst(%dma_wait3A_596 : memref<10240x16xf32, #tpu.memory_space<vmem_shared>>)
        %add3A_599 = arith.constant 8 : i32
        %add3A_600 = arith.addi %add3A_584, %add3A_599 : i32
        %lt3A_601 = arith.constant 80 : i32
        %lt3A_602 = arith.cmpi slt, %add3A_600, %lt3A_601 : i32
        %convert_element_type3A_603 = arith.extui %lt3A_602 : i1 to i32
        %cond3A_604 = arith.constant 0 : i32
        %cond3A_605 = arith.cmpi ne, %convert_element_type3A_603, %cond3A_604 : i32
        scf.if %cond3A_605 {
          %add3A_722 = arith.constant 8 : i32
          %add3A_723 = arith.addi %add3A_584, %add3A_722 : i32
          %dma_start3A_724 = arith.constant 2 : i32
          %dma_start3A_725 = arith.constant 2 : i32
          %dma_start3A_726 = arith.constant 0 : i32
          %dma_start3A_727 = arith.constant 0 : i32
          %dma_start3A_728 = tpu.memref_slice %arg19[%dma_start3A_724, %dma_start3A_726, %dma_start3A_727] : memref<8x128x16xf32, #tpu.memory_space<vmem>> -> memref<1x128x16xf32, #tpu.memory_space<vmem>>
          %dma_start3A_729 = tpu.memref_squeeze %dma_start3A_728 : memref<1x128x16xf32, #tpu.memory_space<vmem>> -> memref<128x16xf32, #tpu.memory_space<vmem>>
          %dma_start3A_730 = arith.constant 0 : i32
          %dma_start3A_731 = tpu.memref_slice %arg11[%add3A_723, %dma_start3A_730] : memref<80x128xi32, #tpu.memory_space<vmem>> -> memref<1x128xi32, #tpu.memory_space<vmem>>
          %dma_start3A_732 = tpu.memref_squeeze %dma_start3A_731 : memref<1x128xi32, #tpu.memory_space<vmem>> -> memref<128xi32, #tpu.memory_space<vmem>>
          %dma_start3A_733 = arith.constant 0 : i32
          %dma_start3A_734 = arith.constant 0 : i32
          %dma_start3A_735 = tpu.memref_slice %arg9[%dma_start3A_733, %dma_start3A_734] : memref<10240x16xf32, #tpu.memory_space<vmem_shared>> -> memref<10240x16xf32, #tpu.memory_space<vmem_shared>>
          %dma_start3A_736 = tpu.memref_slice %arg23[%dma_start3A_725] : memref<8x!tpu.dma_semaphore, #tpu.memory_space<semaphore_mem>> -> memref<1x!tpu.dma_semaphore, #tpu.memory_space<semaphore_mem>>
          %dma_start3A_737 = tpu.memref_squeeze %dma_start3A_736 : memref<1x!tpu.dma_semaphore, #tpu.memory_space<semaphore_mem>> -> memref<!tpu.dma_semaphore, #tpu.memory_space<semaphore_mem>>
          tpu.enqueue_indirect_dma source(%dma_start3A_735 : memref<10240x16xf32, #tpu.memory_space<vmem_shared>>) target(%dma_start3A_729 : memref<128x16xf32, #tpu.memory_space<vmem>>) offsets(%dma_start3A_732 : memref<128xi32, #tpu.memory_space<vmem>>) semaphore(%dma_start3A_737 : memref<!tpu.dma_semaphore, #tpu.memory_space<semaphore_mem>>)
        } else {
        }
        %add3A_606 = arith.constant 3 : i32
        %add3A_607 = arith.addi %mul3A_298, %add3A_606 : i32
        %dma_wait3A_608 = arith.constant 3 : i32
        %dma_wait3A_609 = arith.constant 3 : i32
        %dma_wait3A_610 = arith.constant 0 : i32
        %dma_wait3A_611 = arith.constant 0 : i32
        %dma_wait3A_612 = tpu.memref_slice %arg19[%dma_wait3A_608, %dma_wait3A_610, %dma_wait3A_611] : memref<8x128x16xf32, #tpu.memory_space<vmem>> -> memref<1x128x16xf32, #tpu.memory_space<vmem>>
        %dma_wait3A_613 = tpu.memref_squeeze %dma_wait3A_612 : memref<1x128x16xf32, #tpu.memory_space<vmem>> -> memref<128x16xf32, #tpu.memory_space<vmem>>
        %dma_wait3A_614 = arith.constant 0 : i32
        %dma_wait3A_615 = tpu.memref_slice %arg12[%add3A_607, %dma_wait3A_614] : memref<80x128xi32, #tpu.memory_space<vmem>> -> memref<1x128xi32, #tpu.memory_space<vmem>>
        %dma_wait3A_616 = tpu.memref_squeeze %dma_wait3A_615 : memref<1x128xi32, #tpu.memory_space<vmem>> -> memref<128xi32, #tpu.memory_space<vmem>>
        %dma_wait3A_617 = arith.constant 0 : i32
        %dma_wait3A_618 = arith.constant 0 : i32
        %dma_wait3A_619 = tpu.memref_slice %arg10[%dma_wait3A_617, %dma_wait3A_618] : memref<10240x16xf32, #tpu.memory_space<vmem_shared>> -> memref<10240x16xf32, #tpu.memory_space<vmem_shared>>
        %dma_wait3A_620 = tpu.memref_slice %arg24[%dma_wait3A_609] : memref<8x!tpu.dma_semaphore, #tpu.memory_space<semaphore_mem>> -> memref<1x!tpu.dma_semaphore, #tpu.memory_space<semaphore_mem>>
        %dma_wait3A_621 = tpu.memref_squeeze %dma_wait3A_620 : memref<1x!tpu.dma_semaphore, #tpu.memory_space<semaphore_mem>> -> memref<!tpu.dma_semaphore, #tpu.memory_space<semaphore_mem>>
        tpu.wait_indirect_dma semaphore(%dma_wait3A_621 : memref<!tpu.dma_semaphore, #tpu.memory_space<semaphore_mem>>) src(%dma_wait3A_613 : memref<128x16xf32, #tpu.memory_space<vmem>>) dst(%dma_wait3A_619 : memref<10240x16xf32, #tpu.memory_space<vmem_shared>>)
        %add3A_622 = arith.constant 8 : i32
        %add3A_623 = arith.addi %add3A_607, %add3A_622 : i32
        %lt3A_624 = arith.constant 80 : i32
        %lt3A_625 = arith.cmpi slt, %add3A_623, %lt3A_624 : i32
        %convert_element_type3A_626 = arith.extui %lt3A_625 : i1 to i32
        %cond3A_627 = arith.constant 0 : i32
        %cond3A_628 = arith.cmpi ne, %convert_element_type3A_626, %cond3A_627 : i32
        scf.if %cond3A_628 {
          %add3A_722 = arith.constant 8 : i32
          %add3A_723 = arith.addi %add3A_607, %add3A_722 : i32
          %dma_start3A_724 = arith.constant 3 : i32
          %dma_start3A_725 = arith.constant 3 : i32
          %dma_start3A_726 = arith.constant 0 : i32
          %dma_start3A_727 = arith.constant 0 : i32
          %dma_start3A_728 = tpu.memref_slice %arg19[%dma_start3A_724, %dma_start3A_726, %dma_start3A_727] : memref<8x128x16xf32, #tpu.memory_space<vmem>> -> memref<1x128x16xf32, #tpu.memory_space<vmem>>
          %dma_start3A_729 = tpu.memref_squeeze %dma_start3A_728 : memref<1x128x16xf32, #tpu.memory_space<vmem>> -> memref<128x16xf32, #tpu.memory_space<vmem>>
          %dma_start3A_730 = arith.constant 0 : i32
          %dma_start3A_731 = tpu.memref_slice %arg11[%add3A_723, %dma_start3A_730] : memref<80x128xi32, #tpu.memory_space<vmem>> -> memref<1x128xi32, #tpu.memory_space<vmem>>
          %dma_start3A_732 = tpu.memref_squeeze %dma_start3A_731 : memref<1x128xi32, #tpu.memory_space<vmem>> -> memref<128xi32, #tpu.memory_space<vmem>>
          %dma_start3A_733 = arith.constant 0 : i32
          %dma_start3A_734 = arith.constant 0 : i32
          %dma_start3A_735 = tpu.memref_slice %arg9[%dma_start3A_733, %dma_start3A_734] : memref<10240x16xf32, #tpu.memory_space<vmem_shared>> -> memref<10240x16xf32, #tpu.memory_space<vmem_shared>>
          %dma_start3A_736 = tpu.memref_slice %arg23[%dma_start3A_725] : memref<8x!tpu.dma_semaphore, #tpu.memory_space<semaphore_mem>> -> memref<1x!tpu.dma_semaphore, #tpu.memory_space<semaphore_mem>>
          %dma_start3A_737 = tpu.memref_squeeze %dma_start3A_736 : memref<1x!tpu.dma_semaphore, #tpu.memory_space<semaphore_mem>> -> memref<!tpu.dma_semaphore, #tpu.memory_space<semaphore_mem>>
          tpu.enqueue_indirect_dma source(%dma_start3A_735 : memref<10240x16xf32, #tpu.memory_space<vmem_shared>>) target(%dma_start3A_729 : memref<128x16xf32, #tpu.memory_space<vmem>>) offsets(%dma_start3A_732 : memref<128xi32, #tpu.memory_space<vmem>>) semaphore(%dma_start3A_737 : memref<!tpu.dma_semaphore, #tpu.memory_space<semaphore_mem>>)
        } else {
        }
        %add3A_629 = arith.constant 4 : i32
        %add3A_630 = arith.addi %mul3A_298, %add3A_629 : i32
        %dma_wait3A_631 = arith.constant 4 : i32
        %dma_wait3A_632 = arith.constant 4 : i32
        %dma_wait3A_633 = arith.constant 0 : i32
        %dma_wait3A_634 = arith.constant 0 : i32
        %dma_wait3A_635 = tpu.memref_slice %arg19[%dma_wait3A_631, %dma_wait3A_633, %dma_wait3A_634] : memref<8x128x16xf32, #tpu.memory_space<vmem>> -> memref<1x128x16xf32, #tpu.memory_space<vmem>>
        %dma_wait3A_636 = tpu.memref_squeeze %dma_wait3A_635 : memref<1x128x16xf32, #tpu.memory_space<vmem>> -> memref<128x16xf32, #tpu.memory_space<vmem>>
        %dma_wait3A_637 = arith.constant 0 : i32
        %dma_wait3A_638 = tpu.memref_slice %arg12[%add3A_630, %dma_wait3A_637] : memref<80x128xi32, #tpu.memory_space<vmem>> -> memref<1x128xi32, #tpu.memory_space<vmem>>
        %dma_wait3A_639 = tpu.memref_squeeze %dma_wait3A_638 : memref<1x128xi32, #tpu.memory_space<vmem>> -> memref<128xi32, #tpu.memory_space<vmem>>
        %dma_wait3A_640 = arith.constant 0 : i32
        %dma_wait3A_641 = arith.constant 0 : i32
        %dma_wait3A_642 = tpu.memref_slice %arg10[%dma_wait3A_640, %dma_wait3A_641] : memref<10240x16xf32, #tpu.memory_space<vmem_shared>> -> memref<10240x16xf32, #tpu.memory_space<vmem_shared>>
        %dma_wait3A_643 = tpu.memref_slice %arg24[%dma_wait3A_632] : memref<8x!tpu.dma_semaphore, #tpu.memory_space<semaphore_mem>> -> memref<1x!tpu.dma_semaphore, #tpu.memory_space<semaphore_mem>>
        %dma_wait3A_644 = tpu.memref_squeeze %dma_wait3A_643 : memref<1x!tpu.dma_semaphore, #tpu.memory_space<semaphore_mem>> -> memref<!tpu.dma_semaphore, #tpu.memory_space<semaphore_mem>>
        tpu.wait_indirect_dma semaphore(%dma_wait3A_644 : memref<!tpu.dma_semaphore, #tpu.memory_space<semaphore_mem>>) src(%dma_wait3A_636 : memref<128x16xf32, #tpu.memory_space<vmem>>) dst(%dma_wait3A_642 : memref<10240x16xf32, #tpu.memory_space<vmem_shared>>)
        %add3A_645 = arith.constant 8 : i32
        %add3A_646 = arith.addi %add3A_630, %add3A_645 : i32
        %lt3A_647 = arith.constant 80 : i32
        %lt3A_648 = arith.cmpi slt, %add3A_646, %lt3A_647 : i32
        %convert_element_type3A_649 = arith.extui %lt3A_648 : i1 to i32
        %cond3A_650 = arith.constant 0 : i32
        %cond3A_651 = arith.cmpi ne, %convert_element_type3A_649, %cond3A_650 : i32
        scf.if %cond3A_651 {
          %add3A_722 = arith.constant 8 : i32
          %add3A_723 = arith.addi %add3A_630, %add3A_722 : i32
          %dma_start3A_724 = arith.constant 4 : i32
          %dma_start3A_725 = arith.constant 4 : i32
          %dma_start3A_726 = arith.constant 0 : i32
          %dma_start3A_727 = arith.constant 0 : i32
          %dma_start3A_728 = tpu.memref_slice %arg19[%dma_start3A_724, %dma_start3A_726, %dma_start3A_727] : memref<8x128x16xf32, #tpu.memory_space<vmem>> -> memref<1x128x16xf32, #tpu.memory_space<vmem>>
          %dma_start3A_729 = tpu.memref_squeeze %dma_start3A_728 : memref<1x128x16xf32, #tpu.memory_space<vmem>> -> memref<128x16xf32, #tpu.memory_space<vmem>>
          %dma_start3A_730 = arith.constant 0 : i32
          %dma_start3A_731 = tpu.memref_slice %arg11[%add3A_723, %dma_start3A_730] : memref<80x128xi32, #tpu.memory_space<vmem>> -> memref<1x128xi32, #tpu.memory_space<vmem>>
          %dma_start3A_732 = tpu.memref_squeeze %dma_start3A_731 : memref<1x128xi32, #tpu.memory_space<vmem>> -> memref<128xi32, #tpu.memory_space<vmem>>
          %dma_start3A_733 = arith.constant 0 : i32
          %dma_start3A_734 = arith.constant 0 : i32
          %dma_start3A_735 = tpu.memref_slice %arg9[%dma_start3A_733, %dma_start3A_734] : memref<10240x16xf32, #tpu.memory_space<vmem_shared>> -> memref<10240x16xf32, #tpu.memory_space<vmem_shared>>
          %dma_start3A_736 = tpu.memref_slice %arg23[%dma_start3A_725] : memref<8x!tpu.dma_semaphore, #tpu.memory_space<semaphore_mem>> -> memref<1x!tpu.dma_semaphore, #tpu.memory_space<semaphore_mem>>
          %dma_start3A_737 = tpu.memref_squeeze %dma_start3A_736 : memref<1x!tpu.dma_semaphore, #tpu.memory_space<semaphore_mem>> -> memref<!tpu.dma_semaphore, #tpu.memory_space<semaphore_mem>>
          tpu.enqueue_indirect_dma source(%dma_start3A_735 : memref<10240x16xf32, #tpu.memory_space<vmem_shared>>) target(%dma_start3A_729 : memref<128x16xf32, #tpu.memory_space<vmem>>) offsets(%dma_start3A_732 : memref<128xi32, #tpu.memory_space<vmem>>) semaphore(%dma_start3A_737 : memref<!tpu.dma_semaphore, #tpu.memory_space<semaphore_mem>>)
        } else {
        }
        %add3A_652 = arith.constant 5 : i32
        %add3A_653 = arith.addi %mul3A_298, %add3A_652 : i32
        %dma_wait3A_654 = arith.constant 5 : i32
        %dma_wait3A_655 = arith.constant 5 : i32
        %dma_wait3A_656 = arith.constant 0 : i32
        %dma_wait3A_657 = arith.constant 0 : i32
        %dma_wait3A_658 = tpu.memref_slice %arg19[%dma_wait3A_654, %dma_wait3A_656, %dma_wait3A_657] : memref<8x128x16xf32, #tpu.memory_space<vmem>> -> memref<1x128x16xf32, #tpu.memory_space<vmem>>
        %dma_wait3A_659 = tpu.memref_squeeze %dma_wait3A_658 : memref<1x128x16xf32, #tpu.memory_space<vmem>> -> memref<128x16xf32, #tpu.memory_space<vmem>>
        %dma_wait3A_660 = arith.constant 0 : i32
        %dma_wait3A_661 = tpu.memref_slice %arg12[%add3A_653, %dma_wait3A_660] : memref<80x128xi32, #tpu.memory_space<vmem>> -> memref<1x128xi32, #tpu.memory_space<vmem>>
        %dma_wait3A_662 = tpu.memref_squeeze %dma_wait3A_661 : memref<1x128xi32, #tpu.memory_space<vmem>> -> memref<128xi32, #tpu.memory_space<vmem>>
        %dma_wait3A_663 = arith.constant 0 : i32
        %dma_wait3A_664 = arith.constant 0 : i32
        %dma_wait3A_665 = tpu.memref_slice %arg10[%dma_wait3A_663, %dma_wait3A_664] : memref<10240x16xf32, #tpu.memory_space<vmem_shared>> -> memref<10240x16xf32, #tpu.memory_space<vmem_shared>>
        %dma_wait3A_666 = tpu.memref_slice %arg24[%dma_wait3A_655] : memref<8x!tpu.dma_semaphore, #tpu.memory_space<semaphore_mem>> -> memref<1x!tpu.dma_semaphore, #tpu.memory_space<semaphore_mem>>
        %dma_wait3A_667 = tpu.memref_squeeze %dma_wait3A_666 : memref<1x!tpu.dma_semaphore, #tpu.memory_space<semaphore_mem>> -> memref<!tpu.dma_semaphore, #tpu.memory_space<semaphore_mem>>
        tpu.wait_indirect_dma semaphore(%dma_wait3A_667 : memref<!tpu.dma_semaphore, #tpu.memory_space<semaphore_mem>>) src(%dma_wait3A_659 : memref<128x16xf32, #tpu.memory_space<vmem>>) dst(%dma_wait3A_665 : memref<10240x16xf32, #tpu.memory_space<vmem_shared>>)
        %add3A_668 = arith.constant 8 : i32
        %add3A_669 = arith.addi %add3A_653, %add3A_668 : i32
        %lt3A_670 = arith.constant 80 : i32
        %lt3A_671 = arith.cmpi slt, %add3A_669, %lt3A_670 : i32
        %convert_element_type3A_672 = arith.extui %lt3A_671 : i1 to i32
        %cond3A_673 = arith.constant 0 : i32
        %cond3A_674 = arith.cmpi ne, %convert_element_type3A_672, %cond3A_673 : i32
        scf.if %cond3A_674 {
          %add3A_722 = arith.constant 8 : i32
          %add3A_723 = arith.addi %add3A_653, %add3A_722 : i32
          %dma_start3A_724 = arith.constant 5 : i32
          %dma_start3A_725 = arith.constant 5 : i32
          %dma_start3A_726 = arith.constant 0 : i32
          %dma_start3A_727 = arith.constant 0 : i32
          %dma_start3A_728 = tpu.memref_slice %arg19[%dma_start3A_724, %dma_start3A_726, %dma_start3A_727] : memref<8x128x16xf32, #tpu.memory_space<vmem>> -> memref<1x128x16xf32, #tpu.memory_space<vmem>>
          %dma_start3A_729 = tpu.memref_squeeze %dma_start3A_728 : memref<1x128x16xf32, #tpu.memory_space<vmem>> -> memref<128x16xf32, #tpu.memory_space<vmem>>
          %dma_start3A_730 = arith.constant 0 : i32
          %dma_start3A_731 = tpu.memref_slice %arg11[%add3A_723, %dma_start3A_730] : memref<80x128xi32, #tpu.memory_space<vmem>> -> memref<1x128xi32, #tpu.memory_space<vmem>>
          %dma_start3A_732 = tpu.memref_squeeze %dma_start3A_731 : memref<1x128xi32, #tpu.memory_space<vmem>> -> memref<128xi32, #tpu.memory_space<vmem>>
          %dma_start3A_733 = arith.constant 0 : i32
          %dma_start3A_734 = arith.constant 0 : i32
          %dma_start3A_735 = tpu.memref_slice %arg9[%dma_start3A_733, %dma_start3A_734] : memref<10240x16xf32, #tpu.memory_space<vmem_shared>> -> memref<10240x16xf32, #tpu.memory_space<vmem_shared>>
          %dma_start3A_736 = tpu.memref_slice %arg23[%dma_start3A_725] : memref<8x!tpu.dma_semaphore, #tpu.memory_space<semaphore_mem>> -> memref<1x!tpu.dma_semaphore, #tpu.memory_space<semaphore_mem>>
          %dma_start3A_737 = tpu.memref_squeeze %dma_start3A_736 : memref<1x!tpu.dma_semaphore, #tpu.memory_space<semaphore_mem>> -> memref<!tpu.dma_semaphore, #tpu.memory_space<semaphore_mem>>
          tpu.enqueue_indirect_dma source(%dma_start3A_735 : memref<10240x16xf32, #tpu.memory_space<vmem_shared>>) target(%dma_start3A_729 : memref<128x16xf32, #tpu.memory_space<vmem>>) offsets(%dma_start3A_732 : memref<128xi32, #tpu.memory_space<vmem>>) semaphore(%dma_start3A_737 : memref<!tpu.dma_semaphore, #tpu.memory_space<semaphore_mem>>)
        } else {
        }
        %add3A_675 = arith.constant 6 : i32
        %add3A_676 = arith.addi %mul3A_298, %add3A_675 : i32
        %dma_wait3A_677 = arith.constant 6 : i32
        %dma_wait3A_678 = arith.constant 6 : i32
        %dma_wait3A_679 = arith.constant 0 : i32
        %dma_wait3A_680 = arith.constant 0 : i32
        %dma_wait3A_681 = tpu.memref_slice %arg19[%dma_wait3A_677, %dma_wait3A_679, %dma_wait3A_680] : memref<8x128x16xf32, #tpu.memory_space<vmem>> -> memref<1x128x16xf32, #tpu.memory_space<vmem>>
        %dma_wait3A_682 = tpu.memref_squeeze %dma_wait3A_681 : memref<1x128x16xf32, #tpu.memory_space<vmem>> -> memref<128x16xf32, #tpu.memory_space<vmem>>
        %dma_wait3A_683 = arith.constant 0 : i32
        %dma_wait3A_684 = tpu.memref_slice %arg12[%add3A_676, %dma_wait3A_683] : memref<80x128xi32, #tpu.memory_space<vmem>> -> memref<1x128xi32, #tpu.memory_space<vmem>>
        %dma_wait3A_685 = tpu.memref_squeeze %dma_wait3A_684 : memref<1x128xi32, #tpu.memory_space<vmem>> -> memref<128xi32, #tpu.memory_space<vmem>>
        %dma_wait3A_686 = arith.constant 0 : i32
        %dma_wait3A_687 = arith.constant 0 : i32
        %dma_wait3A_688 = tpu.memref_slice %arg10[%dma_wait3A_686, %dma_wait3A_687] : memref<10240x16xf32, #tpu.memory_space<vmem_shared>> -> memref<10240x16xf32, #tpu.memory_space<vmem_shared>>
        %dma_wait3A_689 = tpu.memref_slice %arg24[%dma_wait3A_678] : memref<8x!tpu.dma_semaphore, #tpu.memory_space<semaphore_mem>> -> memref<1x!tpu.dma_semaphore, #tpu.memory_space<semaphore_mem>>
        %dma_wait3A_690 = tpu.memref_squeeze %dma_wait3A_689 : memref<1x!tpu.dma_semaphore, #tpu.memory_space<semaphore_mem>> -> memref<!tpu.dma_semaphore, #tpu.memory_space<semaphore_mem>>
        tpu.wait_indirect_dma semaphore(%dma_wait3A_690 : memref<!tpu.dma_semaphore, #tpu.memory_space<semaphore_mem>>) src(%dma_wait3A_682 : memref<128x16xf32, #tpu.memory_space<vmem>>) dst(%dma_wait3A_688 : memref<10240x16xf32, #tpu.memory_space<vmem_shared>>)
        %add3A_691 = arith.constant 8 : i32
        %add3A_692 = arith.addi %add3A_676, %add3A_691 : i32
        %lt3A_693 = arith.constant 80 : i32
        %lt3A_694 = arith.cmpi slt, %add3A_692, %lt3A_693 : i32
        %convert_element_type3A_695 = arith.extui %lt3A_694 : i1 to i32
        %cond3A_696 = arith.constant 0 : i32
        %cond3A_697 = arith.cmpi ne, %convert_element_type3A_695, %cond3A_696 : i32
        scf.if %cond3A_697 {
          %add3A_722 = arith.constant 8 : i32
          %add3A_723 = arith.addi %add3A_676, %add3A_722 : i32
          %dma_start3A_724 = arith.constant 6 : i32
          %dma_start3A_725 = arith.constant 6 : i32
          %dma_start3A_726 = arith.constant 0 : i32
          %dma_start3A_727 = arith.constant 0 : i32
          %dma_start3A_728 = tpu.memref_slice %arg19[%dma_start3A_724, %dma_start3A_726, %dma_start3A_727] : memref<8x128x16xf32, #tpu.memory_space<vmem>> -> memref<1x128x16xf32, #tpu.memory_space<vmem>>
          %dma_start3A_729 = tpu.memref_squeeze %dma_start3A_728 : memref<1x128x16xf32, #tpu.memory_space<vmem>> -> memref<128x16xf32, #tpu.memory_space<vmem>>
          %dma_start3A_730 = arith.constant 0 : i32
          %dma_start3A_731 = tpu.memref_slice %arg11[%add3A_723, %dma_start3A_730] : memref<80x128xi32, #tpu.memory_space<vmem>> -> memref<1x128xi32, #tpu.memory_space<vmem>>
          %dma_start3A_732 = tpu.memref_squeeze %dma_start3A_731 : memref<1x128xi32, #tpu.memory_space<vmem>> -> memref<128xi32, #tpu.memory_space<vmem>>
          %dma_start3A_733 = arith.constant 0 : i32
          %dma_start3A_734 = arith.constant 0 : i32
          %dma_start3A_735 = tpu.memref_slice %arg9[%dma_start3A_733, %dma_start3A_734] : memref<10240x16xf32, #tpu.memory_space<vmem_shared>> -> memref<10240x16xf32, #tpu.memory_space<vmem_shared>>
          %dma_start3A_736 = tpu.memref_slice %arg23[%dma_start3A_725] : memref<8x!tpu.dma_semaphore, #tpu.memory_space<semaphore_mem>> -> memref<1x!tpu.dma_semaphore, #tpu.memory_space<semaphore_mem>>
          %dma_start3A_737 = tpu.memref_squeeze %dma_start3A_736 : memref<1x!tpu.dma_semaphore, #tpu.memory_space<semaphore_mem>> -> memref<!tpu.dma_semaphore, #tpu.memory_space<semaphore_mem>>
          tpu.enqueue_indirect_dma source(%dma_start3A_735 : memref<10240x16xf32, #tpu.memory_space<vmem_shared>>) target(%dma_start3A_729 : memref<128x16xf32, #tpu.memory_space<vmem>>) offsets(%dma_start3A_732 : memref<128xi32, #tpu.memory_space<vmem>>) semaphore(%dma_start3A_737 : memref<!tpu.dma_semaphore, #tpu.memory_space<semaphore_mem>>)
        } else {
        }
        %add3A_698 = arith.constant 7 : i32
        %add3A_699 = arith.addi %mul3A_298, %add3A_698 : i32
        %dma_wait3A_700 = arith.constant 7 : i32
        %dma_wait3A_701 = arith.constant 7 : i32
        %dma_wait3A_702 = arith.constant 0 : i32
        %dma_wait3A_703 = arith.constant 0 : i32
        %dma_wait3A_704 = tpu.memref_slice %arg19[%dma_wait3A_700, %dma_wait3A_702, %dma_wait3A_703] : memref<8x128x16xf32, #tpu.memory_space<vmem>> -> memref<1x128x16xf32, #tpu.memory_space<vmem>>
        %dma_wait3A_705 = tpu.memref_squeeze %dma_wait3A_704 : memref<1x128x16xf32, #tpu.memory_space<vmem>> -> memref<128x16xf32, #tpu.memory_space<vmem>>
        %dma_wait3A_706 = arith.constant 0 : i32
        %dma_wait3A_707 = tpu.memref_slice %arg12[%add3A_699, %dma_wait3A_706] : memref<80x128xi32, #tpu.memory_space<vmem>> -> memref<1x128xi32, #tpu.memory_space<vmem>>
        %dma_wait3A_708 = tpu.memref_squeeze %dma_wait3A_707 : memref<1x128xi32, #tpu.memory_space<vmem>> -> memref<128xi32, #tpu.memory_space<vmem>>
        %dma_wait3A_709 = arith.constant 0 : i32
        %dma_wait3A_710 = arith.constant 0 : i32
        %dma_wait3A_711 = tpu.memref_slice %arg10[%dma_wait3A_709, %dma_wait3A_710] : memref<10240x16xf32, #tpu.memory_space<vmem_shared>> -> memref<10240x16xf32, #tpu.memory_space<vmem_shared>>
        %dma_wait3A_712 = tpu.memref_slice %arg24[%dma_wait3A_701] : memref<8x!tpu.dma_semaphore, #tpu.memory_space<semaphore_mem>> -> memref<1x!tpu.dma_semaphore, #tpu.memory_space<semaphore_mem>>
        %dma_wait3A_713 = tpu.memref_squeeze %dma_wait3A_712 : memref<1x!tpu.dma_semaphore, #tpu.memory_space<semaphore_mem>> -> memref<!tpu.dma_semaphore, #tpu.memory_space<semaphore_mem>>
        tpu.wait_indirect_dma semaphore(%dma_wait3A_713 : memref<!tpu.dma_semaphore, #tpu.memory_space<semaphore_mem>>) src(%dma_wait3A_705 : memref<128x16xf32, #tpu.memory_space<vmem>>) dst(%dma_wait3A_711 : memref<10240x16xf32, #tpu.memory_space<vmem_shared>>)
        %add3A_714 = arith.constant 8 : i32
        %add3A_715 = arith.addi %add3A_699, %add3A_714 : i32
        %lt3A_716 = arith.constant 80 : i32
        %lt3A_717 = arith.cmpi slt, %add3A_715, %lt3A_716 : i32
        %convert_element_type3A_718 = arith.extui %lt3A_717 : i1 to i32
        %cond3A_719 = arith.constant 0 : i32
        %cond3A_720 = arith.cmpi ne, %convert_element_type3A_718, %cond3A_719 : i32
        scf.if %cond3A_720 {
          %add3A_722 = arith.constant 8 : i32
          %add3A_723 = arith.addi %add3A_699, %add3A_722 : i32
          %dma_start3A_724 = arith.constant 7 : i32
          %dma_start3A_725 = arith.constant 7 : i32
          %dma_start3A_726 = arith.constant 0 : i32
          %dma_start3A_727 = arith.constant 0 : i32
          %dma_start3A_728 = tpu.memref_slice %arg19[%dma_start3A_724, %dma_start3A_726, %dma_start3A_727] : memref<8x128x16xf32, #tpu.memory_space<vmem>> -> memref<1x128x16xf32, #tpu.memory_space<vmem>>
          %dma_start3A_729 = tpu.memref_squeeze %dma_start3A_728 : memref<1x128x16xf32, #tpu.memory_space<vmem>> -> memref<128x16xf32, #tpu.memory_space<vmem>>
          %dma_start3A_730 = arith.constant 0 : i32
          %dma_start3A_731 = tpu.memref_slice %arg11[%add3A_723, %dma_start3A_730] : memref<80x128xi32, #tpu.memory_space<vmem>> -> memref<1x128xi32, #tpu.memory_space<vmem>>
          %dma_start3A_732 = tpu.memref_squeeze %dma_start3A_731 : memref<1x128xi32, #tpu.memory_space<vmem>> -> memref<128xi32, #tpu.memory_space<vmem>>
          %dma_start3A_733 = arith.constant 0 : i32
          %dma_start3A_734 = arith.constant 0 : i32
          %dma_start3A_735 = tpu.memref_slice %arg9[%dma_start3A_733, %dma_start3A_734] : memref<10240x16xf32, #tpu.memory_space<vmem_shared>> -> memref<10240x16xf32, #tpu.memory_space<vmem_shared>>
          %dma_start3A_736 = tpu.memref_slice %arg23[%dma_start3A_725] : memref<8x!tpu.dma_semaphore, #tpu.memory_space<semaphore_mem>> -> memref<1x!tpu.dma_semaphore, #tpu.memory_space<semaphore_mem>>
          %dma_start3A_737 = tpu.memref_squeeze %dma_start3A_736 : memref<1x!tpu.dma_semaphore, #tpu.memory_space<semaphore_mem>> -> memref<!tpu.dma_semaphore, #tpu.memory_space<semaphore_mem>>
          tpu.enqueue_indirect_dma source(%dma_start3A_735 : memref<10240x16xf32, #tpu.memory_space<vmem_shared>>) target(%dma_start3A_729 : memref<128x16xf32, #tpu.memory_space<vmem>>) offsets(%dma_start3A_732 : memref<128xi32, #tpu.memory_space<vmem>>) semaphore(%dma_start3A_737 : memref<!tpu.dma_semaphore, #tpu.memory_space<semaphore_mem>>)
        } else {
        }
        %scan3A_721 = arith.constant 0 : i32
        scf.yield %scan3A_721 : i32
      }
      %scan3A_230 = arith.constant 10 : i32
      %barrier3A_231 = arith.constant 0 : index
      tpu.barrier barrier_id(%barrier3A_231)
      %mul3A_232 = arith.constant 320 : i32
      %mul3A_233 = arith.muli %arg1, %mul3A_232 : i32
      "tpu.region"() ({
        %run_scoped3A = tpu.sem_alloc : memref<!tpu.dma_semaphore, #tpu.memory_space<semaphore_mem>>
        %dma_start3A_295 = arith.constant 0 : i32
        %dma_start3A_296 = tpu.memref_slice %arg6[%arg0, %mul3A_233, %dma_start3A_295] : memref<2x5120x16xf32, #tpu.memory_space<hbm>> -> memref<1x320x16xf32, #tpu.memory_space<hbm>>
        %dma_start3A_297 = tpu.memref_squeeze %dma_start3A_296 : memref<1x320x16xf32, #tpu.memory_space<hbm>> -> memref<320x16xf32, #tpu.memory_space<hbm>>
        %dma_start3A_298 = arith.constant 0 : i32
        %dma_start3A_299 = tpu.memref_slice %arg10[%multiple_of3A_10, %dma_start3A_298] : memref<10240x16xf32, #tpu.memory_space<vmem_shared>> -> memref<320x16xf32, #tpu.memory_space<vmem_shared>>
        tpu.enqueue_dma source(%dma_start3A_299 : memref<320x16xf32, #tpu.memory_space<vmem_shared>>) target(%dma_start3A_297 : memref<320x16xf32, #tpu.memory_space<hbm>>) target_semaphore(%run_scoped3A : memref<!tpu.dma_semaphore, #tpu.memory_space<semaphore_mem>>)
        %dma_wait3A = arith.constant 0 : i32
        %dma_wait3A_300 = tpu.memref_slice %arg6[%arg0, %mul3A_233, %dma_wait3A] : memref<2x5120x16xf32, #tpu.memory_space<hbm>> -> memref<1x320x16xf32, #tpu.memory_space<hbm>>
        %dma_wait3A_301 = tpu.memref_squeeze %dma_wait3A_300 : memref<1x320x16xf32, #tpu.memory_space<hbm>> -> memref<320x16xf32, #tpu.memory_space<hbm>>
        %dma_wait3A_302 = arith.constant 0 : i32
        %dma_wait3A_303 = tpu.memref_slice %arg10[%multiple_of3A_10, %dma_wait3A_302] : memref<10240x16xf32, #tpu.memory_space<vmem_shared>> -> memref<320x16xf32, #tpu.memory_space<vmem_shared>>
        tpu.wait_dma2 semaphore(%run_scoped3A : memref<!tpu.dma_semaphore, #tpu.memory_space<semaphore_mem>>) src(%dma_wait3A_303 : memref<320x16xf32, #tpu.memory_space<vmem_shared>>) dst(%dma_wait3A_301 : memref<320x16xf32, #tpu.memory_space<hbm>>)
        tpu.yield
      }) : () -> ()
      %mul3A_234 = arith.constant 2 : i32
      %mul3A_235 = arith.muli %mul3A_234, %scan3A_104 : i32
      %add3A_236 = arith.constant 3 : i32
      %add3A_237 = arith.addi %add3A_236, %mul3A_235 : i32
      %barrier3A_238 = arith.constant 0 : index
      tpu.barrier barrier_id(%barrier3A_238)
      %eq3A_239 = arith.constant 0 : i32
      %eq3A_240 = arith.cmpi eq, %arg1, %eq3A_239 : i32
      %convert_element_type3A_241 = arith.extui %eq3A_240 : i1 to i32
      %cond3A_242 = arith.constant 0 : i32
      %cond3A_243 = arith.cmpi ne, %convert_element_type3A_241, %cond3A_242 : i32
      scf.if %cond3A_243 {
        %mul3A_295 = vector.broadcast %add3A_237 : i32 to vector<16xi32>
        %mul3A_296 = arith.muli %broadcast_in_dim3A_1, %mul3A_295 : vector<16xi32>
        %swap3A_297 = arith.constant 0 : index
        %swap3A_298 = tpu.vector_load %arg20[%swap3A_297] {strides = array<i32>} : memref<16xi32, #tpu.memory_space<vmem>>, vector<16xi32>,
        %swap3A_299 = vector.shape_cast %swap3A_298 : vector<16xi32> to vector<16xi32>
        %swap3A_300 = vector.shape_cast %mul3A_296 : vector<16xi32> to vector<16xi32>
        tpu.vector_store %arg20[%swap3A_297], %swap3A_300 {strides = array<i32>} : memref<16xi32, #tpu.memory_space<vmem>>, vector<16xi32>,
        "tpu.region"() ({
          %run_scoped3A = tpu.sem_alloc : memref<!tpu.dma_semaphore, #tpu.memory_space<semaphore_mem>>
          %dma_start3A_301 = arith.constant 0 : i32
          %dma_start3A_302 = tpu.memref_slice %arg8[%arg0, %dma_start3A_301] : memref<2x16xi32, #tpu.memory_space<hbm>> -> memref<1x16xi32, #tpu.memory_space<hbm>>
          %dma_start3A_303 = tpu.memref_squeeze %dma_start3A_302 : memref<1x16xi32, #tpu.memory_space<hbm>> -> memref<16xi32, #tpu.memory_space<hbm>>
          %dma_start3A_304 = arith.constant 0 : i32
          %dma_start3A_305 = tpu.memref_slice %arg8[%arg0, %dma_start3A_304] : memref<2x16xi32, #tpu.memory_space<hbm>> -> memref<1x16xi32, #tpu.memory_space<hbm>>
          %dma_start3A_306 = tpu.memref_squeeze %dma_start3A_305 : memref<1x16xi32, #tpu.memory_space<hbm>> -> memref<16xi32, #tpu.memory_space<hbm>>
          tpu.enqueue_dma source(%arg20 : memref<16xi32, #tpu.memory_space<vmem>>) target(%dma_start3A_306 : memref<16xi32, #tpu.memory_space<hbm>>) target_semaphore(%run_scoped3A : memref<!tpu.dma_semaphore, #tpu.memory_space<semaphore_mem>>)
          %dma_wait3A = arith.constant 0 : i32
          %dma_wait3A_307 = tpu.memref_slice %arg8[%arg0, %dma_wait3A] : memref<2x16xi32, #tpu.memory_space<hbm>> -> memref<1x16xi32, #tpu.memory_space<hbm>>
          %dma_wait3A_308 = tpu.memref_squeeze %dma_wait3A_307 : memref<1x16xi32, #tpu.memory_space<hbm>> -> memref<16xi32, #tpu.memory_space<hbm>>
          %dma_wait3A_309 = arith.constant 0 : i32
          %dma_wait3A_310 = tpu.memref_slice %arg8[%arg0, %dma_wait3A_309] : memref<2x16xi32, #tpu.memory_space<hbm>> -> memref<1x16xi32, #tpu.memory_space<hbm>>
          %dma_wait3A_311 = tpu.memref_squeeze %dma_wait3A_310 : memref<1x16xi32, #tpu.memory_space<hbm>> -> memref<16xi32, #tpu.memory_space<hbm>>
          tpu.wait_dma2 semaphore(%run_scoped3A : memref<!tpu.dma_semaphore, #tpu.memory_space<semaphore_mem>>) src(%arg20 : memref<16xi32, #tpu.memory_space<vmem>>) dst(%dma_wait3A_311 : memref<16xi32, #tpu.memory_space<hbm>>)
          tpu.yield
        }) : () -> ()
      } else {
      }
      %mul3A_244 = arith.constant -1 : i32
      %mul3A_245 = vector.broadcast %mul3A_244 : i32 to vector<16xi32>
      %mul3A_246 = arith.muli %broadcast_in_dim3A_1, %mul3A_245 : vector<16xi32>
      %swap3A_247 = arith.constant 0 : index
      %swap3A_248 = tpu.vector_load %arg21[%swap3A_247] {strides = array<i32>} : memref<16xi32, #tpu.memory_space<vmem>>, vector<16xi32>,
      %swap3A_249 = vector.shape_cast %swap3A_248 : vector<16xi32> to vector<16xi32>
      %swap3A_250 = vector.shape_cast %mul3A_246 : vector<16xi32> to vector<16xi32>
      tpu.vector_store %arg21[%swap3A_247], %swap3A_250 {strides = array<i32>} : memref<16xi32, #tpu.memory_space<vmem>>, vector<16xi32>,
      %scan3A_251 = arith.constant 0 : i32
      %scan3A_252 = arith.constant 0 : i32
      %scan3A_253 = arith.constant 64 : i32
      %scan3A_254 = arith.addi %scan3A_252, %scan3A_253 : i32
      %scan3A_255 = arith.constant 1 : i32
      %scan3A_256 = scf.for %scan3A_295 = %scan3A_252 to %scan3A_254 step %scan3A_255 iter_args(%scan3A_296 = %scan3A_251) -> (i32)  : i32 {
        %eq3A_297 = arith.constant 0 : i32
        %eq3A_298 = arith.cmpi eq, %scan3A_296, %eq3A_297 : i32
        %convert_element_type3A_299 = arith.extui %eq3A_298 : i1 to i32
        %cond3A_300 = arith.constant 0 : i32
        %cond3A_301 = arith.cmpi ne, %convert_element_type3A_299, %cond3A_300 : i32
        scf.if %cond3A_301 {
          "tpu.region"() ({
            %run_scoped3A = tpu.sem_alloc : memref<!tpu.dma_semaphore, #tpu.memory_space<semaphore_mem>>
            %dma_start3A_304 = arith.constant 0 : i32
            %dma_start3A_305 = tpu.memref_slice %arg8[%sub3A_0, %dma_start3A_304] : memref<2x16xi32, #tpu.memory_space<hbm>> -> memref<1x16xi32, #tpu.memory_space<hbm>>
            %dma_start3A_306 = tpu.memref_squeeze %dma_start3A_305 : memref<1x16xi32, #tpu.memory_space<hbm>> -> memref<16xi32, #tpu.memory_space<hbm>>
            %dma_start3A_307 = arith.constant 0 : i32
            %dma_start3A_308 = tpu.memref_slice %arg8[%sub3A_0, %dma_start3A_307] : memref<2x16xi32, #tpu.memory_space<hbm>> -> memref<1x16xi32, #tpu.memory_space<hbm>>
            %dma_start3A_309 = tpu.memref_squeeze %dma_start3A_308 : memref<1x16xi32, #tpu.memory_space<hbm>> -> memref<16xi32, #tpu.memory_space<hbm>>
            tpu.enqueue_dma source(%dma_start3A_309 : memref<16xi32, #tpu.memory_space<hbm>>) target(%arg21 : memref<16xi32, #tpu.memory_space<vmem>>) target_semaphore(%run_scoped3A : memref<!tpu.dma_semaphore, #tpu.memory_space<semaphore_mem>>)
            %dma_wait3A = arith.constant 0 : i32
            %dma_wait3A_310 = tpu.memref_slice %arg8[%sub3A_0, %dma_wait3A] : memref<2x16xi32, #tpu.memory_space<hbm>> -> memref<1x16xi32, #tpu.memory_space<hbm>>
            %dma_wait3A_311 = tpu.memref_squeeze %dma_wait3A_310 : memref<1x16xi32, #tpu.memory_space<hbm>> -> memref<16xi32, #tpu.memory_space<hbm>>
            %dma_wait3A_312 = arith.constant 0 : i32
            %dma_wait3A_313 = tpu.memref_slice %arg8[%sub3A_0, %dma_wait3A_312] : memref<2x16xi32, #tpu.memory_space<hbm>> -> memref<1x16xi32, #tpu.memory_space<hbm>>
            %dma_wait3A_314 = tpu.memref_squeeze %dma_wait3A_313 : memref<1x16xi32, #tpu.memory_space<hbm>> -> memref<16xi32, #tpu.memory_space<hbm>>
            tpu.wait_dma2 semaphore(%run_scoped3A : memref<!tpu.dma_semaphore, #tpu.memory_space<semaphore_mem>>) src(%dma_wait3A_314 : memref<16xi32, #tpu.memory_space<hbm>>) dst(%arg21 : memref<16xi32, #tpu.memory_space<vmem>>)
            tpu.yield
          }) : () -> ()
        } else {
        }
        %get3A = arith.constant 0 : index
        %get3A_302 = tpu.vector_load %arg21[%get3A] {strides = array<i32>} : memref<16xi32, #tpu.memory_space<vmem>>, vector<16xi32>,
        %get3A_303 = vector.shape_cast %get3A_302 : vector<16xi32> to vector<16xi32>
        %slice3A = vector.extract_strided_slice %get3A_303 {offsets = [0], sizes = [1], strides = [1]} : vector<16xi32> to vector<1xi32>
        %squeeze3A = vector.extract %slice3A[0] : i32 from vector<1xi32>
        %ge3A = arith.cmpi sge, %squeeze3A, %add3A_237 : i32
        %jit3A = arith.constant 1 : i32
        %select_n3A = arith.select %ge3A, %jit3A, %scan3A_296 : i32
        scf.yield %select_n3A : i32
      }
      %scan3A_257 = arith.constant 64 : i32
      %barrier3A_258 = arith.constant 0 : index
      tpu.barrier barrier_id(%barrier3A_258)
      "tpu.region"() ({
        %run_scoped3A = tpu.sem_alloc : memref<!tpu.dma_semaphore, #tpu.memory_space<semaphore_mem>>
        %dma_start3A_295 = arith.constant 0 : i32
        %dma_start3A_296 = tpu.memref_slice %arg10[%multiple_of3A, %dma_start3A_295] : memref<10240x16xf32, #tpu.memory_space<vmem_shared>> -> memref<320x16xf32, #tpu.memory_space<vmem_shared>>
        %dma_start3A_297 = arith.constant 0 : i32
        %dma_start3A_298 = tpu.memref_slice %arg10[%multiple_of3A, %dma_start3A_297] : memref<10240x16xf32, #tpu.memory_space<vmem_shared>> -> memref<320x16xf32, #tpu.memory_space<vmem_shared>>
        tpu.enqueue_dma source(%dma_start3A_298 : memref<320x16xf32, #tpu.memory_space<vmem_shared>>) target(%arg16 : memref<320x16xf32, #tpu.memory_space<vmem>>) target_semaphore(%run_scoped3A : memref<!tpu.dma_semaphore, #tpu.memory_space<semaphore_mem>>)
        %dma_wait3A = arith.constant 0 : i32
        %dma_wait3A_299 = tpu.memref_slice %arg10[%multiple_of3A, %dma_wait3A] : memref<10240x16xf32, #tpu.memory_space<vmem_shared>> -> memref<320x16xf32, #tpu.memory_space<vmem_shared>>
        %dma_wait3A_300 = arith.constant 0 : i32
        %dma_wait3A_301 = tpu.memref_slice %arg10[%multiple_of3A, %dma_wait3A_300] : memref<10240x16xf32, #tpu.memory_space<vmem_shared>> -> memref<320x16xf32, #tpu.memory_space<vmem_shared>>
        tpu.wait_dma2 semaphore(%run_scoped3A : memref<!tpu.dma_semaphore, #tpu.memory_space<semaphore_mem>>) src(%dma_wait3A_301 : memref<320x16xf32, #tpu.memory_space<vmem_shared>>) dst(%arg16 : memref<320x16xf32, #tpu.memory_space<vmem>>)
        tpu.yield
      }) : () -> ()
      %mul3A_259 = arith.constant 320 : i32
      %mul3A_260 = arith.muli %arg1, %mul3A_259 : i32
      "tpu.region"() ({
        %run_scoped3A = tpu.sem_alloc : memref<!tpu.dma_semaphore, #tpu.memory_space<semaphore_mem>>
        %dma_start3A_295 = arith.constant 0 : i32
        %dma_start3A_296 = tpu.memref_slice %arg6[%sub3A_0, %mul3A_260, %dma_start3A_295] : memref<2x5120x16xf32, #tpu.memory_space<hbm>> -> memref<1x320x16xf32, #tpu.memory_space<hbm>>
        %dma_start3A_297 = tpu.memref_squeeze %dma_start3A_296 : memref<1x320x16xf32, #tpu.memory_space<hbm>> -> memref<320x16xf32, #tpu.memory_space<hbm>>
        %dma_start3A_298 = arith.constant 0 : i32
        %dma_start3A_299 = tpu.memref_slice %arg6[%sub3A_0, %mul3A_260, %dma_start3A_298] : memref<2x5120x16xf32, #tpu.memory_space<hbm>> -> memref<1x320x16xf32, #tpu.memory_space<hbm>>
        %dma_start3A_300 = tpu.memref_squeeze %dma_start3A_299 : memref<1x320x16xf32, #tpu.memory_space<hbm>> -> memref<320x16xf32, #tpu.memory_space<hbm>>
        tpu.enqueue_dma source(%dma_start3A_300 : memref<320x16xf32, #tpu.memory_space<hbm>>) target(%arg17 : memref<320x16xf32, #tpu.memory_space<vmem>>) target_semaphore(%run_scoped3A : memref<!tpu.dma_semaphore, #tpu.memory_space<semaphore_mem>>)
        %dma_wait3A = arith.constant 0 : i32
        %dma_wait3A_301 = tpu.memref_slice %arg6[%sub3A_0, %mul3A_260, %dma_wait3A] : memref<2x5120x16xf32, #tpu.memory_space<hbm>> -> memref<1x320x16xf32, #tpu.memory_space<hbm>>
        %dma_wait3A_302 = tpu.memref_squeeze %dma_wait3A_301 : memref<1x320x16xf32, #tpu.memory_space<hbm>> -> memref<320x16xf32, #tpu.memory_space<hbm>>
        %dma_wait3A_303 = arith.constant 0 : i32
        %dma_wait3A_304 = tpu.memref_slice %arg6[%sub3A_0, %mul3A_260, %dma_wait3A_303] : memref<2x5120x16xf32, #tpu.memory_space<hbm>> -> memref<1x320x16xf32, #tpu.memory_space<hbm>>
        %dma_wait3A_305 = tpu.memref_squeeze %dma_wait3A_304 : memref<1x320x16xf32, #tpu.memory_space<hbm>> -> memref<320x16xf32, #tpu.memory_space<hbm>>
        tpu.wait_dma2 semaphore(%run_scoped3A : memref<!tpu.dma_semaphore, #tpu.memory_space<semaphore_mem>>) src(%dma_wait3A_305 : memref<320x16xf32, #tpu.memory_space<hbm>>) dst(%arg17 : memref<320x16xf32, #tpu.memory_space<vmem>>)
        tpu.yield
      }) : () -> ()
      %scan3A_261 = arith.constant 0 : i32
      %scan3A_262 = arith.constant 0 : i32
      %scan3A_263 = arith.constant 320 : i32
      %scan3A_264 = arith.addi %scan3A_262, %scan3A_263 : i32
      %scan3A_265 = arith.constant 1 : i32
      %scan3A_266 = scf.for %scan3A_295 = %scan3A_262 to %scan3A_264 step %scan3A_265 iter_args(%scan3A_296 = %scan3A_261) -> (i32)  : i32 {
        %get3A = arith.index_cast %scan3A_295 : i32 to index
        %get3A_297 = arith.constant 0 : index
        %get3A_298 = tpu.vector_load %arg14[%get3A, %get3A_297] {strides = array<i32>} : memref<320x16xf32, #tpu.memory_space<vmem>>, vector<1x16xf32>,
        %get3A_299 = vector.shape_cast %get3A_298 : vector<1x16xf32> to vector<16xf32>
        %get3A_300 = arith.index_cast %scan3A_295 : i32 to index
        %get3A_301 = arith.constant 0 : index
        %get3A_302 = tpu.vector_load %arg16[%get3A_300, %get3A_301] {strides = array<i32>} : memref<320x16xf32, #tpu.memory_space<vmem>>, vector<1x16xf32>,
        %get3A_303 = vector.shape_cast %get3A_302 : vector<1x16xf32> to vector<16xf32>
        %get3A_304 = arith.index_cast %scan3A_295 : i32 to index
        %get3A_305 = arith.constant 0 : index
        %get3A_306 = tpu.vector_load %arg17[%get3A_304, %get3A_305] {strides = array<i32>} : memref<320x16xf32, #tpu.memory_space<vmem>>, vector<1x16xf32>,
        %get3A_307 = vector.shape_cast %get3A_306 : vector<1x16xf32> to vector<16xf32>
        %add3A_308 = arith.addf %get3A_303, %get3A_307 : vector<16xf32>
        %get3A_309 = arith.index_cast %scan3A_295 : i32 to index
        %get3A_310 = arith.constant 0 : index
        %get3A_311 = tpu.vector_load %arg13[%get3A_309, %get3A_310] {strides = array<i32>} : memref<320x16xf32, #tpu.memory_space<vmem>>, vector<1x16xf32>,
        %get3A_312 = vector.shape_cast %get3A_311 : vector<1x16xf32> to vector<16xf32>
        %add3A_313 = arith.addf %add3A_308, %get3A_312 : vector<16xf32>
        %mul3A_314 = arith.mulf %get3A_299, %add3A_313 : vector<16xf32>
        %get3A_315 = arith.index_cast %scan3A_295 : i32 to index
        %get3A_316 = arith.constant 0 : index
        %get3A_317 = tpu.vector_load %arg15[%get3A_315, %get3A_316] {strides = array<i32>} : memref<320x16xf32, #tpu.memory_space<vmem>>, vector<1x16xf32>,
        %get3A_318 = vector.shape_cast %get3A_317 : vector<1x16xf32> to vector<16xf32>
        %add3A_319 = arith.addf %mul3A_314, %get3A_318 : vector<16xf32>
        %swap3A_320 = arith.index_cast %scan3A_295 : i32 to index
        %swap3A_321 = arith.constant 0 : index
        %swap3A_322 = tpu.vector_load %arg13[%swap3A_320, %swap3A_321] {strides = array<i32>} : memref<320x16xf32, #tpu.memory_space<vmem>>, vector<1x16xf32>,
        %swap3A_323 = vector.shape_cast %swap3A_322 : vector<1x16xf32> to vector<16xf32>
        %swap3A_324 = vector.shape_cast %add3A_319 : vector<16xf32> to vector<1x16xf32>
        tpu.vector_store %arg13[%swap3A_320, %swap3A_321], %swap3A_324 {strides = array<i32>} : memref<320x16xf32, #tpu.memory_space<vmem>>, vector<1x16xf32>,
        %scan3A_325 = arith.constant 0 : i32
        scf.yield %scan3A_325 : i32
      }
      %scan3A_267 = arith.constant 320 : i32
      %barrier3A_268 = arith.constant 0 : index
      tpu.barrier barrier_id(%barrier3A_268)
      "tpu.region"() ({
        %run_scoped3A = tpu.sem_alloc : memref<!tpu.dma_semaphore, #tpu.memory_space<semaphore_mem>>
        %dma_start3A_295 = arith.constant 0 : i32
        %dma_start3A_296 = tpu.memref_slice %arg10[%multiple_of3A_28, %dma_start3A_295] : memref<10240x16xf32, #tpu.memory_space<vmem_shared>> -> memref<640x16xf32, #tpu.memory_space<vmem_shared>>
        %dma_start3A_297 = arith.constant 0 : i32
        %dma_start3A_298 = tpu.memref_slice %arg10[%multiple_of3A_28, %dma_start3A_297] : memref<10240x16xf32, #tpu.memory_space<vmem_shared>> -> memref<640x16xf32, #tpu.memory_space<vmem_shared>>
        tpu.enqueue_dma source(%arg18 : memref<640x16xf32, #tpu.memory_space<vmem>>) target(%dma_start3A_298 : memref<640x16xf32, #tpu.memory_space<vmem_shared>>) target_semaphore(%run_scoped3A : memref<!tpu.dma_semaphore, #tpu.memory_space<semaphore_mem>>)
        %dma_wait3A = arith.constant 0 : i32
        %dma_wait3A_299 = tpu.memref_slice %arg10[%multiple_of3A_28, %dma_wait3A] : memref<10240x16xf32, #tpu.memory_space<vmem_shared>> -> memref<640x16xf32, #tpu.memory_space<vmem_shared>>
        %dma_wait3A_300 = arith.constant 0 : i32
        %dma_wait3A_301 = tpu.memref_slice %arg10[%multiple_of3A_28, %dma_wait3A_300] : memref<10240x16xf32, #tpu.memory_space<vmem_shared>> -> memref<640x16xf32, #tpu.memory_space<vmem_shared>>
        tpu.wait_dma2 semaphore(%run_scoped3A : memref<!tpu.dma_semaphore, #tpu.memory_space<semaphore_mem>>) src(%arg18 : memref<640x16xf32, #tpu.memory_space<vmem>>) dst(%dma_wait3A_301 : memref<640x16xf32, #tpu.memory_space<vmem_shared>>)
        tpu.yield
      }) : () -> ()
      "tpu.region"() ({
        %run_scoped3A = tpu.sem_alloc : memref<!tpu.dma_semaphore, #tpu.memory_space<semaphore_mem>>
        %dma_start3A_295 = arith.constant 0 : i32
        %dma_start3A_296 = tpu.memref_slice %arg9[%multiple_of3A, %dma_start3A_295] : memref<10240x16xf32, #tpu.memory_space<vmem_shared>> -> memref<320x16xf32, #tpu.memory_space<vmem_shared>>
        %dma_start3A_297 = arith.constant 0 : i32
        %dma_start3A_298 = tpu.memref_slice %arg9[%multiple_of3A, %dma_start3A_297] : memref<10240x16xf32, #tpu.memory_space<vmem_shared>> -> memref<320x16xf32, #tpu.memory_space<vmem_shared>>
        tpu.enqueue_dma source(%arg13 : memref<320x16xf32, #tpu.memory_space<vmem>>) target(%dma_start3A_298 : memref<320x16xf32, #tpu.memory_space<vmem_shared>>) target_semaphore(%run_scoped3A : memref<!tpu.dma_semaphore, #tpu.memory_space<semaphore_mem>>)
        %dma_wait3A = arith.constant 0 : i32
        %dma_wait3A_299 = tpu.memref_slice %arg9[%multiple_of3A, %dma_wait3A] : memref<10240x16xf32, #tpu.memory_space<vmem_shared>> -> memref<320x16xf32, #tpu.memory_space<vmem_shared>>
        %dma_wait3A_300 = arith.constant 0 : i32
        %dma_wait3A_301 = tpu.memref_slice %arg9[%multiple_of3A, %dma_wait3A_300] : memref<10240x16xf32, #tpu.memory_space<vmem_shared>> -> memref<320x16xf32, #tpu.memory_space<vmem_shared>>
        tpu.wait_dma2 semaphore(%run_scoped3A : memref<!tpu.dma_semaphore, #tpu.memory_space<semaphore_mem>>) src(%arg13 : memref<320x16xf32, #tpu.memory_space<vmem>>) dst(%dma_wait3A_301 : memref<320x16xf32, #tpu.memory_space<vmem_shared>>)
        tpu.yield
      }) : () -> ()
      "tpu.region"() ({
        %run_scoped3A = tpu.sem_alloc : memref<!tpu.dma_semaphore, #tpu.memory_space<semaphore_mem>>
        %dma_start3A_295 = arith.constant 0 : i32
        %dma_start3A_296 = tpu.memref_slice %arg7[%multiple_of3A, %dma_start3A_295] : memref<10240x16xf32, #tpu.memory_space<hbm>> -> memref<320x16xf32, #tpu.memory_space<hbm>>
        %dma_start3A_297 = arith.constant 0 : i32
        %dma_start3A_298 = tpu.memref_slice %arg7[%multiple_of3A, %dma_start3A_297] : memref<10240x16xf32, #tpu.memory_space<hbm>> -> memref<320x16xf32, #tpu.memory_space<hbm>>
        tpu.enqueue_dma source(%arg13 : memref<320x16xf32, #tpu.memory_space<vmem>>) target(%dma_start3A_298 : memref<320x16xf32, #tpu.memory_space<hbm>>) target_semaphore(%run_scoped3A : memref<!tpu.dma_semaphore, #tpu.memory_space<semaphore_mem>>)
        %dma_wait3A = arith.constant 0 : i32
        %dma_wait3A_299 = tpu.memref_slice %arg7[%multiple_of3A, %dma_wait3A] : memref<10240x16xf32, #tpu.memory_space<hbm>> -> memref<320x16xf32, #tpu.memory_space<hbm>>
        %dma_wait3A_300 = arith.constant 0 : i32
        %dma_wait3A_301 = tpu.memref_slice %arg7[%multiple_of3A, %dma_wait3A_300] : memref<10240x16xf32, #tpu.memory_space<hbm>> -> memref<320x16xf32, #tpu.memory_space<hbm>>
        tpu.wait_dma2 semaphore(%run_scoped3A : memref<!tpu.dma_semaphore, #tpu.memory_space<semaphore_mem>>) src(%arg13 : memref<320x16xf32, #tpu.memory_space<vmem>>) dst(%dma_wait3A_301 : memref<320x16xf32, #tpu.memory_space<hbm>>)
        tpu.yield
      }) : () -> ()
      %mul3A_269 = arith.constant 2 : i32
      %mul3A_270 = arith.muli %mul3A_269, %scan3A_104 : i32
      %add3A_271 = arith.constant 4 : i32
      %add3A_272 = arith.addi %add3A_271, %mul3A_270 : i32
      %barrier3A_273 = arith.constant 0 : index
      tpu.barrier barrier_id(%barrier3A_273)
      %eq3A_274 = arith.constant 0 : i32
      %eq3A_275 = arith.cmpi eq, %arg1, %eq3A_274 : i32
      %convert_element_type3A_276 = arith.extui %eq3A_275 : i1 to i32
      %cond3A_277 = arith.constant 0 : i32
      %cond3A_278 = arith.cmpi ne, %convert_element_type3A_276, %cond3A_277 : i32
      scf.if %cond3A_278 {
        %mul3A_295 = vector.broadcast %add3A_272 : i32 to vector<16xi32>
        %mul3A_296 = arith.muli %broadcast_in_dim3A_1, %mul3A_295 : vector<16xi32>
        %swap3A_297 = arith.constant 0 : index
        %swap3A_298 = tpu.vector_load %arg20[%swap3A_297] {strides = array<i32>} : memref<16xi32, #tpu.memory_space<vmem>>, vector<16xi32>,
        %swap3A_299 = vector.shape_cast %swap3A_298 : vector<16xi32> to vector<16xi32>
        %swap3A_300 = vector.shape_cast %mul3A_296 : vector<16xi32> to vector<16xi32>
        tpu.vector_store %arg20[%swap3A_297], %swap3A_300 {strides = array<i32>} : memref<16xi32, #tpu.memory_space<vmem>>, vector<16xi32>,
        "tpu.region"() ({
          %run_scoped3A = tpu.sem_alloc : memref<!tpu.dma_semaphore, #tpu.memory_space<semaphore_mem>>
          %dma_start3A_301 = arith.constant 0 : i32
          %dma_start3A_302 = tpu.memref_slice %arg8[%arg0, %dma_start3A_301] : memref<2x16xi32, #tpu.memory_space<hbm>> -> memref<1x16xi32, #tpu.memory_space<hbm>>
          %dma_start3A_303 = tpu.memref_squeeze %dma_start3A_302 : memref<1x16xi32, #tpu.memory_space<hbm>> -> memref<16xi32, #tpu.memory_space<hbm>>
          %dma_start3A_304 = arith.constant 0 : i32
          %dma_start3A_305 = tpu.memref_slice %arg8[%arg0, %dma_start3A_304] : memref<2x16xi32, #tpu.memory_space<hbm>> -> memref<1x16xi32, #tpu.memory_space<hbm>>
          %dma_start3A_306 = tpu.memref_squeeze %dma_start3A_305 : memref<1x16xi32, #tpu.memory_space<hbm>> -> memref<16xi32, #tpu.memory_space<hbm>>
          tpu.enqueue_dma source(%arg20 : memref<16xi32, #tpu.memory_space<vmem>>) target(%dma_start3A_306 : memref<16xi32, #tpu.memory_space<hbm>>) target_semaphore(%run_scoped3A : memref<!tpu.dma_semaphore, #tpu.memory_space<semaphore_mem>>)
          %dma_wait3A = arith.constant 0 : i32
          %dma_wait3A_307 = tpu.memref_slice %arg8[%arg0, %dma_wait3A] : memref<2x16xi32, #tpu.memory_space<hbm>> -> memref<1x16xi32, #tpu.memory_space<hbm>>
          %dma_wait3A_308 = tpu.memref_squeeze %dma_wait3A_307 : memref<1x16xi32, #tpu.memory_space<hbm>> -> memref<16xi32, #tpu.memory_space<hbm>>
          %dma_wait3A_309 = arith.constant 0 : i32
          %dma_wait3A_310 = tpu.memref_slice %arg8[%arg0, %dma_wait3A_309] : memref<2x16xi32, #tpu.memory_space<hbm>> -> memref<1x16xi32, #tpu.memory_space<hbm>>
          %dma_wait3A_311 = tpu.memref_squeeze %dma_wait3A_310 : memref<1x16xi32, #tpu.memory_space<hbm>> -> memref<16xi32, #tpu.memory_space<hbm>>
          tpu.wait_dma2 semaphore(%run_scoped3A : memref<!tpu.dma_semaphore, #tpu.memory_space<semaphore_mem>>) src(%arg20 : memref<16xi32, #tpu.memory_space<vmem>>) dst(%dma_wait3A_311 : memref<16xi32, #tpu.memory_space<hbm>>)
          tpu.yield
        }) : () -> ()
      } else {
      }
      %mul3A_279 = arith.constant -1 : i32
      %mul3A_280 = vector.broadcast %mul3A_279 : i32 to vector<16xi32>
      %mul3A_281 = arith.muli %broadcast_in_dim3A_1, %mul3A_280 : vector<16xi32>
      %swap3A_282 = arith.constant 0 : index
      %swap3A_283 = tpu.vector_load %arg21[%swap3A_282] {strides = array<i32>} : memref<16xi32, #tpu.memory_space<vmem>>, vector<16xi32>,
      %swap3A_284 = vector.shape_cast %swap3A_283 : vector<16xi32> to vector<16xi32>
      %swap3A_285 = vector.shape_cast %mul3A_281 : vector<16xi32> to vector<16xi32>
      tpu.vector_store %arg21[%swap3A_282], %swap3A_285 {strides = array<i32>} : memref<16xi32, #tpu.memory_space<vmem>>, vector<16xi32>,
      %scan3A_286 = arith.constant 0 : i32
      %scan3A_287 = arith.constant 0 : i32
      %scan3A_288 = arith.constant 64 : i32
      %scan3A_289 = arith.addi %scan3A_287, %scan3A_288 : i32
      %scan3A_290 = arith.constant 1 : i32
      %scan3A_291 = scf.for %scan3A_295 = %scan3A_287 to %scan3A_289 step %scan3A_290 iter_args(%scan3A_296 = %scan3A_286) -> (i32)  : i32 {
        %eq3A_297 = arith.constant 0 : i32
        %eq3A_298 = arith.cmpi eq, %scan3A_296, %eq3A_297 : i32
        %convert_element_type3A_299 = arith.extui %eq3A_298 : i1 to i32
        %cond3A_300 = arith.constant 0 : i32
        %cond3A_301 = arith.cmpi ne, %convert_element_type3A_299, %cond3A_300 : i32
        scf.if %cond3A_301 {
          "tpu.region"() ({
            %run_scoped3A = tpu.sem_alloc : memref<!tpu.dma_semaphore, #tpu.memory_space<semaphore_mem>>
            %dma_start3A_304 = arith.constant 0 : i32
            %dma_start3A_305 = tpu.memref_slice %arg8[%sub3A_0, %dma_start3A_304] : memref<2x16xi32, #tpu.memory_space<hbm>> -> memref<1x16xi32, #tpu.memory_space<hbm>>
            %dma_start3A_306 = tpu.memref_squeeze %dma_start3A_305 : memref<1x16xi32, #tpu.memory_space<hbm>> -> memref<16xi32, #tpu.memory_space<hbm>>
            %dma_start3A_307 = arith.constant 0 : i32
            %dma_start3A_308 = tpu.memref_slice %arg8[%sub3A_0, %dma_start3A_307] : memref<2x16xi32, #tpu.memory_space<hbm>> -> memref<1x16xi32, #tpu.memory_space<hbm>>
            %dma_start3A_309 = tpu.memref_squeeze %dma_start3A_308 : memref<1x16xi32, #tpu.memory_space<hbm>> -> memref<16xi32, #tpu.memory_space<hbm>>
            tpu.enqueue_dma source(%dma_start3A_309 : memref<16xi32, #tpu.memory_space<hbm>>) target(%arg21 : memref<16xi32, #tpu.memory_space<vmem>>) target_semaphore(%run_scoped3A : memref<!tpu.dma_semaphore, #tpu.memory_space<semaphore_mem>>)
            %dma_wait3A = arith.constant 0 : i32
            %dma_wait3A_310 = tpu.memref_slice %arg8[%sub3A_0, %dma_wait3A] : memref<2x16xi32, #tpu.memory_space<hbm>> -> memref<1x16xi32, #tpu.memory_space<hbm>>
            %dma_wait3A_311 = tpu.memref_squeeze %dma_wait3A_310 : memref<1x16xi32, #tpu.memory_space<hbm>> -> memref<16xi32, #tpu.memory_space<hbm>>
            %dma_wait3A_312 = arith.constant 0 : i32
            %dma_wait3A_313 = tpu.memref_slice %arg8[%sub3A_0, %dma_wait3A_312] : memref<2x16xi32, #tpu.memory_space<hbm>> -> memref<1x16xi32, #tpu.memory_space<hbm>>
            %dma_wait3A_314 = tpu.memref_squeeze %dma_wait3A_313 : memref<1x16xi32, #tpu.memory_space<hbm>> -> memref<16xi32, #tpu.memory_space<hbm>>
            tpu.wait_dma2 semaphore(%run_scoped3A : memref<!tpu.dma_semaphore, #tpu.memory_space<semaphore_mem>>) src(%dma_wait3A_314 : memref<16xi32, #tpu.memory_space<hbm>>) dst(%arg21 : memref<16xi32, #tpu.memory_space<vmem>>)
            tpu.yield
          }) : () -> ()
        } else {
        }
        %get3A = arith.constant 0 : index
        %get3A_302 = tpu.vector_load %arg21[%get3A] {strides = array<i32>} : memref<16xi32, #tpu.memory_space<vmem>>, vector<16xi32>,
        %get3A_303 = vector.shape_cast %get3A_302 : vector<16xi32> to vector<16xi32>
        %slice3A = vector.extract_strided_slice %get3A_303 {offsets = [0], sizes = [1], strides = [1]} : vector<16xi32> to vector<1xi32>
        %squeeze3A = vector.extract %slice3A[0] : i32 from vector<1xi32>
        %ge3A = arith.cmpi sge, %squeeze3A, %add3A_272 : i32
        %jit3A = arith.constant 1 : i32
        %select_n3A = arith.select %ge3A, %jit3A, %scan3A_296 : i32
        scf.yield %select_n3A : i32
      }
      %scan3A_292 = arith.constant 64 : i32
      %barrier3A_293 = arith.constant 0 : index
      tpu.barrier barrier_id(%barrier3A_293)
      "tpu.region"() ({
        %run_scoped3A = tpu.sem_alloc : memref<!tpu.dma_semaphore, #tpu.memory_space<semaphore_mem>>
        %dma_start3A_295 = arith.constant 0 : i32
        %dma_start3A_296 = tpu.memref_slice %arg9[%multiple_of3A_10, %dma_start3A_295] : memref<10240x16xf32, #tpu.memory_space<vmem_shared>> -> memref<320x16xf32, #tpu.memory_space<vmem_shared>>
        %dma_start3A_297 = arith.constant 0 : i32
        %dma_start3A_298 = tpu.memref_slice %arg7[%multiple_of3A_10, %dma_start3A_297] : memref<10240x16xf32, #tpu.memory_space<hbm>> -> memref<320x16xf32, #tpu.memory_space<hbm>>
        tpu.enqueue_dma source(%dma_start3A_298 : memref<320x16xf32, #tpu.memory_space<hbm>>) target(%dma_start3A_296 : memref<320x16xf32, #tpu.memory_space<vmem_shared>>) target_semaphore(%run_scoped3A : memref<!tpu.dma_semaphore, #tpu.memory_space<semaphore_mem>>)
        %dma_wait3A = arith.constant 0 : i32
        %dma_wait3A_299 = tpu.memref_slice %arg9[%multiple_of3A_10, %dma_wait3A] : memref<10240x16xf32, #tpu.memory_space<vmem_shared>> -> memref<320x16xf32, #tpu.memory_space<vmem_shared>>
        %dma_wait3A_300 = arith.constant 0 : i32
        %dma_wait3A_301 = tpu.memref_slice %arg7[%multiple_of3A_10, %dma_wait3A_300] : memref<10240x16xf32, #tpu.memory_space<hbm>> -> memref<320x16xf32, #tpu.memory_space<hbm>>
        tpu.wait_dma2 semaphore(%run_scoped3A : memref<!tpu.dma_semaphore, #tpu.memory_space<semaphore_mem>>) src(%dma_wait3A_301 : memref<320x16xf32, #tpu.memory_space<hbm>>) dst(%dma_wait3A_299 : memref<320x16xf32, #tpu.memory_space<vmem_shared>>)
        tpu.yield
      }) : () -> ()
      %barrier3A_294 = arith.constant 0 : index
      tpu.barrier barrier_id(%barrier3A_294)
    }
    %scan3A_96 = arith.constant 10 : i32
    %scan3A_97 = arith.constant 0 : i32
    %scan3A_98 = arith.constant 0 : i32
    %scan3A_99 = arith.constant 320 : i32
    %scan3A_100 = arith.addi %scan3A_98, %scan3A_99 : i32
    %scan3A_101 = arith.constant 1 : i32
    %scan3A_102 = scf.for %scan3A_104 = %scan3A_98 to %scan3A_100 step %scan3A_101 iter_args(%scan3A_105 = %scan3A_97) -> (i32)  : i32 {
      %get3A = arith.index_cast %scan3A_104 : i32 to index
      %get3A_106 = arith.constant 0 : index
      %get3A_107 = tpu.vector_load %arg13[%get3A, %get3A_106] {strides = array<i32>} : memref<320x16xf32, #tpu.memory_space<vmem>>, vector<1x16xf32>,
      %get3A_108 = vector.shape_cast %get3A_107 : vector<1x16xf32> to vector<16xf32>
      %get3A_109 = arith.index_cast %scan3A_104 : i32 to index
      %get3A_110 = arith.constant 0 : index
      %get3A_111 = tpu.vector_load %arg14[%get3A_109, %get3A_110] {strides = array<i32>} : memref<320x16xf32, #tpu.memory_space<vmem>>, vector<1x16xf32>,
      %get3A_112 = vector.shape_cast %get3A_111 : vector<1x16xf32> to vector<16xf32>
      %mul3A_113 = arith.constant 1.11111116 : f32
      %mul3A_114 = vector.broadcast %mul3A_113 : f32 to vector<16xf32>
      %mul3A_115 = arith.mulf %get3A_112, %mul3A_114 : vector<16xf32>
      %bitcast_convert_type3A = tpu.bitcast %mul3A_115 : vector<16xf32> -> vector<16xi32>
      %shift_right_logical3A = arith.constant 1 : i32
      %shift_right_logical3A_116 = vector.broadcast %shift_right_logical3A : i32 to vector<16xi32>
      %shift_right_logical3A_117 = arith.shrui %bitcast_convert_type3A, %shift_right_logical3A_116 : vector<16xi32>
      %sub3A_118 = arith.constant 1597463007 : i32
      %sub3A_119 = vector.broadcast %sub3A_118 : i32 to vector<16xi32>
      %sub3A_120 = arith.subi %sub3A_119, %shift_right_logical3A_117 : vector<16xi32>
      %bitcast_convert_type3A_121 = tpu.bitcast %sub3A_120 : vector<16xi32> -> vector<16xf32>
      %mul3A_122 = arith.constant 5.000000e-01 : f32
      %mul3A_123 = vector.broadcast %mul3A_122 : f32 to vector<16xf32>
      %mul3A_124 = arith.mulf %mul3A_123, %mul3A_115 : vector<16xf32>
      %mul3A_125 = arith.mulf %mul3A_124, %bitcast_convert_type3A_121 : vector<16xf32>
      %mul3A_126 = arith.mulf %mul3A_125, %bitcast_convert_type3A_121 : vector<16xf32>
      %sub3A_127 = arith.constant 1.500000e+00 : f32
      %sub3A_128 = vector.broadcast %sub3A_127 : f32 to vector<16xf32>
      %sub3A_129 = arith.subf %sub3A_128, %mul3A_126 : vector<16xf32>
      %mul3A_130 = arith.mulf %bitcast_convert_type3A_121, %sub3A_129 : vector<16xf32>
      %mul3A_131 = arith.mulf %mul3A_124, %mul3A_130 : vector<16xf32>
      %mul3A_132 = arith.mulf %mul3A_131, %mul3A_130 : vector<16xf32>
      %sub3A_133 = arith.constant 1.500000e+00 : f32
      %sub3A_134 = vector.broadcast %sub3A_133 : f32 to vector<16xf32>
      %sub3A_135 = arith.subf %sub3A_134, %mul3A_132 : vector<16xf32>
      %mul3A_136 = arith.mulf %mul3A_130, %sub3A_135 : vector<16xf32>
      %mul3A_137 = arith.mulf %mul3A_124, %mul3A_136 : vector<16xf32>
      %mul3A_138 = arith.mulf %mul3A_137, %mul3A_136 : vector<16xf32>
      %sub3A_139 = arith.constant 1.500000e+00 : f32
      %sub3A_140 = vector.broadcast %sub3A_139 : f32 to vector<16xf32>
      %sub3A_141 = arith.subf %sub3A_140, %mul3A_138 : vector<16xf32>
      %mul3A_142 = arith.mulf %mul3A_136, %sub3A_141 : vector<16xf32>
      %mul3A_143 = arith.mulf %mul3A_124, %mul3A_142 : vector<16xf32>
      %mul3A_144 = arith.mulf %mul3A_143, %mul3A_142 : vector<16xf32>
      %sub3A_145 = arith.constant 1.500000e+00 : f32
      %sub3A_146 = vector.broadcast %sub3A_145 : f32 to vector<16xf32>
      %sub3A_147 = arith.subf %sub3A_146, %mul3A_144 : vector<16xf32>
      %mul3A_148 = arith.mulf %mul3A_142, %sub3A_147 : vector<16xf32>
      %mul3A_149 = arith.mulf %get3A_108, %mul3A_148 : vector<16xf32>
      %swap3A_150 = arith.index_cast %scan3A_104 : i32 to index
      %swap3A_151 = arith.constant 0 : index
      %swap3A_152 = tpu.vector_load %arg16[%swap3A_150, %swap3A_151] {strides = array<i32>} : memref<320x16xf32, #tpu.memory_space<vmem>>, vector<1x16xf32>,
      %swap3A_153 = vector.shape_cast %swap3A_152 : vector<1x16xf32> to vector<16xf32>
      %swap3A_154 = vector.shape_cast %mul3A_149 : vector<16xf32> to vector<1x16xf32>
      tpu.vector_store %arg16[%swap3A_150, %swap3A_151], %swap3A_154 {strides = array<i32>} : memref<320x16xf32, #tpu.memory_space<vmem>>, vector<1x16xf32>,
      %scan3A_155 = arith.constant 0 : i32
      scf.yield %scan3A_155 : i32
    }
    %scan3A_103 = arith.constant 320 : i32
    "tpu.region"() ({
      %run_scoped3A = tpu.sem_alloc : memref<!tpu.dma_semaphore, #tpu.memory_space<semaphore_mem>>
      %dma_start3A = arith.constant 0 : i32
      %dma_start3A_104 = tpu.memref_slice %arg5[%multiple_of3A, %dma_start3A] : memref<10240x16xf32, #tpu.memory_space<hbm>> -> memref<320x16xf32, #tpu.memory_space<hbm>>
      %dma_start3A_105 = arith.constant 0 : i32
      %dma_start3A_106 = tpu.memref_slice %arg5[%multiple_of3A, %dma_start3A_105] : memref<10240x16xf32, #tpu.memory_space<hbm>> -> memref<320x16xf32, #tpu.memory_space<hbm>>
      tpu.enqueue_dma source(%arg16 : memref<320x16xf32, #tpu.memory_space<vmem>>) target(%dma_start3A_106 : memref<320x16xf32, #tpu.memory_space<hbm>>) target_semaphore(%run_scoped3A : memref<!tpu.dma_semaphore, #tpu.memory_space<semaphore_mem>>)
      %dma_wait3A = arith.constant 0 : i32
      %dma_wait3A_107 = tpu.memref_slice %arg5[%multiple_of3A, %dma_wait3A] : memref<10240x16xf32, #tpu.memory_space<hbm>> -> memref<320x16xf32, #tpu.memory_space<hbm>>
      %dma_wait3A_108 = arith.constant 0 : i32
      %dma_wait3A_109 = tpu.memref_slice %arg5[%multiple_of3A, %dma_wait3A_108] : memref<10240x16xf32, #tpu.memory_space<hbm>> -> memref<320x16xf32, #tpu.memory_space<hbm>>
      tpu.wait_dma2 semaphore(%run_scoped3A : memref<!tpu.dma_semaphore, #tpu.memory_space<semaphore_mem>>) src(%arg16 : memref<320x16xf32, #tpu.memory_space<vmem>>) dst(%dma_wait3A_109 : memref<320x16xf32, #tpu.memory_space<hbm>>)
      tpu.yield
    }) : () -> ()
    return
  }
}

module attributes {stable_mosaic.version = 14 : i64} {
  func.func @_mlp_body(%arg0: i32, %arg1: memref<2560x128xf32, #tpu.memory_space<vmem>>, %arg2: memref<128x64xf32, #tpu.memory_space<vmem>>, %arg3: memref<64x16xf32, #tpu.memory_space<vmem>>, %arg4: memref<2560x16xf32, #tpu.memory_space<vmem>>) attributes {dimension_semantics = [#tpu.dimension_semantics<arbitrary>], iteration_bounds = array<i64: 4>, scalar_prefetch = 0 : i64, scratch_operands = 0 : i64, tpu.core_type = #tpu.core_type<tc>, window_params = [{transform_indices = @transform_0, window_bounds = array<i64: 2560, 128>}, {pipeline_mode = #tpu.pipeline_mode<synchronous>, transform_indices = @transform_1, window_bounds = array<i64: 128, 64>}, {pipeline_mode = #tpu.pipeline_mode<synchronous>, transform_indices = @transform_2, window_bounds = array<i64: 64, 16>}, {transform_indices = @transform_3, window_bounds = array<i64: 2560, 16>}]} {
    %get3A = arith.constant 0 : index
    %get3A_0 = arith.constant 0 : index
    %get3A_1 = vector.load %arg1[%get3A, %get3A_0] : memref<2560x128xf32, #tpu.memory_space<vmem>>, vector<2560x128xf32>
    %get3A_2 = arith.constant 0 : index
    %get3A_3 = arith.constant 0 : index
    %get3A_4 = vector.load %arg2[%get3A_2, %get3A_3] : memref<128x64xf32, #tpu.memory_space<vmem>>, vector<128x64xf32>
    %dot_general3A = arith.constant dense<0.000000e+00> : vector<2560x64xf32>
    %dot_general3A_5 = tpu.matmul %get3A_1, %get3A_4, %dot_general3A {dimension_numbers = #tpu.dot_dimension_numbers<[1], [0], [0], [1], [0, 0, 1, 1], [], []>, transpose_lhs_hint = false} : vector<2560x128xf32>, vector<128x64xf32>, vector<2560x64xf32> -> vector<2560x64xf32>
    %max3A = arith.constant 0.000000e+00 : f32
    %max3A_6 = vector.broadcast %max3A : f32 to vector<2560x64xf32>
    %max3A_7 = arith.maximumf %dot_general3A_5, %max3A_6 : vector<2560x64xf32>
    %get3A_8 = arith.constant 0 : index
    %get3A_9 = arith.constant 0 : index
    %get3A_10 = vector.load %arg3[%get3A_8, %get3A_9] : memref<64x16xf32, #tpu.memory_space<vmem>>, vector<64x16xf32>
    %dot_general3A_11 = arith.constant dense<0.000000e+00> : vector<2560x16xf32>
    %dot_general3A_12 = tpu.matmul %max3A_7, %get3A_10, %dot_general3A_11 {dimension_numbers = #tpu.dot_dimension_numbers<[1], [0], [0], [1], [0, 0, 1, 1], [], []>, transpose_lhs_hint = false} : vector<2560x64xf32>, vector<64x16xf32>, vector<2560x16xf32> -> vector<2560x16xf32>
    %swap3A = arith.constant 0 : index
    %swap3A_13 = arith.constant 0 : index
    %swap3A_14 = vector.load %arg4[%swap3A, %swap3A_13] : memref<2560x16xf32, #tpu.memory_space<vmem>>, vector<2560x16xf32>
    tpu.vector_store %arg4[%swap3A, %swap3A_13], %dot_general3A_12 {strides = array<i32>} : memref<2560x16xf32, #tpu.memory_space<vmem>>, vector<2560x16xf32>,
    return
  }
  func.func @transform_0(%arg0: i32) -> (i32, i32) {
    %c0_i32 = arith.constant 0 : i32
    %c0_i32_0 = arith.constant 0 : i32
    return %arg0, %c0_i32 : i32, i32
  }
  func.func @transform_1(%arg0: i32) -> (i32, i32) {
    %c0_i32 = arith.constant 0 : i32
    %c0_i32_0 = arith.constant 0 : i32
    %c0_i32_1 = arith.constant 0 : i32
    return %c0_i32, %c0_i32_0 : i32, i32
  }
  func.func @transform_2(%arg0: i32) -> (i32, i32) {
    %c0_i32 = arith.constant 0 : i32
    %c0_i32_0 = arith.constant 0 : i32
    %c0_i32_1 = arith.constant 0 : i32
    return %c0_i32, %c0_i32_0 : i32, i32
  }
  func.func @transform_3(%arg0: i32) -> (i32, i32) {
    %c0_i32 = arith.constant 0 : i32
    %c0_i32_0 = arith.constant 0 : i32
    return %arg0, %c0_i32 : i32, i32
  }
}

</mosaic_0001>

<sc_bundles>
// kernel: kernel.4.cloned.1.call-start
scs
__scs_entry_jumppad:
0x0: {  	(pc) =	sbr.rel $0x88, $3  }
0x1: {  	(tag) =	ssettag $0x0;
	lr =	simm.s32 $0x1  }
0x2: {  	[smem:$0x3F9D] =	sst lr;
	_ =	strace $0xD0000000  }
0x3: {  	_ = 	snop  }
0x4: {  	_ = 	snop  }
0x5: {  	_ = 	snop  }
0x6: {  	_ = 	snop  }
0x7: {  	_ = 	snop  }
__scs_overlays_trampoline_lowered:
0x8: {  	[smem:$0x3FAC] =	sst s0  }
0x9: {  	[smem:$0x3FAD] =	sst s1  }
0xa: {  	[smem:$0x3FAE] =	sst s2  }
0xb: {  	[smem:$0x3FAF] =	sst s3  }
0xc: {  	[smem:$0x3FB0] =	sst s4  }
0xd: {  	[smem:$0x3FB1] =	sst s5  }
0xe: {  	[smem:$0x3FB2] =	sst s6  }
0xf: {  	[smem:$0x3FB3] =	sst s7  }
0x10: {  	[smem:$0x3FB4] =	sst s8  }
0x11: {  	[smem:$0x3FB5] =	sst s9;
	s0 =	simm.s32 @!p0 $0x0  }
0x12: {  	s1 =	sld [smem:$0x3F9B];
	s0 =	simm.s32 @p0 $0x1  }
0x13: {  	[smem:$0x3FB6] =	sst s0;
	s0 =	simm.s32 @!p1 $0x0  }
0x14: {  	s2 =	sld [smem:$0x3F9A];
	s0 =	simm.s32 @p1 $0x1  }
0x15: {  	[smem:$0x3FB7] =	sst s0;
	s0 =	simm.s32 @!p2 $0x0  }
0x16: {  	s3 =	sld [smem:$0x3FDB];
	s0 =	simm.s32 @p2 $0x1  }
0x17: {  	s4 =	simm.s32 $0x1BF5;
	[smem:$0x3FB9] =	sst s0  }
0x18: {  	s0 =	sld [smem:$0x3F9C];
	_ =	swait.ge [sflag:s4], $0x0  }
0x19: {  	s7 =	sld [smem:$0x3F9D]  }
0x1a: {  	s8 =	sadd.s32 $0xFFFFE003, lr  }
0x1b: {  	s9 =	sadd.s32 $0xFFFFFEF7, lr;
	s5 =	simm.s32 $0xFFFFFFFF;
	p2 =	slt.u32 s8, $0xFFFFF086  }
0x1c: {  	p1 =	slt.u32 s9, $0xF7A;
	s5 =	simm.s32 @!p2 $0x0  }
0x1d: {  	s5 =	simm.s32 @p1 $0x1;
	p0 =	seq.s32 s7, s2  }
0x1e: {  	s7 =	smul.u32 @!p0 $0xF7A, s2;
	p2 =	seq.s32 @!p0 s5, $0x0  }
0x1f: {  	s9 =	smul.u32 $0xF7A, s1;
	s8 =	simm.s32 @!p0 $0x1BF5;
	p2 =	por !p2, p0  }
0x20: {  	[sflag:s8] =	ssyncset.s32 @!p0 $0xFFFFF086;
	s6 =	sadd.s32 @!p0 s3, s7;
	s7 =	simm.s32 @!p0 $0x108  }
0x21: {  	s3 =	sadd.s32 s3, s9;
	s6 =	sadd.s32 @!p0 $0x88, s6;
	s7 =	simm.s32 @p2 $0x1082  }
0x22: {  	[simem:s7], [sflag:s8] =	dma.local @!p0 [hbm:s6], $0xF7A  }
0x23: {  	s9 =	sor.u32 $0xD0000000, s2;
	s6 =	simm.s32 $0x108;
	_ =	swait.ge @!p0 [sflag:s8], $0x0  }
0x24: {  	s3 =	sadd.s32 $0x88, s3;
	s6 =	simm.s32 @!p1 $0x1082;
	[sflag:s4] =	ssyncset.s32 $0xFFFFF086  }
0x25: {  	[simem:s6], [sflag:s4] =	dma.local [hbm:s3], $0xF7A  }
0x26: {  	[smem:$0x3F9D] =	sst s1;
	(tag) =	ssettag s2;
	_ =	strace s9  }
0x27: {  	s1 =	sld [smem:$0x3FAD]  }
0x28: {  	s2 =	sld [smem:$0x3FAE]  }
0x29: {  	s4 =	sld [smem:$0x3FB0]  }
0x2a: {  	p0 =	seq.s32 s5, $0x0;
	s5 =	sld [smem:$0x3FB1]  }
0x2b: {  	s6 =	sld [smem:$0x3FB2]  }
0x2c: {  	s7 =	sld [smem:$0x3FB3]  }
0x2d: {  	s3 =	simm.s32 $0x108;
	s8 =	sld [smem:$0x3FB4]  }
0x2e: {  	s3 =	simm.s32 @!p0 $0x1082;
	s9 =	sld [smem:$0x3FB5]  }
0x2f: {  	lr =	sadd.s32 s0, s3;
	s0 =	sld [smem:$0x3FAC]  }
0x30: {  	s3 =	sld [smem:$0x3FAF]  }
0x31: {  	[smem:$0x3FB8] =	sst s10  }
0x32: {  	s10 =	sld [smem:$0x3FB6];
	_ =	sdelay $0x3  }
0x33: {  	p0 =	seq.s32 s10, $0x1;
	s10 =	sld [smem:$0x3FB8];
	_ =	sdelay $0x3  }
0x34: {  	[smem:$0x3FB8] =	sst s10  }
0x35: {  	s10 =	sld [smem:$0x3FB7];
	_ =	sdelay $0x3  }
0x36: {  	p1 =	seq.s32 s10, $0x1;
	s10 =	sld [smem:$0x3FB8];
	_ =	sdelay $0x3  }
0x37: {  	[smem:$0x3FB8] =	sst s10  }
0x38: {  	s10 =	sld [smem:$0x3FB9]  }
0x39: {  	_ = 	snop;
	(pc) =	sbr.ind lr, $3  }
0x3a: {  	_ = 	snop  }
0x3b: {  	_ = 	snop  }
0x3c: {  	p2 =	seq.s32 s10, $0x1;
	s10 =	sld [smem:$0x3FB8]  }
0x3d: {  	_ =	shalt  }
0x3e: {  	_ =	shalt  }
0x3f: {  	_ =	shalt  }
0x40: {  	_ =	shalt  }
0x41: {  	_ =	shalt  }
0x42: {  	_ =	shalt  }
0x43: {  	_ =	shalt  }
0x44: {  	_ =	shalt  }
0x45: {  	_ =	shalt  }
0x46: {  	_ =	shalt  }
0x47: {  	_ =	shalt  }
0x48: {  	_ =	shalt  }
0x49: {  	_ =	shalt  }
0x4a: {  	_ =	shalt  }
0x4b: {  	_ =	shalt  }
0x4c: {  	_ =	shalt  }
0x4d: {  	_ =	shalt  }
0x4e: {  	_ =	shalt  }
0x4f: {  	_ =	shalt  }
0x50: {  	_ =	shalt  }
0x51: {  	_ =	shalt  }
0x52: {  	_ =	shalt  }
0x53: {  	_ =	shalt  }
0x54: {  	_ =	shalt  }
0x55: {  	_ =	shalt  }
0x56: {  	_ =	shalt  }
0x57: {  	_ =	shalt  }
0x58: {  	_ =	shalt  }
0x59: {  	_ =	shalt  }
0x5a: {  	_ =	shalt  }
0x5b: {  	_ =	shalt  }
0x5c: {  	_ =	shalt  }
0x5d: {  	_ =	shalt  }
0x5e: {  	_ =	shalt  }
0x5f: {  	_ =	shalt  }
0x60: {  	_ =	shalt  }
0x61: {  	_ =	shalt  }
0x62: {  	_ =	shalt  }
0x63: {  	_ =	shalt  }
0x64: {  	_ =	shalt  }
0x65: {  	_ =	shalt  }
0x66: {  	_ =	shalt  }
0x67: {  	_ =	shalt  }
0x68: {  	_ =	shalt  }
0x69: {  	_ =	shalt  }
0x6a: {  	_ =	shalt  }
0x6b: {  	_ =	shalt  }
0x6c: {  	_ =	shalt  }
0x6d: {  	_ =	shalt  }
0x6e: {  	_ =	shalt  }
0x6f: {  	_ =	shalt  }
0x70: {  	_ =	shalt  }
0x71: {  	_ =	shalt  }
0x72: {  	_ =	shalt  }
0x73: {  	_ =	shalt  }
0x74: {  	_ =	shalt  }
0x75: {  	_ =	shalt  }
0x76: {  	_ =	shalt  }
0x77: {  	_ =	shalt  }
0x78: {  	_ =	shalt  }
0x79: {  	_ =	shalt  }
0x7a: {  	_ =	shalt  }
0x7b: {  	_ =	shalt  }
0x7c: {  	_ =	shalt  }
0x7d: {  	_ =	shalt  }
0x7e: {  	_ =	shalt  }
0x7f: {  	_ =	shalt  }
0x80: {  	_ =	shalt  }
0x81: {  	_ =	shalt  }
0x82: {  	_ =	shalt  }
0x83: {  	_ =	shalt  }
0x84: {  	_ =	shalt  }
0x85: {  	_ =	shalt  }
0x86: {  	_ =	shalt  }
0x87: {  	_ =	shalt  }
.Lfunc_end0:
.L_simem_size_0:
called_computation_lowered:
.L_overlay_start_0:
0x88: {  	s2 =	sld [smem:$0x3FD9]  }
0x89: {  	s3 =	sld [smem:$0x3FFE];
	_ =	sdelay $0x1  }
0x8a: {  	s1 =	srdreg.scid  }
0x8b: {  	s0 =	sand.u32 $0x1, s1  }
0x8c: {  	s17 =	sshll.u32 s0, $0xA;
	s2 =	sadd.s32 s3, s2  }
0x8d: {  	s2 =	sadd.s32 s2, s17  }
0x8e: {  	[smem:$0x3FC4] =	sst s2  }
0x8f: {  	_ = 	snop  }
0x90: {  	s2 =	sld [smem:$0x3FD0];
	(tm) =	ssettm $0x1  }
0x91: {  	s18 =	sld [smem:$0x3FFB];
	_ =	sdelay $0x3  }
0x92: {  	_ =	strace s18  }
0x93: {  	s3 =	sld [smem:$0x3FFC];
	_ =	sdelay $0x3  }
0x94: {  	_ =	strace s3  }
0x95: {  	s3 =	sld [smem:$0x3FFD];
	_ =	sdelay $0x3  }
0x96: {  	_ =	strace s3  }
0x97: {  	_ =	strace $0x8FFFFFFF  }
0x98: {  	s19 =	sld [smem:$0x3FDB];
	_ =	sdelay $0x1  }
0x99: {  	s4 =	simm.s32 $_scs_section_size  }
0x9a: {  	s5 =	simm.s32 $_size__tile_overlayer_lowered;
	s6 =	simm.s32 $_tile_overlayer_lowered  }
0x9b: {  	s22 =	simm.s32 $0x1BFF;
	s21 =	sshll.u32 s6, $0x1;
	s3 =	sadd.s32 s4, s19  }
0x9c: {  	s7 =	simm.s32 $0x0;
	s20 =	sshll.u32 s5, $0x1;
	s5 =	sadd.s32 s21, s3  }
0x9d: {  	[timem:s7], [sflag:s22] =	dma.local [hbm:s5], s20  }
0x9e: {  	_ =	swait.ge [sflag:s22], s20  }
0x9f: {  	s4 =	ssub.s32 $0x0, s20;
	[sflag:s22] =	ssyncset.done $0x0  }
0xa0: {  	[sflag:s22] =	ssyncadd.s32 s4;
	_ =	sdelay $0x1  }
0xa1: {  	s23 =	simm.s32 $0x1B8B  }
0xa2: {  	_ =	swait.ge [sflag:s23], $0x1  }
0xa3: {  	[sflag:s23] =	ssyncset.done $0x0  }
0xa4: {  	s25 =	simm.s32 $0x1B8E;
	s24 =	sld [smem:$0x3FFE];
	[sflag:s23] =	ssyncadd.s32 $0xFFFFFFFF  }
0xa5: {  	s26 =	simm.s32 $execute0_lowered;
	[smem:$0x3FD2] =	sst s25  }
0xa6: {  	s5 =	sshll.u32 s26, $0x1;
	_ =	strace $0x80000046;
	[dreg:$0x1] =	wrdreg $0xFFFFFFFF  }
0xa7: {  	s28 =	simm.s32 $_size_execute0_lowered;
	s3 =	sadd.s32 s3, s5;
	[dreg:$0x0] =	wrdreg $0x0  }
0xa8: {  	s5 =	sshll.u32 s28, $0x1;
	[dreg:$0x2] =	wrdreg s3  }
0xa9: {  	[dreg:$0x3] =	wrdreg s5  }
0xaa: {  	[dreg:$0x4] =	wrdreg $0xC0  }
0xab: {  	_ =	task [dreg:s7], $0x5FFFF  }
0xac: {  	[dreg:$0x1] =	wrdreg $0xFFFFFFFF  }
0xad: {  	[dreg:$0x0] =	wrdreg $0x60  }
0xae: {  	[dreg:$0x2] =	wrdreg s24  }
0xaf: {  	[dreg:$0x3] =	wrdreg s2  }
0xb0: {  	[dreg:$0x4] =	wrdreg $0x0  }
0xb1: {  	[dreg:$0x5] =	wrdreg $0x28000  }
0xb2: {  	[dreg:$0x6] =	wrdreg $0x9  }
0xb3: {  	_ =	task.clear_ibuf [dreg:s7], $0x7FFFF;
	_ =	strace $0x90000046  }
0xb4: {  	s29 =	simm.s32 $0x9;
	_ =	strace $0x80000048  }
0xb5: {  	_ =	swait.ge [sflag:s29], $0x1  }
0xb6: {  	[sflag:s29] =	ssyncadd.s32 $0xFFFFFFFF  }
0xb7: {  	_ =	strace $0x90000048  }
0xb8: {  	_ =	sfence  }
0xb9: {  	s30 =	sld [smem:$0x0];
	_ =	sdelay $0x2  }
0xba: {  	s31 =	sshll.u32 s1, $0xD;
	s1 =	sshrl.u32 s1, $0x2  }
0xbb: {  	s3 =	sand.u32 $0x4000, s31;
	s1 =	sadd.s32 s1, s30  }
0xbc: {  	s0 =	sor.u32 s3, s0;
	s1 =	sshll.u32 s1, $0x11  }
0xbd: {  	s0 =	sor.u32 s1, s0  }
0xbe: {  	s0 =	sadd.s32 $0x8F2B, s0  }
0xbf: {  	[sflag:s0] =	ssyncadd.remote.s32 $0x1  }
0xc0: {  	_ =	sfence.sel $0xFFFF  }
0xc1: {  	[dreg:$0x0] =	wrdreg $0xFFFFFFFF;
	(pc) =	sbr.abs _section_cstart, $3  }
0xc2: {  	[dreg:$0x1] =	wrdreg $0xFFFFFFFF  }
0xc3: {  	_ =	task.clear_ibuf [dreg:s7], $0x2FFFF;
	_ =	strace $0x9FFFFFFF  }
0xc4: {  	(tm) =	ssettm $0x7FFFFFFF  }
0xc5: {  	_ =	shalt  }
tec
execute0_lowered:
.L_overlay_start_1:
0x0: {  	(tag) =	ssettag $0x1  }
0x1: {  	s1 =	rddreg [dreg:$0x0]  }
0x2: {  	s0 =	srdreg.scid;
	s5 =	rddreg [dreg:$0x1]  }
0x3: {  	s17 =	stileid.u32;
	s2 =	rddreg [dreg:$0x2]  }
0x4: {  	s3 =	rddreg [dreg:$0x3];
	s9 =	simm.s32 $0x0;
	s28 =	simm.s32 $0x12C00  }
0x5: {  	s29 =	simm.s32 $0x9;
	s30 =	simm.s32 $0xA;
	s6 =	smul.u32 $0x2800, s17  }
0x6: {  	s31 =	simm.s32 $0xB;
	s0 =	sand.u32 $0x1, s0;
	s8 =	smul.u32 $0x140, s17  }
0x7: {  	[smem:$0x7FF] =	sst s9;
	s13 =	sadd.s32 $0x19400, s1;
	s16 =	smul.u32 $0x1400, s17  }
0x8: {  	p0 =	sne.s32 s17, $0x0;
	s17 =	simm.s32 $0x6;
	s4 =	smul.u32 $0x28000, s0  }
0x9: {  	s7 =	smul.u32 $0x1400, s0;
	_ =	strace $0x80000047;
	s11 =	sxor.u32 $0x1, s0  }
0xa: {  	s12 =	ssub.s32 $0x2, s0;
	s21 =	sshll.u32 s0, $0x1;
	s0 =	smul.u32 $0x14000, s0  }
0xb: {  	s14 =	smul.u32 $0x1400, s11;
	s15 =	sshrl.u32 s12, $0x1;
	s23 =	sadd.s32 s6, s2  }
0xc: {  	s25 =	smul.u32 $0x14000, s11;
	s4 =	sadd.s32 s6, s4;
	s7 =	sadd.s32 s8, s7  }
0xd: {  	s15 =	ssub.s32 s12, s15;
	s12 =	sadd.s32 s5, s21;
	[dreg:$0x8] =	wrdreg s23  }
0xe: {  	s0 =	sadd.s32 s16, s0;
	s6 =	sadd.s32 s6, s3;
	s4 =	sshrl.u32 s4, $0x3  }
0xf: {  	s9 =	sshll.u32 s7, $0x1;
	s8 =	sadd.s32 s8, s14;
	[dreg:$0x5] =	wrdreg s12  }
0x10: {  	s0 =	sshrl.u32 s0, $0x3;
	[dreg:$0x9] =	wrdreg s6;
	s6 =	sshll.u32 s11, $0x1  }
0x11: {  	s11 =	simm.s32 $0x0;
	s14 =	sshll.u32 s7, $0x4;
	s16 =	sadd.s32 s16, s25  }
0x12: {  	s7 =	simm.s32 $0x10;
	s4 =	sadd.s32 s4, s1;
	s10 =	sadd.s32 s9, s1  }
0x13: {  	s1 =	sadd.s32 $0x1E400, s1;
	s24 =	sshll.u32 s8, $0x4;
	s0 =	sadd.s32 s13, s0  }
0x14: {  	s12 =	sadd.s32 s5, s6;
	s18 =	sadd.s32 s14, s3;
	[dreg:$0xa] =	wrdreg s0  }
0x15: {  	s19 =	sshrl.u32 s16, $0x3;
	s21 =	sadd.s32 s14, s2;
	[dreg:$0xc] =	wrdreg s18  }
0x16: {  	s6 =	simm.s32 $0xF;
	s22 =	sadd.s32 $0xF400, s4;
	[dreg:$0xf] =	wrdreg s21  }
0x17: {  	s14 =	simm.s32 $0x4;
	s4 =	sadd.s32 $0x5400, s4;
	[dreg:$0x6] =	wrdreg s22  }
0x18: {  	s16 =	simm.s32 $0x5;
	s26 =	sadd.s32 s24, s3;
	[dreg:$0x7] =	wrdreg s4  }
0x19: {  	s0 =	sadd.s32 s13, s19;
	s20 =	sadd.s32 $0x400, s10;
	[dreg:$0xb] =	wrdreg s26  }
0x1a: {  	s23 =	sadd.s32 s24, s2;
	s24 =	sshll.u32 s8, $0x1;
	[dreg:$0xd] =	wrdreg s0  }
0x1b: {  	s25 =	sadd.s32 $0x23400, s10;
	s10 =	simm.s32 $0x2;
	[dreg:$0xe] =	wrdreg s20  }
0x1c: {  	s13 =	simm.s32 $0x3;
	s19 =	simm.s32 $0x7;
	[dreg:$0x11] =	wrdreg s23  }
0x1d: {  	s22 =	sadd.s32 s1, s9;
	s0 =	sadd.s32 s1, s24;
	[dreg:$0x13] =	wrdreg s25  }
0x1e: {  	s26 =	smax.u32 s15, $0x1;
	s1 =	simm.s32 $0xC;
	[dreg:$0x10] =	wrdreg s22  }
0x1f: {  	s24 =	simm.s32 $0xD;
	s25 =	simm.s32 $0x1;
	[dreg:$0x12] =	wrdreg s0  }
0x20: {  	s15 =	simm.s32 $0x8;
	s4 =	simm.s32 $0x0;
	[dreg:$0x14] =	wrdreg s26  }
0x21: {  	v0 =	vimm.f32 $0.0e+00;
	v1 =	vimm.f32 $1.000000000e+00;
	v2 =	vimm.s32 $0xFFFFFFFF;
	s22 =	simm.s32 $0x11;
	s26 =	simm.s32 $0x80;
	s0 =	simm.s32 $0xE  }
.LBB2_1:
0x22: {  	v3 =	vimm.s32 @!p0 $0x0  }
0x23: {  	s5 =	simm.s32 @!p0 $0x0;
	s9 =	simm.s32 @!p0 $0x16C00;
	s18 =	rddreg [dreg:$0x5];
	[tilespmem:$0x16C00] =	vst @!p0 v3  }
0x24: {  	[hbm4b:s18+s5] =	stream.linear.scatter @!p0 [tilespmem:s9], [sflag:$0x11], $0x10, $0x38;
	[tilespmem:$0x16C20] =	vst v63  }
0x25: {  	[dreg:$0x15] =	wrdreg s4;
	s5 =	simm.s32 @!p0 $0x11  }
0x26: {  	_ =	swait.ge @!p0 [sflag:s5], $0x10  }
0x27: {  	[sflag:s5] =	ssyncset.done @!p0 $0x0  }
0x28: {  	s20 =	simm.s32 $0x5000;
	s18 =	rddreg [dreg:$0x6];
	[sflag:s5] =	ssyncadd.s32 @!p0 $0xFFFFFFF0  }
0x29: {  	[tilespmem:s20], [sflag:$0x11] =	stream.linear.gather [hbm4b:s18+s11], $0x2800, $0x38;
	[tilespmem:$0x16C20] =	vst v63  }
0x2a: {  	_ =	swait.ge [sflag:s22], $0x2800  }
0x2b: {  	[sflag:s22] =	ssyncset.done $0x0  }
0x2c: {  	s23 =	simm.s32 $0x7800;
	s21 =	rddreg [dreg:$0x7];
	[sflag:s22] =	ssyncadd.s32 $0xFFFFD800  }
0x2d: {  	[tilespmem:s23], [sflag:$0x11] =	stream.linear.gather [hbm4b:s21+s11], $0x2800, $0x38;
	[tilespmem:$0x16C20] =	vst v63  }
0x2e: {  	_ =	swait.ge [sflag:s22], $0x2800  }
0x2f: {  	[sflag:s22] =	ssyncset.done $0x0  }
0x30: {  	s5 =	simm.s32 $0x0;
	[sflag:s22] =	ssyncadd.s32 $0xFFFFD800  }
.LBB2_2:
0x31: {  	p1 =	sne.s32 s5, $0x9FC0  }
.Ltmp0:
0x32: {  	_ = 	snop;
	(pc) =	sbr.rel @p1 .LBB2_2-.Ltmp0, $3  }
0x33: {  	_ =	sdelay $0x1  }
0x34: {  	s9 =	sshra.s32 s5, $0x2  }
0x35: {  	s5 =	sadd.s32 $0x40, s5;
	[tilespmem:s9+$0x10400] =	vst v0  }
0x36: {  	s5 =	simm.s32 $0x40;
	s9 =	simm.s32 $0x0  }
.LBB2_4:
0x37: {  	p1 =	sne.s32 s5, $0x1FC0;
	[tilespmem:s9+$0x12C00] =	vst v1;
	s9 =	smov.u32 s5;
	s5 =	sadd.s32 $0x40, s5  }
.Ltmp1:
0x38: {  	(pc) =	sbr.rel @p1 .LBB2_4-.Ltmp1, $2  }
0x39: {  	_ =	sdelay $0x2  }
0x3a: {  	s9 =	sshra.s32 s9, $0x2  }
0x3b: {  	[tilespmem:s9+$0x12C00] =	vst v1;
	s5 =	rddreg [dreg:$0x8];
	s20 =	simm.s32 $0x10400  }
0x3c: {  	[spmem:s5] =	stream.linear.scatter [tilespmem:s20], [sflag:$0x11], $0x2800, $0x38;
	[tilespmem:$0x16C20] =	vst v63  }
0x3d: {  	_ =	swait.ge [sflag:s22], $0x2800  }
0x3e: {  	[sflag:s22] =	ssyncset.done $0x0  }
0x3f: {  	s21 =	rddreg [dreg:$0x9];
	[sflag:s22] =	ssyncadd.s32 $0xFFFFD800  }
0x40: {  	[spmem:s21] =	stream.linear.scatter [tilespmem:s20], [sflag:$0x11], $0x2800, $0x38;
	[tilespmem:$0x16C20] =	vst v63  }
0x41: {  	_ =	swait.ge [sflag:s22], $0x2800  }
0x42: {  	[sflag:s22] =	ssyncset.done $0x0  }
0x43: {  	[sflag:s22] =	ssyncadd.s32 $0xFFFFD800  }
0x44: {  	s23 =	simm.s32 $0x7800;
	[bflag:$0x0] =	sbarrier.arrive $0xFFFF  }
0x45: {  	[spmem:s3] =	stream.indirect.scatter.add.f32 [tilespmem:s28], [sflag:$0x9], $0x10, s23, s26, $0xb8;
	[tilespmem:$0x16C20] =	vst v63  }
0x46: {  	s4 =	simm.s32 $0x7880  }
0x47: {  	[spmem:s3] =	stream.indirect.scatter.add.f32 [tilespmem:s28], [sflag:$0xA], $0x10, s4, s26, $0xb8;
	[tilespmem:$0x16C20] =	vst v63  }
0x48: {  	s8 =	simm.s32 $0x7900  }
0x49: {  	[spmem:s3] =	stream.indirect.scatter.add.f32 [tilespmem:s28], [sflag:$0xB], $0x10, s8, s26, $0xb8;
	[tilespmem:$0x16C20] =	vst v63  }
0x4a: {  	s9 =	simm.s32 $0x7980  }
0x4b: {  	[spmem:s3] =	stream.indirect.scatter.add.f32 [tilespmem:s28], [sflag:$0xC], $0x10, s9, s26, $0xb8;
	[tilespmem:$0x16C20] =	vst v63  }
0x4c: {  	s18 =	simm.s32 $0x7A00  }
0x4d: {  	[spmem:s3] =	stream.indirect.scatter.add.f32 [tilespmem:s28], [sflag:$0xD], $0x10, s18, s26, $0xb8;
	[tilespmem:$0x16C20] =	vst v63  }
0x4e: {  	s20 =	simm.s32 $0x7A80  }
0x4f: {  	[spmem:s3] =	stream.indirect.scatter.add.f32 [tilespmem:s28], [sflag:$0xE], $0x10, s20, s26, $0xb8;
	[tilespmem:$0x16C20] =	vst v63  }
0x50: {  	s21 =	simm.s32 $0x7B00  }
0x51: {  	[spmem:s3] =	stream.indirect.scatter.add.f32 [tilespmem:s28], [sflag:$0xF], $0x10, s21, s26, $0xb8;
	[tilespmem:$0x16C20] =	vst v63  }
0x52: {  	s23 =	simm.s32 $0x7B80  }
0x53: {  	[spmem:s3] =	stream.indirect.scatter.add.f32 [tilespmem:s28], [sflag:$0x10], $0x10, s23, s26, $0xb8;
	[tilespmem:$0x16C20] =	vst v63  }
0x54: {  	_ =	swait.ge [sflag:s29], $0x800  }
0x55: {  	[sflag:s29] =	ssyncset.done $0x0  }
0x56: {  	[sflag:s29] =	ssyncadd.s32 $0xFFFFF800  }
0x57: {  	_ =	swait.ge [sflag:s30], $0x800  }
0x58: {  	[sflag:s30] =	ssyncset.done $0x0  }
0x59: {  	[sflag:s30] =	ssyncadd.s32 $0xFFFFF800  }
0x5a: {  	_ =	swait.ge [sflag:s31], $0x800  }
0x5b: {  	[sflag:s31] =	ssyncset.done $0x0  }
0x5c: {  	[sflag:s31] =	ssyncadd.s32 $0xFFFFF800  }
0x5d: {  	_ =	swait.ge [sflag:s1], $0x800  }
0x5e: {  	[sflag:s1] =	ssyncset.done $0x0  }
0x5f: {  	[sflag:s1] =	ssyncadd.s32 $0xFFFFF800  }
0x60: {  	_ =	swait.ge [sflag:s24], $0x800  }
0x61: {  	[sflag:s24] =	ssyncset.done $0x0  }
0x62: {  	[sflag:s24] =	ssyncadd.s32 $0xFFFFF800  }
0x63: {  	_ =	swait.ge [sflag:s0], $0x800  }
0x64: {  	[sflag:s0] =	ssyncset.done $0x0  }
0x65: {  	[sflag:s0] =	ssyncadd.s32 $0xFFFFF800  }
0x66: {  	_ =	swait.ge [sflag:s6], $0x800  }
0x67: {  	[sflag:s6] =	ssyncset.done $0x0  }
0x68: {  	[sflag:s6] =	ssyncadd.s32 $0xFFFFF800  }
0x69: {  	_ =	swait.ge [sflag:s7], $0x800  }
0x6a: {  	s18 =	simm.s32 $0x400;
	s20 =	simm.s32 $0x2000;
	[sflag:s7] =	ssyncset.done $0x0  }
.LBB2_6:
0x6b: {  	s21 =	sadd.s32 $0x7800, s18  }
0x6c: {  	[sflag:s7] =	ssyncadd.s32 $0xFFFFF800;
	s9 =	smov.u32 s20;
	s5 =	sadd.s32 $0x1000, s20  }
0x6d: {  	[spmem:s3] =	stream.indirect.scatter.add.f32 [tilespmem:s28], [sflag:$0x9], $0x10, s21, s26, $0xb8;
	[tilespmem:$0x16C20] =	vst v63  }
0x6e: {  	p1 =	sne.s32 s20, $0x9000;
	s20 =	sadd.s32 $0x7880, s18  }
0x6f: {  	[spmem:s3] =	stream.indirect.scatter.add.f32 [tilespmem:s28], [sflag:$0xA], $0x10, s20, s26, $0xb8;
	[tilespmem:$0x16C20] =	vst v63  }
0x70: {  	s20 =	sadd.s32 $0x7900, s18  }
0x71: {  	[spmem:s3] =	stream.indirect.scatter.add.f32 [tilespmem:s28], [sflag:$0xB], $0x10, s20, s26, $0xb8;
	[tilespmem:$0x16C20] =	vst v63  }
0x72: {  	s20 =	sadd.s32 $0x7980, s18  }
0x73: {  	[spmem:s3] =	stream.indirect.scatter.add.f32 [tilespmem:s28], [sflag:$0xC], $0x10, s20, s26, $0xb8;
	[tilespmem:$0x16C20] =	vst v63  }
0x74: {  	s20 =	sadd.s32 $0x7A00, s18  }
0x75: {  	[spmem:s3] =	stream.indirect.scatter.add.f32 [tilespmem:s28], [sflag:$0xD], $0x10, s20, s26, $0xb8;
	[tilespmem:$0x16C20] =	vst v63  }
0x76: {  	s20 =	sadd.s32 $0x7A80, s18  }
0x77: {  	[spmem:s3] =	stream.indirect.scatter.add.f32 [tilespmem:s28], [sflag:$0xE], $0x10, s20, s26, $0xb8;
	[tilespmem:$0x16C20] =	vst v63  }
0x78: {  	s20 =	sadd.s32 $0x7B00, s18  }
0x79: {  	[spmem:s3] =	stream.indirect.scatter.add.f32 [tilespmem:s28], [sflag:$0xF], $0x10, s20, s26, $0xb8;
	[tilespmem:$0x16C20] =	vst v63  }
0x7a: {  	s18 =	sadd.s32 $0x7B80, s18  }
0x7b: {  	[spmem:s3] =	stream.indirect.scatter.add.f32 [tilespmem:s28], [sflag:$0x10], $0x10, s18, s26, $0xb8;
	[tilespmem:$0x16C20] =	vst v63  }
0x7c: {  	_ =	swait.ge [sflag:s29], $0x800  }
0x7d: {  	[sflag:s29] =	ssyncset.done $0x0  }
0x7e: {  	[sflag:s29] =	ssyncadd.s32 $0xFFFFF800  }
0x7f: {  	_ =	swait.ge [sflag:s30], $0x800  }
0x80: {  	[sflag:s30] =	ssyncset.done $0x0  }
0x81: {  	[sflag:s30] =	ssyncadd.s32 $0xFFFFF800  }
0x82: {  	_ =	swait.ge [sflag:s31], $0x800  }
0x83: {  	[sflag:s31] =	ssyncset.done $0x0  }
0x84: {  	[sflag:s31] =	ssyncadd.s32 $0xFFFFF800  }
0x85: {  	_ =	swait.ge [sflag:s1], $0x800  }
0x86: {  	[sflag:s1] =	ssyncset.done $0x0  }
0x87: {  	[sflag:s1] =	ssyncadd.s32 $0xFFFFF800  }
0x88: {  	_ =	swait.ge [sflag:s24], $0x800  }
0x89: {  	[sflag:s24] =	ssyncset.done $0x0  }
0x8a: {  	[sflag:s24] =	ssyncadd.s32 $0xFFFFF800  }
0x8b: {  	_ =	swait.ge [sflag:s0], $0x800  }
0x8c: {  	[sflag:s0] =	ssyncset.done $0x0  }
0x8d: {  	[sflag:s0] =	ssyncadd.s32 $0xFFFFF800  }
.Ltmp2:
0x8e: {  	_ =	swait.ge [sflag:s6], $0x800;
	(pc) =	sbr.rel @p1 .LBB2_6-.Ltmp2, $4  }
0x8f: {  	[sflag:s6] =	ssyncset.done $0x0  }
0x90: {  	[sflag:s6] =	ssyncadd.s32 $0xFFFFF800  }
0x91: {  	_ =	swait.ge [sflag:s7], $0x800  }
0x92: {  	s20 =	smov.u32 s5;
	s18 =	sshra.s32 s9, $0x2;
	[sflag:s7] =	ssyncset.done $0x0  }
0x93: {  	s5 =	sadd.s32 $0x7800, s18;
	[sflag:s7] =	ssyncadd.s32 $0xFFFFF800  }
0x94: {  	[spmem:s3] =	stream.indirect.scatter.add.f32 [tilespmem:s28], [sflag:$0x9], $0x10, s5, s26, $0xb8;
	[tilespmem:$0x16C20] =	vst v63  }
0x95: {  	s9 =	sadd.s32 $0x7880, s18  }
0x96: {  	[spmem:s3] =	stream.indirect.scatter.add.f32 [tilespmem:s28], [sflag:$0xA], $0x10, s9, s26, $0xb8;
	[tilespmem:$0x16C20] =	vst v63  }
0x97: {  	s20 =	sadd.s32 $0x7900, s18  }
0x98: {  	[spmem:s3] =	stream.indirect.scatter.add.f32 [tilespmem:s28], [sflag:$0xB], $0x10, s20, s26, $0xb8;
	[tilespmem:$0x16C20] =	vst v63  }
0x99: {  	s21 =	sadd.s32 $0x7980, s18  }
0x9a: {  	[spmem:s3] =	stream.indirect.scatter.add.f32 [tilespmem:s28], [sflag:$0xC], $0x10, s21, s26, $0xb8;
	[tilespmem:$0x16C20] =	vst v63  }
0x9b: {  	s23 =	sadd.s32 $0x7A00, s18  }
0x9c: {  	[spmem:s3] =	stream.indirect.scatter.add.f32 [tilespmem:s28], [sflag:$0xD], $0x10, s23, s26, $0xb8;
	[tilespmem:$0x16C20] =	vst v63  }
0x9d: {  	s4 =	sadd.s32 $0x7A80, s18  }
0x9e: {  	[spmem:s3] =	stream.indirect.scatter.add.f32 [tilespmem:s28], [sflag:$0xE], $0x10, s4, s26, $0xb8;
	[tilespmem:$0x16C20] =	vst v63  }
0x9f: {  	s8 =	sadd.s32 $0x7B00, s18  }
0xa0: {  	[spmem:s3] =	stream.indirect.scatter.add.f32 [tilespmem:s28], [sflag:$0xF], $0x10, s8, s26, $0xb8;
	[tilespmem:$0x16C20] =	vst v63  }
0xa1: {  	s9 =	sadd.s32 $0x7B80, s18  }
0xa2: {  	[spmem:s3] =	stream.indirect.scatter.add.f32 [tilespmem:s28], [sflag:$0x10], $0x10, s9, s26, $0xb8;
	[tilespmem:$0x16C20] =	vst v63  }
0xa3: {  	_ =	swait.ge [sflag:s29], $0x800  }
0xa4: {  	[sflag:s29] =	ssyncset.done $0x0  }
0xa5: {  	[sflag:s29] =	ssyncadd.s32 $0xFFFFF800  }
0xa6: {  	_ =	swait.ge [sflag:s30], $0x800  }
0xa7: {  	[sflag:s30] =	ssyncset.done $0x0  }
0xa8: {  	[sflag:s30] =	ssyncadd.s32 $0xFFFFF800  }
0xa9: {  	_ =	swait.ge [sflag:s31], $0x800  }
0xaa: {  	[sflag:s31] =	ssyncset.done $0x0  }
0xab: {  	[sflag:s31] =	ssyncadd.s32 $0xFFFFF800  }
0xac: {  	_ =	swait.ge [sflag:s1], $0x800  }
0xad: {  	[sflag:s1] =	ssyncset.done $0x0  }
0xae: {  	[sflag:s1] =	ssyncadd.s32 $0xFFFFF800  }
0xaf: {  	_ =	swait.ge [sflag:s24], $0x800  }
0xb0: {  	[sflag:s24] =	ssyncset.done $0x0  }
0xb1: {  	[sflag:s24] =	ssyncadd.s32 $0xFFFFF800  }
0xb2: {  	_ =	swait.ge [sflag:s0], $0x800  }
0xb3: {  	[sflag:s0] =	ssyncset.done $0x0  }
0xb4: {  	[sflag:s0] =	ssyncadd.s32 $0xFFFFF800  }
0xb5: {  	_ =	swait.ge [sflag:s6], $0x800  }
0xb6: {  	[sflag:s6] =	ssyncset.done $0x0  }
0xb7: {  	[sflag:s6] =	ssyncadd.s32 $0xFFFFF800  }
0xb8: {  	_ =	swait.ge [sflag:s7], $0x800  }
0xb9: {  	[sflag:s7] =	ssyncset.done $0x0  }
0xba: {  	[sflag:s7] =	ssyncadd.s32 $0xFFFFF800  }
0xbb: {  	[bflag:$0x0] =	sbarrier.arrive $0xFFFF  }
0xbc: {  	s18 =	stileid.u32;
	s20 =	rddreg [dreg:$0xb]  }
0xbd: {  	s5 =	sshll.u32 s18, $0x6;
	s21 =	rddreg [dreg:$0xa];
	s4 =	sshrl.u32 s20, $0x3  }
0xbe: {  	s8 =	sor.u32 $0x1C11, s5;
	[dreg:$0x17] =	wrdreg s4  }
0xbf: {  	[hbm:s21], [sflag:s8] =	dma.local [spmem:s4], $0x280  }
0xc0: {  	_ =	swait.ge [sflag:s22], $0x280  }
0xc1: {  	[sflag:s22] =	ssyncset.done $0x0  }
0xc2: {  	[sflag:s22] =	ssyncadd.s32 $0xFFFFFD80  }
0xc3: {  	v3 =	vimm.s32 @!p0 $0x1;
	[bflag:$0x0] =	sbarrier.arrive $0xFFFF  }
0xc4: {  	s5 =	simm.s32 @!p0 $0x0;
	s9 =	simm.s32 @!p0 $0x16C00;
	[tilespmem:$0x16C00] =	vst @!p0 v3;
	s18 =	rddreg [dreg:$0x5]  }
0xc5: {  	[hbm4b:s18+s5] =	stream.linear.scatter @!p0 [tilespmem:s9], [sflag:$0x11], $0x10, $0x38;
	[tilespmem:$0x16C20] =	vst v63  }
0xc6: {  	s5 =	simm.s32 @!p0 $0x11  }
0xc7: {  	_ =	swait.ge @!p0 [sflag:s5], $0x10  }
0xc8: {  	[sflag:s5] =	ssyncset.done @!p0 $0x0  }
0xc9: {  	p1 =	por $0x0, $0x0;
	[sflag:s5] =	ssyncadd.s32 @!p0 $0xFFFFFFF0  }
0xca: {  	s9 =	simm.s32 @!p1 $0x16C10;
	s18 =	simm.s32 @!p1 $0x11;
	s5 =	simm.s32 @!p1 $0x0;
	[tilespmem:$0x16C10] =	vst v2  }
0xcb: {  	[tilespmem:s9], [sflag:$0x11] =	stream.linear.gather @!p1 [hbm4b:s12+s5], $0x10, $0x38;
	[tilespmem:$0x16C20] =	vst v63  }
0xcc: {  	_ =	swait.ge @!p1 [sflag:s18], $0x10  }
0xcd: {  	[sflag:s18] =	ssyncset.done @!p1 $0x0  }
0xce: {  	[sflag:s18] =	ssyncadd.s32 @!p1 $0xFFFFFFF0  }
0xcf: {  	v3 =	vld [tilespmem:$0x16C10];
	_ =	sdelay $0x4  }
0xd0: {  	(v2sf) =	vpush v3, $0x0;
	_ =	sdelay $0xe  }
0xd1: {  	s23 =	spop (v2sf)  }
0xd2: {  	s5 =	simm.s32 $0x0;
	s9 =	simm.s32 $0x3F;
	p2 =	slt.s32 s23, $0x1  }
.LBB2_8:
0xd3: {  	s9 =	sadd.s32 $0xFFFFFFFF, s9;
	s5 =	simm.s32 @!p2 $0x1  }
0xd4: {  	p2 =	sne.s32 s5, $0x0;
	p1 =	sne.s32 s9, $0x0  }
0xd5: {  	s18 =	simm.s32 @!p2 $0x0;
	s20 =	simm.s32 @!p2 $0x16C10;
	s21 =	simm.s32 @!p2 $0x11  }
0xd6: {  	[tilespmem:s20], [sflag:$0x11] =	stream.linear.gather @!p2 [hbm4b:s12+s18], $0x10, $0x38;
	[tilespmem:$0x16C20] =	vst v63  }
0xd7: {  	_ =	swait.ge @!p2 [sflag:s21], $0x10  }
0xd8: {  	[sflag:s21] =	ssyncset.done @!p2 $0x0  }
0xd9: {  	[sflag:s21] =	ssyncadd.s32 @!p2 $0xFFFFFFF0  }
0xda: {  	v3 =	vld [tilespmem:$0x16C10];
	_ =	sdelay $0x4  }
0xdb: {  	(v2sf) =	vpush v3, $0x0;
	_ =	sdelay $0xb  }
.Ltmp3:
0xdc: {  	(pc) =	sbr.rel @p1 .LBB2_8-.Ltmp3, $3  }
0xdd: {  	_ =	sdelay $0x1  }
0xde: {  	s18 =	spop (v2sf)  }
0xdf: {  	p2 =	slt.s32 s18, $0x1  }
0xe0: {  	[bflag:$0x0] =	sbarrier.arrive $0xFFFF  }
0xe1: {  	s9 =	simm.s32 $0xDC00;
	s5 =	rddreg [dreg:$0xc]  }
0xe2: {  	[tilespmem:s9], [sflag:$0x11] =	stream.linear.gather [spmem:s5], $0x1400, $0x38;
	[tilespmem:$0x16C20] =	vst v63  }
0xe3: {  	_ =	swait.ge [sflag:s22], $0x1400  }
0xe4: {  	s4 =	simm.s32 $0x0;
	[sflag:s22] =	ssyncset.done $0x0  }
0xe5: {  	s18 =	simm.s32 $0xF000;
	s20 =	rddreg [dreg:$0xd];
	[sflag:s22] =	ssyncadd.s32 $0xFFFFEC00  }
0xe6: {  	[tilespmem:s18], [sflag:$0x11] =	stream.linear.gather [hbm4b:s20+s4], $0x1400, $0x38;
	[tilespmem:$0x16C20] =	vst v63  }
0xe7: {  	_ =	swait.ge [sflag:s22], $0x1400  }
0xe8: {  	[sflag:s22] =	ssyncset.done $0x0  }
0xe9: {  	s23 =	simm.s32 $0xC800;
	s21 =	rddreg [dreg:$0xe];
	[sflag:s22] =	ssyncadd.s32 $0xFFFFEC00  }
0xea: {  	[tilespmem:s23], [sflag:$0x11] =	stream.linear.gather [hbm4b:s21+s4], $0x1400, $0x38;
	[tilespmem:$0x16C20] =	vst v63  }
0xeb: {  	_ =	swait.ge [sflag:s22], $0x1400  }
0xec: {  	[sflag:s22] =	ssyncset.done $0x0  }
0xed: {  	s18 =	simm.s32 $0x0;
	[sflag:s22] =	ssyncadd.s32 $0xFFFFEC00  }
0xee: {  	v3 =	vld [tilespmem:s18+$0xDC00]  }
0xef: {  	v4 =	vld [tilespmem:s18+$0xF000];
	_ =	sdelay $0x4  }
0xf0: {  	v3 =	vadd.f32 v4, v3;
	_ =	sdelay $0x1  }
0xf1: {  	v3 =	vadd.f32 $1.000000000e+00, v3  }
0xf2: {  	s20 =	simm.s32 $0x10  }
0xf3: {  	v6 =	vld [tilespmem:s20+$0xF000];
	v5 =	vshrl.u32 v3, $0x1;
	v3 =	vmul.f32 $5.000000000e-01, v3  }
0xf4: {  	v4 =	vld [tilespmem:s20+$0xDC00];
	v5 =	vsub.s32 $0x5F3759DF, v5  }
0xf5: {  	v7 =	vmul.f32 v5, v3;
	_ =	sdelay $0x1  }
0xf6: {  	v7 =	vmul.f32 v5, v7;
	_ =	sdelay $0x1  }
0xf7: {  	v4 =	vadd.f32 v6, v4;
	v6 =	vsub.f32 $1.500000000e+00, v7;
	_ =	sdelay $0x1  }
0xf8: {  	s5 =	simm.s32 $0x20;
	v4 =	vadd.f32 $1.000000000e+00, v4;
	v5 =	vmul.f32 v5, v6  }
0xf9: {  	v8 =	vld [tilespmem:s5+$0xF000]  }
0xfa: {  	v9 =	vmul.f32 $5.000000000e-01, v4;
	v7 =	vshrl.u32 v4, $0x1;
	v6 =	vld [tilespmem:s5+$0xDC00];
	v4 =	vmul.f32 v5, v3  }
0xfb: {  	v7 =	vsub.s32 $0x5F3759DF, v7  }
0xfc: {  	v10 =	vmul.f32 v7, v9;
	v4 =	vmul.f32 v4, v5;
	_ =	sdelay $0x1  }
0xfd: {  	v10 =	vmul.f32 v7, v10;
	v4 =	vsub.f32 $1.500000000e+00, v4  }
0xfe: {  	v6 =	vadd.f32 v8, v6  }
0xff: {  	v8 =	vsub.f32 $1.500000000e+00, v10;
	v5 =	vmul.f32 v4, v5  }
0x100: {  	v4 =	vadd.f32 $1.000000000e+00, v6  }
0x101: {  	s9 =	simm.s32 $0x30;
	v6 =	vmul.f32 v7, v8;
	v7 =	vmul.f32 v5, v3  }
0x102: {  	v12 =	vld [tilespmem:s9+$0xF000];
	v10 =	vshrl.u32 v4, $0x1;
	v4 =	vmul.f32 $5.000000000e-01, v4  }
0x103: {  	v8 =	vld [tilespmem:s9+$0xDC00];
	v11 =	vmul.f32 v6, v9;
	v10 =	vsub.s32 $0x5F3759DF, v10;
	v7 =	vmul.f32 v7, v5  }
0x104: {  	v13 =	vmul.f32 v10, v4  }
0x105: {  	v11 =	vmul.f32 v11, v6;
	v7 =	vsub.f32 $1.500000000e+00, v7  }
0x106: {  	v13 =	vmul.f32 v10, v13  }
0x107: {  	v11 =	vsub.f32 $1.500000000e+00, v11;
	v5 =	vmul.f32 v7, v5  }
0x108: {  	v7 =	vadd.f32 v12, v8;
	v8 =	vsub.f32 $1.500000000e+00, v13  }
0x109: {  	v11 =	vmul.f32 v11, v6;
	v3 =	vmul.f32 v5, v3  }
0x10a: {  	v6 =	vadd.f32 $1.000000000e+00, v7;
	v8 =	vmul.f32 v10, v8  }
0x10b: {  	s23 =	simm.s32 $0x40;
	v14 =	vld [tilespmem:s18+$0xC800];
	v7 =	vmul.f32 v11, v9;
	v12 =	vmul.f32 v3, v5  }
0x10c: {  	v15 =	vld [tilespmem:s23+$0xF000];
	v13 =	vshrl.u32 v6, $0x1;
	v3 =	vmul.f32 $5.000000000e-01, v6;
	v6 =	vmul.f32 v8, v4  }
0x10d: {  	v10 =	vld [tilespmem:s23+$0xDC00];
	v7 =	vmul.f32 v7, v11;
	v13 =	vsub.s32 $0x5F3759DF, v13;
	v12 =	vsub.f32 $1.500000000e+00, v12  }
0x10e: {  	v16 =	vmul.f32 v13, v3;
	v17 =	vmul.f32 v6, v8  }
0x10f: {  	v7 =	vsub.f32 $1.500000000e+00, v7;
	v6 =	vmul.f32 v12, v5  }
0x110: {  	v5 =	vmul.f32 v13, v16;
	v12 =	vsub.f32 $1.500000000e+00, v17  }
0x111: {  	v7 =	vmul.f32 v7, v11;
	v11 =	vmul.f32 v6, v14  }
0x112: {  	v10 =	vadd.f32 v15, v10;
	v5 =	vsub.f32 $1.500000000e+00, v5;
	v8 =	vmul.f32 v12, v8  }
0x113: {  	v14 =	vmul.f32 v7, v9;
	v15 =	vmul.f32 $1.000000010e-01, v11  }
0x114: {  	s21 =	simm.s32 $0x50;
	v10 =	vadd.f32 $1.000000000e+00, v10;
	v12 =	vmul.f32 $8.999999760e-01, v6;
	[tilespmem:s18+$0xA000] =	vst v11;
	v9 =	vmul.f32 v13, v5  }
0x115: {  	v16 =	vmul.f32 v8, v4;
	v18 =	vmul.f32 v14, v7;
	v11 =	vld [tilespmem:s21+$0xDC00];
	[tilespmem:s18+$0xC800] =	vst v15  }
0x116: {  	v17 =	vshrl.u32 v10, $0x1;
	v5 =	vmul.f32 $5.000000000e-01, v10;
	v15 =	vmul.f32 v9, v3;
	v14 =	vld [tilespmem:s20+$0xC800]  }
0x117: {  	s22 =	simm.s32 $0x180;
	v10 =	vsub.s32 $0x5F3759DF, v17;
	v17 =	vmul.f32 v16, v8;
	v16 =	vsub.f32 $1.500000000e+00, v18;
	v13 =	vld [tilespmem:s21+$0xF000]  }
.LBB2_10:
0x118: {  	p1 =	sne.s32 s22, $0x4FC0;
	v18 =	vmul.f32 v10, v5;
	v15 =	vmul.f32 v15, v9  }
0x119: {  	v12 =	vmul.f32 v12, v6;
	v17 =	vsub.f32 $1.500000000e+00, v17;
	v6 =	vmul.f32 v16, v7  }
0x11a: {  	v16 =	vmul.f32 v10, v18;
	v15 =	vsub.f32 $1.500000000e+00, v15  }
0x11b: {  	v7 =	vmul.f32 v17, v8;
	v14 =	vmul.f32 v6, v14;
	[tilespmem:s18+$0xB400] =	vst v12;
	s18 =	smov.u32 s20;
	s20 =	smov.u32 s5;
	s5 =	smov.u32 s9  }
0x11c: {  	s9 =	smov.u32 s23;
	s23 =	smov.u32 s21;
	v11 =	vadd.f32 v13, v11;
	v12 =	vsub.f32 $1.500000000e+00, v16;
	v8 =	vmul.f32 v15, v9  }
.Ltmp4:
0x11d: {  	v13 =	vmul.f32 v7, v4;
	[tilespmem:s18+$0xA000] =	vst v14;
	v14 =	vmul.f32 $1.000000010e-01, v14;
	v4 =	vmovc v3;
	v3 =	vmov v5;
	(pc) =	sbr.rel @p1 .LBB2_10-.Ltmp4, $4  }
0x11e: {  	s21 =	sshra.s32 s22, $0x2;
	v5 =	vadd.f32 $1.000000000e+00, v11;
	v9 =	vmul.f32 v10, v12;
	v12 =	vmul.f32 $8.999999760e-01, v6  }
0x11f: {  	v16 =	vmul.f32 v8, v4;
	v11 =	vld [tilespmem:s21+$0xDC00];
	v18 =	vmul.f32 v13, v7;
	[tilespmem:s18+$0xC800] =	vst v14  }
0x120: {  	v10 =	vshrl.u32 v5, $0x1;
	v5 =	vmul.f32 $5.000000000e-01, v5;
	v15 =	vmul.f32 v9, v3;
	v14 =	vld [tilespmem:s20+$0xC800]  }
0x121: {  	s22 =	sadd.s32 $0x40, s22;
	v17 =	vmul.f32 v16, v8;
	v13 =	vld [tilespmem:s21+$0xF000];
	v10 =	vsub.s32 $0x5F3759DF, v10;
	v16 =	vsub.f32 $1.500000000e+00, v18  }
0x122: {  	v18 =	vmul.f32 v10, v5;
	v15 =	vmul.f32 v15, v9  }
0x123: {  	v17 =	vsub.f32 $1.500000000e+00, v17;
	v7 =	vmul.f32 v16, v7  }
0x124: {  	v6 =	vmul.f32 v12, v6;
	v40 =	vmul.f32 v10, v18;
	v15 =	vsub.f32 $1.500000000e+00, v15  }
0x125: {  	v8 =	vmul.f32 v17, v8;
	v14 =	vmul.f32 v7, v14  }
0x126: {  	v11 =	vadd.f32 v13, v11;
	v12 =	vsub.f32 $1.500000000e+00, v40;
	v41 =	vmul.f32 v15, v9  }
0x127: {  	[tilespmem:s18+$0xB400] =	vst v6;
	v4 =	vmul.f32 v8, v4;
	v42 =	vmul.f32 $1.000000010e-01, v14  }
0x128: {  	v44 =	vmul.f32 $8.999999760e-01, v7;
	[tilespmem:s20+$0xA000] =	vst v14;
	v11 =	vadd.f32 $1.000000000e+00, v11;
	v43 =	vmul.f32 v10, v12  }
0x129: {  	v45 =	vmul.f32 v41, v3;
	v4 =	vmul.f32 v4, v8;
	[tilespmem:s20+$0xC800] =	vst v42  }
0x12a: {  	v46 =	vshrl.u32 v11, $0x1;
	v11 =	vmul.f32 $5.000000000e-01, v11;
	v47 =	vmul.f32 v43, v5;
	v48 =	vld [tilespmem:s5+$0xC800]  }
0x12b: {  	v13 =	vmul.f32 v45, v41;
	v6 =	vsub.s32 $0x5F3759DF, v46;
	v4 =	vsub.f32 $1.500000000e+00, v4  }
0x12c: {  	v49 =	vmul.f32 v6, v11;
	v14 =	vmul.f32 v47, v43  }
0x12d: {  	v13 =	vsub.f32 $1.500000000e+00, v13;
	v4 =	vmul.f32 v4, v8  }
0x12e: {  	v7 =	vmul.f32 v44, v7;
	v50 =	vmul.f32 v6, v49;
	v51 =	vsub.f32 $1.500000000e+00, v14  }
0x12f: {  	v9 =	vmul.f32 v13, v41;
	v52 =	vmul.f32 v4, v48  }
0x130: {  	v8 =	vsub.f32 $1.500000000e+00, v50;
	v10 =	vmul.f32 v51, v43  }
0x131: {  	[tilespmem:s20+$0xB400] =	vst v7;
	v3 =	vmul.f32 v9, v3;
	v53 =	vmul.f32 $1.000000010e-01, v52  }
0x132: {  	[tilespmem:s5+$0xA000] =	vst v52;
	v6 =	vmul.f32 v6, v8  }
0x133: {  	v54 =	vmul.f32 v10, v5;
	v3 =	vmul.f32 v3, v9;
	[tilespmem:s5+$0xC800] =	vst v53  }
0x134: {  	v55 =	vmul.f32 v6, v11;
	v56 =	vld [tilespmem:s9+$0xC800]  }
0x135: {  	v8 =	vmul.f32 v54, v10;
	v3 =	vsub.f32 $1.500000000e+00, v3  }
0x136: {  	v57 =	vmul.f32 $8.999999760e-01, v4;
	v7 =	vmul.f32 v55, v6  }
0x137: {  	v8 =	vsub.f32 $1.500000000e+00, v8;
	v3 =	vmul.f32 v3, v9  }
0x138: {  	v4 =	vmul.f32 v57, v4;
	v7 =	vsub.f32 $1.500000000e+00, v7  }
0x139: {  	v8 =	vmul.f32 v8, v10;
	v9 =	vmul.f32 v3, v56  }
0x13a: {  	v6 =	vmul.f32 v7, v6  }
0x13b: {  	[tilespmem:s5+$0xB400] =	vst v4;
	v58 =	vmul.f32 v8, v5;
	v59 =	vmul.f32 $1.000000010e-01, v9  }
0x13c: {  	[tilespmem:s9+$0xA000] =	vst v9;
	v7 =	vmul.f32 v6, v11  }
0x13d: {  	v4 =	vmul.f32 v58, v8;
	[tilespmem:s9+$0xC800] =	vst v59  }
0x13e: {  	v5 =	vld [tilespmem:s23+$0xC800];
	v7 =	vmul.f32 v7, v6  }
0x13f: {  	v4 =	vsub.f32 $1.500000000e+00, v4  }
0x140: {  	v60 =	vmul.f32 $8.999999760e-01, v3;
	v7 =	vsub.f32 $1.500000000e+00, v7  }
0x141: {  	v4 =	vmul.f32 v4, v8  }
0x142: {  	v3 =	vmul.f32 v60, v3;
	v6 =	vmul.f32 v7, v6  }
0x143: {  	v5 =	vmul.f32 v4, v5  }
0x144: {  	[tilespmem:s9+$0xB400] =	vst v3;
	v3 =	vmul.f32 v6, v11  }
0x145: {  	v61 =	vmul.f32 $1.000000010e-01, v5  }
0x146: {  	[tilespmem:s23+$0xA000] =	vst v5;
	v3 =	vmul.f32 v3, v6  }
0x147: {  	[tilespmem:s23+$0xC800] =	vst v61  }
0x148: {  	v5 =	vld [tilespmem:s21+$0xC800];
	v3 =	vsub.f32 $1.500000000e+00, v3;
	_ =	sdelay $0x1  }
0x149: {  	v62 =	vmul.f32 $8.999999760e-01, v4;
	v3 =	vmul.f32 v3, v6;
	_ =	sdelay $0x1  }
0x14a: {  	v4 =	vmul.f32 v62, v4;
	v6 =	vmul.f32 $8.999999760e-01, v3  }
0x14b: {  	v5 =	vmul.f32 v3, v5  }
0x14c: {  	[tilespmem:s23+$0xB400] =	vst v4;
	v3 =	vmul.f32 v6, v3  }
0x14d: {  	v63 =	vmul.f32 $1.000000010e-01, v5;
	[tilespmem:s21+$0xA000] =	vst v5  }
0x14e: {  	[tilespmem:s21+$0xB400] =	vst v3  }
0x14f: {  	[tilespmem:s21+$0xC800] =	vst v63  }
0x150: {  	[bflag:$0x0] =	sbarrier.arrive $0xFFFF  }
0x151: {  	s4 =	simm.s32 $0x10400;
	s22 =	simm.s32 $0x11;
	s23 =	rddreg [dreg:$0x9]  }
0x152: {  	[spmem:s23] =	stream.linear.scatter [tilespmem:s4], [sflag:$0x11], $0x2800, $0x38;
	[tilespmem:$0x16C20] =	vst v63  }
0x153: {  	_ =	swait.ge [sflag:s22], $0x2800  }
0x154: {  	[sflag:s22] =	ssyncset.done $0x0  }
0x155: {  	s20 =	simm.s32 $0xA000;
	s18 =	rddreg [dreg:$0xf];
	[sflag:s22] =	ssyncadd.s32 $0xFFFFD800  }
0x156: {  	[spmem:s18] =	stream.linear.scatter [tilespmem:s20], [sflag:$0x11], $0x1400, $0x38;
	[tilespmem:$0x16C20] =	vst v63  }
0x157: {  	_ =	swait.ge [sflag:s22], $0x1400  }
0x158: {  	[sflag:s22] =	ssyncset.done $0x0  }
0x159: {  	s21 =	rddreg [dreg:$0x10];
	[sflag:s22] =	ssyncadd.s32 $0xFFFFEC00  }
0x15a: {  	[hbm4b:s21+s11] =	stream.linear.scatter [tilespmem:s20], [sflag:$0x11], $0x1400, $0x38;
	[tilespmem:$0x16C20] =	vst v63  }
0x15b: {  	_ =	swait.ge [sflag:s22], $0x1400  }
0x15c: {  	[sflag:s22] =	ssyncset.done $0x0  }
0x15d: {  	[sflag:s22] =	ssyncadd.s32 $0xFFFFEC00  }
0x15e: {  	v3 =	vimm.s32 @!p0 $0x2;
	[bflag:$0x0] =	sbarrier.arrive $0xFFFF  }
0x15f: {  	s5 =	simm.s32 @!p0 $0x0;
	s9 =	simm.s32 @!p0 $0x16C00;
	[tilespmem:$0x16C00] =	vst @!p0 v3;
	s18 =	rddreg [dreg:$0x5]  }
0x160: {  	[hbm4b:s18+s5] =	stream.linear.scatter @!p0 [tilespmem:s9], [sflag:$0x11], $0x10, $0x38;
	[tilespmem:$0x16C20] =	vst v63  }
0x161: {  	s5 =	simm.s32 @!p0 $0x11  }
0x162: {  	_ =	swait.ge @!p0 [sflag:s5], $0x10  }
0x163: {  	[sflag:s5] =	ssyncset.done @!p0 $0x0  }
0x164: {  	p1 =	por $0x0, $0x0;
	[sflag:s5] =	ssyncadd.s32 @!p0 $0xFFFFFFF0  }
0x165: {  	s9 =	simm.s32 @!p1 $0x16C10;
	s18 =	simm.s32 @!p1 $0x11;
	s5 =	simm.s32 @!p1 $0x0;
	[tilespmem:$0x16C10] =	vst v2  }
0x166: {  	[tilespmem:s9], [sflag:$0x11] =	stream.linear.gather @!p1 [hbm4b:s12+s5], $0x10, $0x38;
	[tilespmem:$0x16C20] =	vst v63  }
0x167: {  	_ =	swait.ge @!p1 [sflag:s18], $0x10  }
0x168: {  	[sflag:s18] =	ssyncset.done @!p1 $0x0  }
0x169: {  	[sflag:s18] =	ssyncadd.s32 @!p1 $0xFFFFFFF0  }
0x16a: {  	v3 =	vld [tilespmem:$0x16C10];
	_ =	sdelay $0x4  }
0x16b: {  	(v2sf) =	vpush v3, $0x0;
	_ =	sdelay $0xe  }
0x16c: {  	s23 =	spop (v2sf)  }
0x16d: {  	s5 =	simm.s32 $0x0;
	s9 =	simm.s32 $0x3F;
	p2 =	sgt.s32 s23, $0x1  }
.LBB2_12:
0x16e: {  	s9 =	sadd.s32 $0xFFFFFFFF, s9;
	s5 =	simm.s32 @p2 $0x1  }
0x16f: {  	p2 =	sne.s32 s5, $0x0;
	p1 =	sne.s32 s9, $0x0  }
0x170: {  	s18 =	simm.s32 @!p2 $0x0;
	s20 =	simm.s32 @!p2 $0x16C10;
	s21 =	simm.s32 @!p2 $0x11  }
0x171: {  	[tilespmem:s20], [sflag:$0x11] =	stream.linear.gather @!p2 [hbm4b:s12+s18], $0x10, $0x38;
	[tilespmem:$0x16C20] =	vst v63  }
0x172: {  	_ =	swait.ge @!p2 [sflag:s21], $0x10  }
0x173: {  	[sflag:s21] =	ssyncset.done @!p2 $0x0  }
0x174: {  	[sflag:s21] =	ssyncadd.s32 @!p2 $0xFFFFFFF0  }
0x175: {  	v3 =	vld [tilespmem:$0x16C10];
	_ =	sdelay $0x4  }
0x176: {  	(v2sf) =	vpush v3, $0x0;
	_ =	sdelay $0xb  }
.Ltmp5:
0x177: {  	(pc) =	sbr.rel @p1 .LBB2_12-.Ltmp5, $3  }
0x178: {  	_ =	sdelay $0x1  }
0x179: {  	s18 =	spop (v2sf)  }
0x17a: {  	p2 =	sgt.s32 s18, $0x1  }
0x17b: {  	[bflag:$0x0] =	sbarrier.arrive $0xFFFF  }
0x17c: {  	s5 =	rddreg [dreg:$0x11]  }
0x17d: {  	s23 =	rddreg [dreg:$0x12];
	s4 =	sshrl.u32 s5, $0x3  }
0x17e: {  	[dreg:$0x18] =	wrdreg s4  }
0x17f: {  	[spmem:s4], [sflag:s8] =	dma.local [hbm:s23], $0x280  }
0x180: {  	_ =	swait.ge [sflag:s22], $0x280  }
0x181: {  	[sflag:s22] =	ssyncset.done $0x0  }
0x182: {  	[sflag:s22] =	ssyncadd.s32 $0xFFFFFD80  }
0x183: {  	[bflag:$0x0] =	sbarrier.arrive $0xFFFF  }
0x184: {  	s9 =	simm.s32 $0x0;
	[dreg:$0x16] =	wrdreg s8  }
.LBB2_14:
0x185: {  	s5 =	simm.s32 $0x5000  }
0x186: {  	[tilespmem:s28], [sflag:$0x1] =	stream.indirect.gather [spmem:s2], $0x10, s5, s26, $0xb8;
	[tilespmem:$0x16C20] =	vst v63  }
0x187: {  	s11 =	simm.s32 $0x5080;
	s18 =	simm.s32 $0x13400  }
0x188: {  	[tilespmem:s18], [sflag:$0x2] =	stream.indirect.gather [spmem:s2], $0x10, s11, s26, $0xb8;
	[tilespmem:$0x16C20] =	vst v63  }
0x189: {  	s20 =	simm.s32 $0x5100;
	s23 =	simm.s32 $0x13C00  }
0x18a: {  	[tilespmem:s23], [sflag:$0x3] =	stream.indirect.gather [spmem:s2], $0x10, s20, s26, $0xb8;
	[tilespmem:$0x16C20] =	vst v63  }
0x18b: {  	s21 =	simm.s32 $0x5180;
	s11 =	simm.s32 $0x14400  }
0x18c: {  	[tilespmem:s11], [sflag:$0x4] =	stream.indirect.gather [spmem:s2], $0x10, s21, s26, $0xb8;
	[tilespmem:$0x16C20] =	vst v63  }
0x18d: {  	[dreg:$0x19] =	wrdreg s9;
	s22 =	simm.s32 $0x5200;
	s9 =	simm.s32 $0x14C00  }
0x18e: {  	[tilespmem:s9], [sflag:$0x5] =	stream.indirect.gather [spmem:s2], $0x10, s22, s26, $0xb8;
	[tilespmem:$0x16C20] =	vst v63  }
0x18f: {  	s4 =	simm.s32 $0x5280;
	s8 =	simm.s32 $0x15400  }
0x190: {  	[tilespmem:s8], [sflag:$0x6] =	stream.indirect.gather [spmem:s2], $0x10, s4, s26, $0xb8;
	[tilespmem:$0x16C20] =	vst v63  }
0x191: {  	s5 =	simm.s32 $0x13400;
	s20 =	simm.s32 $0x5300;
	s4 =	simm.s32 $0x15C00  }
0x192: {  	[tilespmem:s4], [sflag:$0x7] =	stream.indirect.gather [spmem:s2], $0x10, s20, s26, $0xb8;
	[tilespmem:$0x16C20] =	vst v63  }
0x193: {  	s18 =	simm.s32 $0x0;
	s21 =	simm.s32 $0x5380;
	s22 =	simm.s32 $0x16400  }
0x194: {  	[tilespmem:s22], [sflag:$0x8] =	stream.indirect.gather [spmem:s2], $0x10, s21, s26, $0xb8;
	[tilespmem:$0x16C20] =	vst v63  }
.LBB2_15:
0x195: {  	_ =	swait.ge [sflag:s25], $0x800  }
0x196: {  	s20 =	sshra.s32 s18, $0x2;
	[sflag:s25] =	ssyncset.done $0x0  }
0x197: {  	s21 =	sadd.s32 $0x7800, s20;
	[sflag:s25] =	ssyncadd.s32 $0xFFFFF800  }
0x198: {  	[spmem:s3] =	stream.indirect.scatter.add.f32 [tilespmem:s28], [sflag:$0x9], $0x10, s21, s26, $0xb8;
	[tilespmem:$0x16C20] =	vst v63  }
0x199: {  	_ =	swait.ge [sflag:s10], $0x800  }
0x19a: {  	[sflag:s10] =	ssyncset.done $0x0  }
0x19b: {  	s21 =	sadd.s32 $0x7880, s20;
	[sflag:s10] =	ssyncadd.s32 $0xFFFFF800  }
0x19c: {  	[spmem:s3] =	stream.indirect.scatter.add.f32 [tilespmem:s5], [sflag:$0xA], $0x10, s21, s26, $0xb8;
	[tilespmem:$0x16C20] =	vst v63  }
0x19d: {  	_ =	swait.ge [sflag:s13], $0x800  }
0x19e: {  	[sflag:s13] =	ssyncset.done $0x0  }
0x19f: {  	s21 =	sadd.s32 $0x7900, s20;
	[sflag:s13] =	ssyncadd.s32 $0xFFFFF800  }
0x1a0: {  	[spmem:s3] =	stream.indirect.scatter.add.f32 [tilespmem:s23], [sflag:$0xB], $0x10, s21, s26, $0xb8;
	[tilespmem:$0x16C20] =	vst v63  }
0x1a1: {  	_ =	swait.ge [sflag:s14], $0x800  }
0x1a2: {  	[sflag:s14] =	ssyncset.done $0x0  }
0x1a3: {  	s21 =	sadd.s32 $0x7980, s20;
	[sflag:s14] =	ssyncadd.s32 $0xFFFFF800  }
0x1a4: {  	[spmem:s3] =	stream.indirect.scatter.add.f32 [tilespmem:s11], [sflag:$0xC], $0x10, s21, s26, $0xb8;
	[tilespmem:$0x16C20] =	vst v63  }
0x1a5: {  	_ =	swait.ge [sflag:s16], $0x800  }
0x1a6: {  	[sflag:s16] =	ssyncset.done $0x0  }
0x1a7: {  	s21 =	sadd.s32 $0x7A00, s20;
	[sflag:s16] =	ssyncadd.s32 $0xFFFFF800  }
0x1a8: {  	[spmem:s3] =	stream.indirect.scatter.add.f32 [tilespmem:s9], [sflag:$0xD], $0x10, s21, s26, $0xb8;
	[tilespmem:$0x16C20] =	vst v63  }
0x1a9: {  	_ =	swait.ge [sflag:s17], $0x800  }
0x1aa: {  	[sflag:s17] =	ssyncset.done $0x0  }
0x1ab: {  	s21 =	sadd.s32 $0x7A80, s20;
	[sflag:s17] =	ssyncadd.s32 $0xFFFFF800  }
0x1ac: {  	[spmem:s3] =	stream.indirect.scatter.add.f32 [tilespmem:s8], [sflag:$0xE], $0x10, s21, s26, $0xb8;
	[tilespmem:$0x16C20] =	vst v63  }
0x1ad: {  	_ =	swait.ge [sflag:s19], $0x800  }
0x1ae: {  	[sflag:s19] =	ssyncset.done $0x0  }
0x1af: {  	s21 =	sadd.s32 $0x7B00, s20;
	[sflag:s19] =	ssyncadd.s32 $0xFFFFF800  }
0x1b0: {  	[spmem:s3] =	stream.indirect.scatter.add.f32 [tilespmem:s4], [sflag:$0xF], $0x10, s21, s26, $0xb8;
	[tilespmem:$0x16C20] =	vst v63  }
0x1b1: {  	_ =	swait.ge [sflag:s15], $0x800  }
0x1b2: {  	p1 =	seq.s32 s18, $0x9000;
	[sflag:s15] =	ssyncset.done $0x0  }
.Ltmp6:
0x1b3: {  	s21 =	sadd.s32 $0x7B80, s20;
	[sflag:s15] =	ssyncadd.s32 $0xFFFFF800;
	(pc) =	sbr.rel @p1 .LBB2_17-.Ltmp6, $4  }
0x1b4: {  	[spmem:s3] =	stream.indirect.scatter.add.f32 [tilespmem:s22], [sflag:$0x10], $0x10, s21, s26, $0xb8;
	[tilespmem:$0x16C20] =	vst v63  }
0x1b5: {  	_ =	swait.ge [sflag:s29], $0x800  }
0x1b6: {  	[sflag:s29] =	ssyncset.done $0x0  }
0x1b7: {  	[sflag:s29] =	ssyncadd.s32 $0xFFFFF800  }
0x1b8: {  	s21 =	sadd.s32 $0x5400, s20  }
0x1b9: {  	[tilespmem:s28], [sflag:$0x1] =	stream.indirect.gather [spmem:s2], $0x10, s21, s26, $0xb8;
	[tilespmem:$0x16C20] =	vst v63  }
0x1ba: {  	_ =	swait.ge [sflag:s30], $0x800  }
0x1bb: {  	[sflag:s30] =	ssyncset.done $0x0  }
0x1bc: {  	s21 =	sadd.s32 $0x5480, s20;
	[sflag:s30] =	ssyncadd.s32 $0xFFFFF800  }
0x1bd: {  	[tilespmem:s5], [sflag:$0x2] =	stream.indirect.gather [spmem:s2], $0x10, s21, s26, $0xb8;
	[tilespmem:$0x16C20] =	vst v63  }
0x1be: {  	_ =	swait.ge [sflag:s31], $0x800  }
0x1bf: {  	[sflag:s31] =	ssyncset.done $0x0  }
0x1c0: {  	s21 =	sadd.s32 $0x5500, s20;
	[sflag:s31] =	ssyncadd.s32 $0xFFFFF800  }
0x1c1: {  	[tilespmem:s23], [sflag:$0x3] =	stream.indirect.gather [spmem:s2], $0x10, s21, s26, $0xb8;
	[tilespmem:$0x16C20] =	vst v63  }
0x1c2: {  	_ =	swait.ge [sflag:s1], $0x800  }
0x1c3: {  	[sflag:s1] =	ssyncset.done $0x0  }
0x1c4: {  	s21 =	sadd.s32 $0x5580, s20;
	[sflag:s1] =	ssyncadd.s32 $0xFFFFF800  }
0x1c5: {  	[tilespmem:s11], [sflag:$0x4] =	stream.indirect.gather [spmem:s2], $0x10, s21, s26, $0xb8;
	[tilespmem:$0x16C20] =	vst v63  }
0x1c6: {  	_ =	swait.ge [sflag:s24], $0x800  }
0x1c7: {  	[sflag:s24] =	ssyncset.done $0x0  }
0x1c8: {  	s21 =	sadd.s32 $0x5600, s20;
	[sflag:s24] =	ssyncadd.s32 $0xFFFFF800  }
0x1c9: {  	[tilespmem:s9], [sflag:$0x5] =	stream.indirect.gather [spmem:s2], $0x10, s21, s26, $0xb8;
	[tilespmem:$0x16C20] =	vst v63  }
0x1ca: {  	_ =	swait.ge [sflag:s0], $0x800  }
0x1cb: {  	[sflag:s0] =	ssyncset.done $0x0  }
0x1cc: {  	s21 =	sadd.s32 $0x5680, s20;
	[sflag:s0] =	ssyncadd.s32 $0xFFFFF800  }
0x1cd: {  	[tilespmem:s8], [sflag:$0x6] =	stream.indirect.gather [spmem:s2], $0x10, s21, s26, $0xb8;
	[tilespmem:$0x16C20] =	vst v63  }
0x1ce: {  	_ =	swait.ge [sflag:s6], $0x800  }
0x1cf: {  	[sflag:s6] =	ssyncset.done $0x0  }
0x1d0: {  	s21 =	sadd.s32 $0x5700, s20;
	[sflag:s6] =	ssyncadd.s32 $0xFFFFF800  }
0x1d1: {  	[tilespmem:s4], [sflag:$0x7] =	stream.indirect.gather [spmem:s2], $0x10, s21, s26, $0xb8;
	[tilespmem:$0x16C20] =	vst v63  }
.Ltmp7:
0x1d2: {  	_ = 	snop;
	(pc) =	sbr.rel .LBB2_15-.Ltmp7, $4  }
0x1d3: {  	_ =	swait.ge [sflag:s7], $0x800  }
0x1d4: {  	[sflag:s7] =	ssyncset.done $0x0  }
0x1d5: {  	s18 =	sadd.s32 $0x1000, s18;
	s21 =	sadd.s32 $0x5780, s20;
	[sflag:s7] =	ssyncadd.s32 $0xFFFFF800  }
0x1d6: {  	[tilespmem:s22], [sflag:$0x8] =	stream.indirect.gather [spmem:s2], $0x10, s21, s26, $0xb8;
	[tilespmem:$0x16C20] =	vst v63  }
.LBB2_17:
0x1d7: {  	_ =	swait.ge [sflag:s30], $0x800  }
0x1d8: {  	[sflag:s30] =	ssyncset.done $0x0  }
0x1d9: {  	[sflag:s30] =	ssyncadd.s32 $0xFFFFF800  }
0x1da: {  	_ =	swait.ge [sflag:s31], $0x800  }
0x1db: {  	[sflag:s31] =	ssyncset.done $0x0  }
0x1dc: {  	[sflag:s31] =	ssyncadd.s32 $0xFFFFF800  }
0x1dd: {  	_ =	swait.ge [sflag:s1], $0x800  }
0x1de: {  	[sflag:s1] =	ssyncset.done $0x0  }
0x1df: {  	[sflag:s1] =	ssyncadd.s32 $0xFFFFF800  }
0x1e0: {  	_ =	swait.ge [sflag:s24], $0x800  }
0x1e1: {  	[sflag:s24] =	ssyncset.done $0x0  }
0x1e2: {  	[sflag:s24] =	ssyncadd.s32 $0xFFFFF800  }
0x1e3: {  	_ =	swait.ge [sflag:s0], $0x800  }
0x1e4: {  	[sflag:s0] =	ssyncset.done $0x0  }
0x1e5: {  	[sflag:s0] =	ssyncadd.s32 $0xFFFFF800  }
0x1e6: {  	_ =	swait.ge [sflag:s6], $0x800  }
0x1e7: {  	[sflag:s6] =	ssyncset.done $0x0  }
0x1e8: {  	[sflag:s6] =	ssyncadd.s32 $0xFFFFF800  }
0x1e9: {  	_ =	swait.ge [sflag:s7], $0x800  }
0x1ea: {  	[sflag:s7] =	ssyncset.done $0x0  }
0x1eb: {  	[sflag:s7] =	ssyncadd.s32 $0xFFFFF800  }
0x1ec: {  	[bflag:$0x0] =	sbarrier.arrive $0xFFFF  }
0x1ed: {  	s5 =	rddreg [dreg:$0xa]  }
0x1ee: {  	s8 =	rddreg [dreg:$0x16]  }
0x1ef: {  	s4 =	rddreg [dreg:$0x17]  }
0x1f0: {  	[hbm:s5], [sflag:s8] =	dma.local [spmem:s4], $0x280  }
0x1f1: {  	s5 =	simm.s32 $0x11  }
0x1f2: {  	_ =	swait.ge [sflag:s5], $0x280  }
0x1f3: {  	s9 =	rddreg [dreg:$0x19]  }
0x1f4: {  	[sflag:s5] =	ssyncset.done $0x0;
	s11 =	sshll.u32 s9, $0x1  }
0x1f5: {  	[sflag:s5] =	ssyncadd.s32 $0xFFFFFD80;
	s20 =	sadd.s32 $0x3, s11  }
0x1f6: {  	[bflag:$0x0] =	sbarrier.arrive $0xFFFF;
	v3 =	vmov @!p0 s20  }
0x1f7: {  	s21 =	simm.s32 @!p0 $0x0;
	s22 =	simm.s32 @!p0 $0x16C00;
	s5 =	rddreg [dreg:$0x5];
	[tilespmem:$0x16C00] =	vst @!p0 v3  }
0x1f8: {  	[hbm4b:s5+s21] =	stream.linear.scatter @!p0 [tilespmem:s22], [sflag:$0x11], $0x10, $0x38;
	[tilespmem:$0x16C20] =	vst v63  }
0x1f9: {  	s21 =	simm.s32 @!p0 $0x11  }
0x1fa: {  	_ =	swait.ge @!p0 [sflag:s21], $0x10  }
0x1fb: {  	[sflag:s21] =	ssyncset.done @!p0 $0x0  }
0x1fc: {  	p1 =	por $0x0, $0x0;
	[sflag:s21] =	ssyncadd.s32 @!p0 $0xFFFFFFF0  }
0x1fd: {  	s23 =	simm.s32 @!p1 $0x11;
	s22 =	simm.s32 @!p1 $0x16C10;
	s21 =	simm.s32 @!p1 $0x0;
	[tilespmem:$0x16C10] =	vst v2  }
0x1fe: {  	[tilespmem:s22], [sflag:$0x11] =	stream.linear.gather @!p1 [hbm4b:s12+s21], $0x10, $0x38;
	[tilespmem:$0x16C20] =	vst v63  }
0x1ff: {  	_ =	swait.ge @!p1 [sflag:s23], $0x10  }
0x200: {  	[sflag:s23] =	ssyncset.done @!p1 $0x0  }
0x201: {  	[sflag:s23] =	ssyncadd.s32 @!p1 $0xFFFFFFF0  }
0x202: {  	v3 =	vld [tilespmem:$0x16C10];
	_ =	sdelay $0x4  }
0x203: {  	(v2sf) =	vpush v3, $0x0;
	_ =	sdelay $0xe  }
0x204: {  	s18 =	spop (v2sf)  }
0x205: {  	s21 =	simm.s32 $0x0;
	s22 =	simm.s32 $0x3F;
	p2 =	slt.s32 s18, s20  }
.LBB2_18:
0x206: {  	s22 =	sadd.s32 $0xFFFFFFFF, s22;
	s21 =	simm.s32 @!p2 $0x1  }
0x207: {  	p2 =	sne.s32 s21, $0x0;
	p1 =	sne.s32 s22, $0x0  }
0x208: {  	s23 =	simm.s32 @!p2 $0x0;
	s5 =	simm.s32 @!p2 $0x16C10;
	s18 =	simm.s32 @!p2 $0x11  }
0x209: {  	[tilespmem:s5], [sflag:$0x11] =	stream.linear.gather @!p2 [hbm4b:s12+s23], $0x10, $0x38;
	[tilespmem:$0x16C20] =	vst v63  }
0x20a: {  	_ =	swait.ge @!p2 [sflag:s18], $0x10  }
0x20b: {  	[sflag:s18] =	ssyncset.done @!p2 $0x0  }
0x20c: {  	[sflag:s18] =	ssyncadd.s32 @!p2 $0xFFFFFFF0  }
0x20d: {  	v3 =	vld [tilespmem:$0x16C10];
	_ =	sdelay $0x4  }
0x20e: {  	(v2sf) =	vpush v3, $0x0;
	_ =	sdelay $0xb  }
.Ltmp8:
0x20f: {  	(pc) =	sbr.rel @p1 .LBB2_18-.Ltmp8, $3  }
0x210: {  	_ =	sdelay $0x1  }
0x211: {  	s5 =	spop (v2sf)  }
0x212: {  	p2 =	slt.s32 s5, s20  }
0x213: {  	[bflag:$0x0] =	sbarrier.arrive $0xFFFF  }
0x214: {  	s18 =	simm.s32 $0xDC00;
	s23 =	simm.s32 $0x11;
	s5 =	rddreg [dreg:$0xc]  }
0x215: {  	[tilespmem:s18], [sflag:$0x11] =	stream.linear.gather [spmem:s5], $0x1400, $0x38;
	[tilespmem:$0x16C20] =	vst v63  }
0x216: {  	_ =	swait.ge [sflag:s23], $0x1400  }
0x217: {  	s21 =	simm.s32 $0x0;
	[sflag:s23] =	ssyncset.done $0x0  }
0x218: {  	s20 =	simm.s32 $0xF000;
	s22 =	rddreg [dreg:$0xd];
	[sflag:s23] =	ssyncadd.s32 $0xFFFFEC00  }
0x219: {  	[tilespmem:s20], [sflag:$0x11] =	stream.linear.gather [hbm4b:s22+s21], $0x1400, $0x38;
	[tilespmem:$0x16C20] =	vst v63  }
0x21a: {  	_ =	swait.ge [sflag:s23], $0x1400  }
0x21b: {  	[sflag:s23] =	ssyncset.done $0x0  }
0x21c: {  	s20 =	simm.s32 $0x0;
	[sflag:s23] =	ssyncadd.s32 $0xFFFFEC00  }
0x21d: {  	v3 =	vld [tilespmem:s20+$0xDC00]  }
0x21e: {  	v4 =	vld [tilespmem:s20+$0xF000];
	_ =	sdelay $0x1  }
0x21f: {  	v5 =	vld [tilespmem:s20+$0xA000];
	_ =	sdelay $0x1  }
0x220: {  	v6 =	vld [tilespmem:s20+$0xB400]  }
0x221: {  	v3 =	vadd.f32 v4, v3  }
0x222: {  	v4 =	vld [tilespmem:s20+$0xC800]  }
0x223: {  	v3 =	vadd.f32 v5, v3;
	_ =	sdelay $0x1  }
0x224: {  	v5 =	vmul.f32 v3, v6  }
0x225: {  	s22 =	simm.s32 $0x10  }
0x226: {  	s4 =	simm.s32 $0x0;
	s21 =	simm.s32 $0x80;
	v3 =	vld [tilespmem:s22+$0xDC00];
	v4 =	vadd.f32 v5, v4  }
.LBB2_20:
0x227: {  	p1 =	sne.s32 s21, $0x4FC0;
	v5 =	vld [tilespmem:s22+$0xF000]  }
0x228: {  	[tilespmem:s20+$0xA000] =	vst v4;
	s20 =	smov.u32 s22  }
0x229: {  	v4 =	vld [tilespmem:s20+$0xA000];
	_ =	sdelay $0x1  }
0x22a: {  	v6 =	vld [tilespmem:s20+$0xB400]  }
0x22b: {  	v3 =	vadd.f32 v5, v3  }
0x22c: {  	v5 =	vld [tilespmem:s20+$0xC800]  }
.Ltmp9:
0x22d: {  	v3 =	vadd.f32 v4, v3;
	(pc) =	sbr.rel @p1 .LBB2_20-.Ltmp9, $4  }
0x22e: {  	_ = 	snop  }
0x22f: {  	v4 =	vmul.f32 v3, v6  }
0x230: {  	s22 =	sshra.s32 s21, $0x2  }
0x231: {  	s21 =	sadd.s32 $0x40, s21;
	v3 =	vld [tilespmem:s22+$0xDC00];
	v4 =	vadd.f32 v4, v5  }
0x232: {  	v5 =	vld [tilespmem:s22+$0xF000]  }
0x233: {  	[tilespmem:s20+$0xA000] =	vst v4  }
0x234: {  	v4 =	vld [tilespmem:s22+$0xA000];
	_ =	sdelay $0x1  }
0x235: {  	v6 =	vld [tilespmem:s22+$0xB400]  }
0x236: {  	v3 =	vadd.f32 v5, v3  }
0x237: {  	v63 =	vld [tilespmem:s22+$0xC800]  }
0x238: {  	v3 =	vadd.f32 v4, v3;
	_ =	sdelay $0x1  }
0x239: {  	v3 =	vmul.f32 v3, v6;
	_ =	sdelay $0x1  }
0x23a: {  	v3 =	vadd.f32 v3, v63;
	_ =	sdelay $0x1  }
0x23b: {  	[tilespmem:s22+$0xA000] =	vst v3  }
0x23c: {  	[bflag:$0x0] =	sbarrier.arrive $0xFFFF  }
0x23d: {  	s18 =	simm.s32 $0x10400;
	s5 =	rddreg [dreg:$0x9]  }
0x23e: {  	[spmem:s5] =	stream.linear.scatter [tilespmem:s18], [sflag:$0x11], $0x2800, $0x38;
	[tilespmem:$0x16C20] =	vst v63  }
0x23f: {  	_ =	swait.ge [sflag:s23], $0x2800  }
0x240: {  	[sflag:s23] =	ssyncset.done $0x0  }
0x241: {  	s21 =	simm.s32 $0xA000;
	s20 =	rddreg [dreg:$0xf];
	[sflag:s23] =	ssyncadd.s32 $0xFFFFD800  }
0x242: {  	[spmem:s20] =	stream.linear.scatter [tilespmem:s21], [sflag:$0x11], $0x1400, $0x38;
	[tilespmem:$0x16C20] =	vst v63  }
0x243: {  	_ =	swait.ge [sflag:s23], $0x1400  }
0x244: {  	[sflag:s23] =	ssyncset.done $0x0  }
0x245: {  	s22 =	rddreg [dreg:$0x10];
	[sflag:s23] =	ssyncadd.s32 $0xFFFFEC00  }
0x246: {  	[hbm4b:s22+s4] =	stream.linear.scatter [tilespmem:s21], [sflag:$0x11], $0x1400, $0x38;
	[tilespmem:$0x16C20] =	vst v63  }
0x247: {  	_ =	swait.ge [sflag:s23], $0x1400  }
0x248: {  	[sflag:s23] =	ssyncset.done $0x0  }
0x249: {  	s18 =	sadd.s32 $0x4, s11;
	[sflag:s23] =	ssyncadd.s32 $0xFFFFEC00  }
0x24a: {  	v3 =	vmov @!p0 s18;
	[bflag:$0x0] =	sbarrier.arrive $0xFFFF  }
0x24b: {  	s5 =	simm.s32 @!p0 $0x0;
	s20 =	simm.s32 @!p0 $0x16C00;
	[tilespmem:$0x16C00] =	vst @!p0 v3;
	s21 =	rddreg [dreg:$0x5]  }
0x24c: {  	[hbm4b:s21+s5] =	stream.linear.scatter @!p0 [tilespmem:s20], [sflag:$0x11], $0x10, $0x38;
	[tilespmem:$0x16C20] =	vst v63  }
0x24d: {  	s5 =	simm.s32 @!p0 $0x11  }
0x24e: {  	_ =	swait.ge @!p0 [sflag:s5], $0x10  }
0x24f: {  	[sflag:s5] =	ssyncset.done @!p0 $0x0  }
0x250: {  	p1 =	por $0x0, $0x0;
	[sflag:s5] =	ssyncadd.s32 @!p0 $0xFFFFFFF0  }
0x251: {  	s20 =	simm.s32 @!p1 $0x16C10;
	s21 =	simm.s32 @!p1 $0x11;
	s5 =	simm.s32 @!p1 $0x0;
	[tilespmem:$0x16C10] =	vst v2  }
0x252: {  	[tilespmem:s20], [sflag:$0x11] =	stream.linear.gather @!p1 [hbm4b:s12+s5], $0x10, $0x38;
	[tilespmem:$0x16C20] =	vst v63  }
0x253: {  	_ =	swait.ge @!p1 [sflag:s21], $0x10  }
0x254: {  	[sflag:s21] =	ssyncset.done @!p1 $0x0  }
0x255: {  	[sflag:s21] =	ssyncadd.s32 @!p1 $0xFFFFFFF0  }
0x256: {  	v3 =	vld [tilespmem:$0x16C10];
	_ =	sdelay $0x4  }
0x257: {  	(v2sf) =	vpush v3, $0x0;
	_ =	sdelay $0xe  }
0x258: {  	s23 =	spop (v2sf)  }
0x259: {  	s20 =	simm.s32 $0x0;
	s21 =	simm.s32 $0x3F;
	p2 =	slt.s32 s23, s18  }
.LBB2_22:
0x25a: {  	s21 =	sadd.s32 $0xFFFFFFFF, s21;
	s20 =	simm.s32 @!p2 $0x1  }
0x25b: {  	p2 =	sne.s32 s20, $0x0;
	p1 =	sne.s32 s21, $0x0  }
0x25c: {  	s5 =	simm.s32 @!p2 $0x0;
	s22 =	simm.s32 @!p2 $0x16C10;
	s23 =	simm.s32 @!p2 $0x11  }
0x25d: {  	[tilespmem:s22], [sflag:$0x11] =	stream.linear.gather @!p2 [hbm4b:s12+s5], $0x10, $0x38;
	[tilespmem:$0x16C20] =	vst v63  }
0x25e: {  	_ =	swait.ge @!p2 [sflag:s23], $0x10  }
0x25f: {  	[sflag:s23] =	ssyncset.done @!p2 $0x0  }
0x260: {  	[sflag:s23] =	ssyncadd.s32 @!p2 $0xFFFFFFF0  }
0x261: {  	v3 =	vld [tilespmem:$0x16C10];
	_ =	sdelay $0x4  }
0x262: {  	(v2sf) =	vpush v3, $0x0;
	_ =	sdelay $0xb  }
.Ltmp10:
0x263: {  	(pc) =	sbr.rel @p1 .LBB2_22-.Ltmp10, $3  }
0x264: {  	_ =	sdelay $0x1  }
0x265: {  	s5 =	spop (v2sf)  }
0x266: {  	p2 =	slt.s32 s5, s18  }
0x267: {  	[bflag:$0x0] =	sbarrier.arrive $0xFFFF  }
0x268: {  	s9 =	sadd.s32 $0x1, s9;
	s5 =	rddreg [dreg:$0x12]  }
0x269: {  	s23 =	simm.s32 $0x11;
	s4 =	rddreg [dreg:$0x18];
	p1 =	sne.s32 s9, $0xA  }
0x26a: {  	[spmem:s4], [sflag:s8] =	dma.local [hbm:s5], $0x280  }
.Ltmp11:
0x26b: {  	_ =	swait.ge [sflag:s23], $0x280;
	(pc) =	sbr.rel @p1 .LBB2_14-.Ltmp11, $3  }
0x26c: {  	[sflag:s23] =	ssyncset.done $0x0  }
0x26d: {  	[sflag:s23] =	ssyncadd.s32 $0xFFFFFD80  }
0x26e: {  	[bflag:$0x0] =	sbarrier.arrive $0xFFFF;
	_ =	sdelay $0x1  }
0x26f: {  	s23 =	simm.s32 $0x0  }
0x270: {  	v3 =	vld [tilespmem:s23+$0xB400];
	_ =	sdelay $0x4  }
0x271: {  	s20 =	simm.s32 $0x10;
	v3 =	vmul.f32 $1.111111160e+00, v3  }
0x272: {  	v4 =	vld [tilespmem:s20+$0xB400]  }
0x273: {  	v7 =	vmul.f32 $5.000000000e-01, v3;
	v3 =	vshrl.u32 v3, $0x1  }
0x274: {  	v3 =	vsub.s32 $0x5F3759DF, v3  }
0x275: {  	v5 =	vmul.f32 v3, v7;
	_ =	sdelay $0x1  }
0x276: {  	v4 =	vmul.f32 $1.111111160e+00, v4;
	v5 =	vmul.f32 v3, v5  }
0x277: {  	s5 =	simm.s32 $0x20  }
0x278: {  	v8 =	vld [tilespmem:s5+$0xB400];
	v6 =	vmul.f32 $5.000000000e-01, v4;
	v4 =	vshrl.u32 v4, $0x1;
	v5 =	vsub.f32 $1.500000000e+00, v5  }
0x279: {  	v9 =	vsub.s32 $0x5F3759DF, v4  }
0x27a: {  	v4 =	vmul.f32 v9, v6;
	v3 =	vmul.f32 v3, v5;
	_ =	sdelay $0x1  }
0x27b: {  	v4 =	vmul.f32 v9, v4;
	v5 =	vmul.f32 v3, v7  }
0x27c: {  	s18 =	simm.s32 $0x30;
	v8 =	vmul.f32 $1.111111160e+00, v8  }
0x27d: {  	v10 =	vld [tilespmem:s18+$0xB400];
	v11 =	vsub.f32 $1.500000000e+00, v4;
	v5 =	vmul.f32 v5, v3  }
0x27e: {  	v4 =	vmul.f32 $5.000000000e-01, v8;
	v8 =	vshrl.u32 v8, $0x1  }
0x27f: {  	v8 =	vsub.s32 $0x5F3759DF, v8;
	v9 =	vmul.f32 v9, v11;
	v5 =	vsub.f32 $1.500000000e+00, v5  }
0x280: {  	v11 =	vmul.f32 v8, v4  }
0x281: {  	v5 =	vmul.f32 v5, v3;
	v3 =	vmul.f32 v9, v6  }
0x282: {  	v10 =	vmul.f32 $1.111111160e+00, v10;
	v11 =	vmul.f32 v8, v11  }
0x283: {  	s9 =	simm.s32 $0x40;
	v12 =	vmul.f32 v3, v9;
	v13 =	vmul.f32 v5, v7  }
0x284: {  	v14 =	vld [tilespmem:s9+$0xB400];
	v11 =	vsub.f32 $1.500000000e+00, v11;
	v3 =	vmul.f32 $5.000000000e-01, v10;
	v10 =	vshrl.u32 v10, $0x1  }
0x285: {  	v10 =	vsub.s32 $0x5F3759DF, v10;
	v12 =	vsub.f32 $1.500000000e+00, v12;
	v13 =	vmul.f32 v13, v5  }
0x286: {  	v16 =	vmul.f32 v8, v11;
	v11 =	vmul.f32 v10, v3  }
0x287: {  	s21 =	simm.s32 $0x50;
	v8 =	vmul.f32 v12, v9;
	v9 =	vsub.f32 $1.500000000e+00, v13  }
0x288: {  	v12 =	vmul.f32 v16, v4;
	v13 =	vld [tilespmem:s21+$0xB400];
	v15 =	vmul.f32 v10, v11  }
0x289: {  	v14 =	vmul.f32 $1.111111160e+00, v14;
	v11 =	vmul.f32 v9, v5  }
0x28a: {  	v9 =	vmul.f32 v12, v16;
	v12 =	vsub.f32 $1.500000000e+00, v15;
	v15 =	vmul.f32 v8, v6  }
0x28b: {  	v5 =	vmul.f32 $5.000000000e-01, v14;
	v14 =	vshrl.u32 v14, $0x1;
	v17 =	vmul.f32 v11, v7  }
0x28c: {  	v18 =	vsub.f32 $1.500000000e+00, v9;
	v7 =	vmul.f32 v10, v12;
	v19 =	vmul.f32 v15, v8  }
0x28d: {  	v9 =	vsub.s32 $0x5F3759DF, v14;
	v10 =	vmul.f32 $1.111111160e+00, v13;
	v14 =	vmul.f32 v17, v11  }
0x28e: {  	s22 =	simm.s32 $0x180;
	v15 =	vmul.f32 v9, v5;
	v13 =	vld [tilespmem:s23+$0xA000];
	v12 =	vmul.f32 v18, v16;
	v16 =	vsub.f32 $1.500000000e+00, v19  }
.LBB2_25:
0x28f: {  	s11 =	sshra.s32 s22, $0x2;
	p1 =	sne.s32 s22, $0x4FC0;
	s22 =	sadd.s32 $0x40, s22;
	v17 =	vmul.f32 $5.000000000e-01, v10;
	v18 =	vmul.f32 v7, v3;
	v14 =	vsub.f32 $1.500000000e+00, v14  }
0x290: {  	v19 =	vld [tilespmem:s11+$0xB400];
	v15 =	vmul.f32 v9, v15;
	v16 =	vmul.f32 v16, v8;
	v8 =	vmov v12  }
0x291: {  	v12 =	vmul.f32 v18, v7;
	v21 =	vmul.f32 v14, v11  }
.Ltmp12:
0x292: {  	v14 =	vsub.f32 $1.500000000e+00, v15;
	v15 =	vmul.f32 v8, v4;
	v18 =	vmul.f32 v16, v6;
	v6 =	vmovc v4;
	v4 =	vmovc v3;
	(pc) =	sbr.rel @p1 .LBB2_25-.Ltmp12, $4  }
0x293: {  	v10 =	vshrl.u32 v10, $0x1;
	v3 =	vmovc v5;
	v5 =	vmovc v17;
	v12 =	vsub.f32 $1.500000000e+00, v12;
	v13 =	vmul.f32 v21, v13  }
0x294: {  	v11 =	vmovc v16;
	v17 =	vmul.f32 v9, v14;
	v9 =	vsub.s32 $0x5F3759DF, v10;
	v20 =	vmul.f32 v15, v8  }
0x295: {  	v14 =	vmul.f32 v18, v11;
	v10 =	vmul.f32 $1.111111160e+00, v19;
	[tilespmem:s23+$0xDC00] =	vst v13;
	s23 =	smov.u32 s20;
	s20 =	smov.u32 s5;
	s5 =	smov.u32 s18  }
0x296: {  	v15 =	vmul.f32 v9, v5;
	v12 =	vmul.f32 v12, v7;
	s18 =	smov.u32 s9;
	s9 =	smov.u32 s21;
	s21 =	smov.u32 s11;
	v16 =	vsub.f32 $1.500000000e+00, v20;
	v13 =	vld [tilespmem:s23+$0xA000];
	v7 =	vmovc v17  }
0x297: {  	v14 =	vsub.f32 $1.500000000e+00, v14  }
0x298: {  	v17 =	vmul.f32 v7, v3  }
0x299: {  	v8 =	vmul.f32 v16, v8;
	v11 =	vmul.f32 v14, v11  }
0x29a: {  	v40 =	vmul.f32 $5.000000000e-01, v10;
	v37 =	vmul.f32 v12, v4  }
0x29b: {  	v6 =	vmul.f32 v8, v6;
	v11 =	vmul.f32 v11, v13  }
0x29c: {  	v36 =	vmul.f32 v9, v15;
	v38 =	vmul.f32 v17, v7  }
0x29d: {  	v39 =	vshrl.u32 v10, $0x1;
	v15 =	vmul.f32 v37, v12;
	v6 =	vmul.f32 v6, v8;
	[tilespmem:s23+$0xDC00] =	vst v11  }
0x29e: {  	v42 =	vsub.s32 $0x5F3759DF, v39;
	v14 =	vsub.f32 $1.500000000e+00, v36;
	v41 =	vsub.f32 $1.500000000e+00, v38;
	v43 =	vld [tilespmem:s20+$0xA000]  }
0x29f: {  	v46 =	vmul.f32 v42, v40;
	v45 =	vsub.f32 $1.500000000e+00, v15;
	v6 =	vsub.f32 $1.500000000e+00, v6  }
0x2a0: {  	v44 =	vmul.f32 v9, v14;
	v47 =	vmul.f32 v41, v7  }
0x2a1: {  	v48 =	vmul.f32 v45, v12;
	v6 =	vmul.f32 v6, v8  }
0x2a2: {  	v49 =	vmul.f32 v44, v5;
	v50 =	vmul.f32 v47, v3  }
0x2a3: {  	v51 =	vmul.f32 v48, v4;
	v6 =	vmul.f32 v6, v43  }
0x2a4: {  	v52 =	vmul.f32 v42, v46;
	v8 =	vmul.f32 v49, v44  }
0x2a5: {  	v12 =	vmul.f32 v50, v47;
	v4 =	vmul.f32 v51, v48;
	[tilespmem:s20+$0xDC00] =	vst v6  }
0x2a6: {  	v53 =	vsub.f32 $1.500000000e+00, v52;
	v8 =	vsub.f32 $1.500000000e+00, v8;
	v54 =	vld [tilespmem:s5+$0xA000]  }
0x2a7: {  	v12 =	vsub.f32 $1.500000000e+00, v12;
	v4 =	vsub.f32 $1.500000000e+00, v4  }
0x2a8: {  	v8 =	vmul.f32 v8, v44;
	v6 =	vmul.f32 v42, v53  }
0x2a9: {  	v7 =	vmul.f32 v12, v47;
	v4 =	vmul.f32 v4, v48  }
0x2aa: {  	v56 =	vmul.f32 v8, v5;
	v55 =	vmul.f32 v6, v40  }
0x2ab: {  	v3 =	vmul.f32 v7, v3;
	v4 =	vmul.f32 v4, v54  }
0x2ac: {  	v11 =	vmul.f32 v56, v8  }
0x2ad: {  	v9 =	vmul.f32 v55, v6;
	v3 =	vmul.f32 v3, v7;
	[tilespmem:s5+$0xDC00] =	vst v4  }
0x2ae: {  	v11 =	vsub.f32 $1.500000000e+00, v11;
	v58 =	vld [tilespmem:s18+$0xA000]  }
0x2af: {  	v57 =	vsub.f32 $1.500000000e+00, v9;
	v3 =	vsub.f32 $1.500000000e+00, v3  }
0x2b0: {  	v59 =	vmul.f32 v11, v8  }
0x2b1: {  	v4 =	vmul.f32 v57, v6;
	v3 =	vmul.f32 v3, v7  }
0x2b2: {  	v61 =	vmul.f32 v59, v5  }
0x2b3: {  	v60 =	vmul.f32 v4, v40;
	v3 =	vmul.f32 v3, v58;
	_ =	sdelay $0x1  }
0x2b4: {  	v5 =	vmul.f32 v61, v59;
	v7 =	vmul.f32 v60, v4;
	[tilespmem:s18+$0xDC00] =	vst v3  }
0x2b5: {  	v3 =	vld [tilespmem:s9+$0xA000]  }
0x2b6: {  	v5 =	vsub.f32 $1.500000000e+00, v5;
	v7 =	vsub.f32 $1.500000000e+00, v7;
	_ =	sdelay $0x1  }
0x2b7: {  	v5 =	vmul.f32 v5, v59;
	v4 =	vmul.f32 v7, v4;
	_ =	sdelay $0x1  }
0x2b8: {  	v62 =	vmul.f32 v4, v40;
	v3 =	vmul.f32 v5, v3;
	_ =	sdelay $0x1  }
0x2b9: {  	v63 =	vmul.f32 v62, v4;
	[tilespmem:s9+$0xDC00] =	vst v3  }
0x2ba: {  	v3 =	vld [tilespmem:s21+$0xA000]  }
0x2bb: {  	v5 =	vsub.f32 $1.500000000e+00, v63;
	_ =	sdelay $0x1  }
0x2bc: {  	v4 =	vmul.f32 v5, v4;
	_ =	sdelay $0x1  }
0x2bd: {  	v3 =	vmul.f32 v4, v3;
	_ =	sdelay $0x1  }
0x2be: {  	s11 =	simm.s32 $0x0;
	s22 =	simm.s32 $0xDC00;
	[tilespmem:s21+$0xDC00] =	vst v3;
	s21 =	rddreg [dreg:$0x13]  }
0x2bf: {  	[hbm4b:s21+s11] =	stream.linear.scatter [tilespmem:s22], [sflag:$0x11], $0x1400, $0x38;
	[tilespmem:$0x16C20] =	vst v63  }
0x2c0: {  	s22 =	simm.s32 $0x11  }
0x2c1: {  	_ =	swait.ge [sflag:s22], $0x1400  }
0x2c2: {  	s4 =	rddreg [dreg:$0x15]  }
0x2c3: {  	s23 =	rddreg [dreg:$0x14];
	s4 =	sadd.s32 $0x1, s4  }
0x2c4: {  	p1 =	sne.s32 s4, s23  }
.Ltmp13:
0x2c5: {  	_ = 	snop;
	(pc) =	sbr.rel @p1 .LBB2_1-.Ltmp13, $3  }
0x2c6: {  	_ =	sdelay $0x1  }
0x2c7: {  	[sflag:s22] =	ssyncset.done $0x0  }
0x2c8: {  	[sflag:s22] =	ssyncadd.s32 $0xFFFFEC00  }
0x2c9: {  	_ =	sfence.sel $0x180000  }
0x2ca: {  	[bflag:$0x0] =	sbarrier.arrive $0xFFFF  }
0x2cb: {  	_ =	strace $0x90000047  }
0x2cc: {  	[bflag:$0x2] =	sbarrier.arrive $0xFFFF  }
0x2cd: {  	s0 =	rddreg [dreg:$0x4]  }
0x2ce: {  	s0 =	sadd.s32 @!p0 $0x100000, s0  }
0x2cf: {  	[sflag:s0] =	ssyncadd.tile.s32 @!p0 $0x1;
	_ =	shalt  }
.Lfunc_end2:
_tile_overlayer_lowered:
.L_overlay_start_2:
0x2d0: {  	(tag) =	ssettag $0x2  }
0x2d1: {  	s0 =	rddreg [dreg:$0x0];
	s2 =	stileid.u32  }
0x2d2: {  	s1 =	rddreg [dreg:$0x1];
	p0 =	sne.s32 s2, $0x0  }
0x2d3: {  	s3 =	rddreg [dreg:$0x2];
	[bflag:$0x3] =	sbarrier.arrive $0xFFFF;
	s2 =	simm.s32 @!p0 $0x1C11  }
0x2d4: {  	[timem:s3], [sflag:s2] =	dma.local @!p0 [hbm:s0], s1  }
0x2d5: {  	s0 =	simm.s32 @!p0 $0x11  }
0x2d6: {  	_ =	swait.ge @!p0 [sflag:s0], s1  }
0x2d7: {  	s1 =	ssub.s32 @!p0 $0x0, s1;
	[sflag:s0] =	ssyncset.done @!p0 $0x0  }
0x2d8: {  	[sflag:s0] =	ssyncadd.s32 @!p0 s1  }
0x2d9: {  	[bflag:$0x3] =	sbarrier.arrive $0xFFFF  }
0x2da: {  	_ =	shalt  }

</sc_bundles>
